<compile_context>
chip_gen: v7x
topology: tpu7x:2x2x1
jax: 0.10.2.dev20260603
libtpu: 0.0.44.dev20260713+nightly
codegen_flags: <defaults>
</compile_context>

<pallas_src>
import functools

import jax
import jax.numpy as jnp
from jax import lax
from jax.experimental import pallas as pl
from jax.experimental.pallas import tpu as pltpu
from jax.experimental.pallas import tpu_sc as plsc

T, D, FF, E, K = 4096, 1024, 4096, 8, 2
PAIRS = T * K
RB = 256
NRB = T // RB
TM2 = 128
R = PAIRS + E * TM2
NT = R // TM2
FC = 1024
NFC = FF // FC
NW = 32
CW = R // NW
CP = PAIRS // NW
TMA = 512


def _router_meta_body(x_ref, wg_ref, logits_ref, pos0_ref, wp0_ref, pos1_ref,
                      wp1_ref, gid_ref, cnt_ref, nxt_ref, idx1_ref, idx2_ref,
                      wa_ref):
    g = pl.program_id(0)
    eio = lax.broadcasted_iota(jnp.int32, (RB, E), 1)

    @pl.when(g == 0)
    def _():
        cnt_ref[...] = jnp.zeros_like(cnt_ref)

    @pl.when(g < NRB)
    def _():
        x = x_ref[...]
        logits = jnp.dot(x, wg_ref[...], preferred_element_type=jnp.float32)
        logits_ref[...] = logits
        m1 = jnp.max(logits, axis=1, keepdims=True)
        idx1 = jnp.min(jnp.where(logits == m1, eio, E), axis=1, keepdims=True)
        masked = jnp.where(eio == idx1, -1e30, logits)
        m2 = jnp.max(masked, axis=1, keepdims=True)
        idx2 = jnp.min(jnp.where(masked == m2, eio, E), axis=1, keepdims=True)
        wa = 1.0 / (1.0 + jnp.exp(m2 - m1))
        sl = pl.ds(g * RB, RB)
        idx1_ref[sl] = idx1
        idx2_ref[sl] = idx2
        wa_ref[sl] = wa
        oh = (eio == idx1).astype(jnp.float32) + (eio == idx2).astype(jnp.float32)
        cnt_ref[...] += jnp.sum(oh, axis=0, keepdims=True)
        pos0_ref[...] = jnp.zeros((RB, 1), jnp.int32)
        wp0_ref[...] = jnp.zeros((RB, 1), jnp.float32)
        pos1_ref[...] = jnp.zeros((RB, 1), jnp.int32)
        wp1_ref[...] = jnp.zeros((RB, 1), jnp.float32)

    @pl.when(g == NRB)
    def _():
        cnt = cnt_ref[...]
        pads = jnp.floor((cnt + (TM2 - 1)) * (1.0 / TM2)) * TM2
        rio8 = lax.broadcasted_iota(jnp.int32, (E, E), 0)
        cio8 = lax.broadcasted_iota(jnp.int32, (E, E), 1)
        mlt = (rio8 < cio8).astype(jnp.float32)
        excl = jnp.dot(pads, mlt, preferred_element_type=jnp.float32)
        nxt_ref[...] = excl
        tio = lax.broadcasted_iota(jnp.int32, (1, 128), 1).astype(jnp.float32) * TM2
        gid = jnp.zeros((1, 128), jnp.float32)
        for e in range(1, E):
            gid += (tio >= excl[0:1, e:e + 1]).astype(jnp.float32)
        gid_ref[...] = gid.astype(jnp.int32)

    @pl.when(g >= NRB)
    def _():
        j = g - NRB
        sl = pl.ds(j * RB, RB)
        idx1 = idx1_ref[sl]
        idx2 = idx2_ref[sl]
        wa = wa_ref[sl]
        rio = lax.broadcasted_iota(jnp.int32, (RB, RB), 0)
        cio = lax.broadcasted_iota(jnp.int32, (RB, RB), 1)
        lstrict = (cio < rio).astype(jnp.float32)
        nxt = nxt_ref[...]
        oh0 = (eio == idx1).astype(jnp.float32)
        csum0 = jnp.dot(lstrict, oh0, preferred_element_type=jnp.float32)
        rank0 = jnp.sum(csum0 * oh0, axis=1, keepdims=True)
        base0 = jnp.sum(nxt * oh0, axis=1, keepdims=True)
        pos0_ref[...] = (rank0 + base0).astype(jnp.int32)
        wp0_ref[...] = wa
        nxt = nxt + jnp.sum(oh0, axis=0, keepdims=True)
        oh1 = (eio == idx2).astype(jnp.float32)
        csum1 = jnp.dot(lstrict, oh1, preferred_element_type=jnp.float32)
        rank1 = jnp.sum(csum1 * oh1, axis=1, keepdims=True)
        base1 = jnp.sum(nxt * oh1, axis=1, keepdims=True)
        pos1_ref[...] = (rank1 + base1).astype(jnp.int32)
        wp1_ref[...] = 1.0 - wa
        nxt_ref[...] = nxt + jnp.sum(oh1, axis=0, keepdims=True)


def _scatter_body(pos_hbm, wp_hbm, tok_hbm, zi_hbm, zf_hbm,
                  tokrow_hbm, wrow_hbm,
                  pos_v, wp_v, tok_v, dtok_v, dw_v):
    c = lax.axis_index("c")
    s = lax.axis_index("s")
    wid = s * 2 + c

    @pl.when(wid == 0)
    def _():
        pltpu.sync_copy(pos_hbm, pos_v)
        pltpu.sync_copy(wp_hbm, wp_v)
        pltpu.sync_copy(tok_hbm, tok_v)
        pltpu.sync_copy(zi_hbm, dtok_v)
        pltpu.sync_copy(zf_hbm, dw_v)

        def sbody(i, carry):
            sl = pl.ds(i * 16, 16)
            idx = pos_v[sl]
            plsc.store_scatter(dtok_v, [idx], tok_v[sl])
            plsc.store_scatter(dw_v, [idx], wp_v[sl])
            return carry

        lax.fori_loop(0, PAIRS // 16, sbody, 0)
        pltpu.sync_copy(dtok_v, tokrow_hbm)
        pltpu.sync_copy(dw_v, wrow_hbm)


NBUF = 3


def _gather_body(rows_w, x_hbm, tok_hbm, xs_hbm, idx_v, buf_v,
                 semg0, semg1, semg2, semo0, semo1, semo2):
    c = lax.axis_index("c")
    s = lax.axis_index("s")
    wid = s * 2 + c
    base = wid * rows_w
    pltpu.sync_copy(tok_hbm.at[pl.ds(base, rows_w)], idx_v)
    semg = (semg0, semg1, semg2)
    semo = (semo0, semo1, semo2)
    nch = rows_w // 32
    gds = [None] * NBUF
    ods = [None] * NBUF
    for ch in range(nch):
        b = ch % NBUF
        if ods[b] is not None:
            ods[b].wait()
        gds[b] = pltpu.async_copy(
            x_hbm.at[idx_v.at[pl.ds(ch * 32, 32)]], buf_v.at[b], semg[b])
        old = ch - (NBUF - 1)
        if old >= 0:
            ob = old % NBUF
            gds[ob].wait()
            ods[ob] = pltpu.async_copy(
                buf_v.at[ob], xs_hbm.at[pl.ds(base + old * 32, 32)], semo[ob])
    for old in range(max(0, nch - (NBUF - 1)), nch):
        ob = old % NBUF
        gds[ob].wait()
        ods[ob] = pltpu.async_copy(
            buf_v.at[ob], xs_hbm.at[pl.ds(base + old * 32, 32)], semo[ob])
    for b in range(NBUF):
        if ods[b] is not None:
            ods[b].wait()


def _gmm_body(gid_ref, xs_ref, w1_ref, w3_ref, w2_ref, wrow_ref, out_ref,
              acc_ref, sem):
    fc = pl.program_id(0)
    t = pl.program_id(1)
    x = xs_ref[...]
    h = jnp.dot(x, w1_ref[0], preferred_element_type=jnp.float32)
    h = h / (1.0 + jnp.exp(-h))
    h = h * jnp.dot(x, w3_ref[0], preferred_element_type=jnp.float32)
    part = jnp.dot(h, w2_ref[0], preferred_element_type=jnp.float32)

    @pl.when(fc == 0)
    def _():
        acc_ref[t] = part

    @pl.when(fc > 0)
    def _():
        acc_ref[t] += part

    @pl.when(fc == NFC - 1)
    def _():
        acc_ref[t] *= wrow_ref[...]
        desc = pltpu.make_async_copy(
            acc_ref.at[t], out_ref.at[pl.ds(t * TM2, TM2)], sem)
        desc.start()
        desc.wait()


def _add_body(a_ref, b_ref, o_ref):
    o_ref[...] = a_ref[...] + b_ref[...]


def _run_router(x, Wg):
    pw_spec = pl.BlockSpec((RB, 1), lambda g: (jnp.where(g < NRB, 0, g - NRB), 0))
    logits, pos0, wp0, pos1, wp1, gid = pl.pallas_call(
        _router_meta_body,
        grid=(2 * NRB,),
        in_specs=[
            pl.BlockSpec((RB, D), lambda g: (jnp.minimum(g, NRB - 1), 0)),
            pl.BlockSpec((D, E), lambda g: (0, 0)),
        ],
        out_specs=[
            pl.BlockSpec((RB, E), lambda g: (jnp.minimum(g, NRB - 1), 0)),
            pw_spec, pw_spec, pw_spec, pw_spec,
            pl.BlockSpec((1, 128), lambda g: (0, 0)),
        ],
        out_shape=[
            jax.ShapeDtypeStruct((T, E), jnp.float32),
            jax.ShapeDtypeStruct((T, 1), jnp.int32),
            jax.ShapeDtypeStruct((T, 1), jnp.float32),
            jax.ShapeDtypeStruct((T, 1), jnp.int32),
            jax.ShapeDtypeStruct((T, 1), jnp.float32),
            jax.ShapeDtypeStruct((1, 128), jnp.int32),
        ],
        scratch_shapes=[
            pltpu.VMEM((1, E), jnp.float32),
            pltpu.VMEM((1, E), jnp.float32),
            pltpu.VMEM((T, 1), jnp.int32),
            pltpu.VMEM((T, 1), jnp.int32),
            pltpu.VMEM((T, 1), jnp.float32),
        ],
    )(x, Wg)
    pos = jnp.concatenate([pos0, pos1], axis=0)
    wp = jnp.concatenate([wp0, wp1], axis=0)
    return logits, pos, wp, gid


def _run_gmm(gid, xs, W1, W3, W2, wrow):
    return pl.pallas_call(
        _gmm_body,
        grid_spec=pltpu.PrefetchScalarGridSpec(
            num_scalar_prefetch=1,
            grid=(NFC, NT),
            in_specs=[
                pl.BlockSpec((TM2, D), lambda fc, t, gid_r: (t, 0)),
                pl.BlockSpec((1, D, FC), lambda fc, t, gid_r: (gid_r[t], 0, fc)),
                pl.BlockSpec((1, D, FC), lambda fc, t, gid_r: (gid_r[t], 0, fc)),
                pl.BlockSpec((1, FC, D), lambda fc, t, gid_r: (gid_r[t], fc, 0)),
                pl.BlockSpec((TM2, 1), lambda fc, t, gid_r: (t, 0)),
            ],
            out_specs=pl.BlockSpec(memory_space=pl.ANY),
            scratch_shapes=[
                pltpu.VMEM((NT, TM2, D), jnp.float32),
                pltpu.SemaphoreType.DMA,
            ],
        ),
        out_shape=jax.ShapeDtypeStruct((R, D), jnp.float32),
        compiler_params=pltpu.CompilerParams(
            vmem_limit_bytes=100 * 1024 * 1024),
    )(gid, xs, W1, W3, W2, wrow.reshape(R, 1))


@jax.jit
def kernel(hidden_states, Wg, W1, W2, W3):
    b, s, d = hidden_states.shape
    x = hidden_states.reshape(-1, d)

    logits, pos2d, wp2d, gid2d = _run_router(x, Wg)

    pos = pos2d.reshape(PAIRS)
    wp = wp2d.reshape(PAIRS)
    gid = gid2d.reshape(128)
    tok_pair = jnp.tile(jnp.arange(T, dtype=jnp.int32), K)
    zi = jnp.zeros((R,), jnp.int32)
    zf = jnp.zeros((R,), jnp.float32)

    mesh = plsc.VectorSubcoreMesh(core_axis_name="c", subcore_axis_name="s",
                                  num_cores=2, num_subcores=16)

    tokrow, wrow = pl.kernel(
        _scatter_body,
        out_type=[
            jax.ShapeDtypeStruct((R,), jnp.int32),
            jax.ShapeDtypeStruct((R,), jnp.float32),
        ],
        mesh=mesh,
        scratch_types=[
            pltpu.VMEM((PAIRS,), jnp.int32),
            pltpu.VMEM((PAIRS,), jnp.float32),
            pltpu.VMEM((PAIRS,), jnp.int32),
            pltpu.VMEM((R,), jnp.int32),
            pltpu.VMEM((R,), jnp.float32),
        ],
        compiler_params=pltpu.CompilerParams(needs_layout_passes=False),
    )(pos, wp, tok_pair, zi, zf)

    xs = pl.kernel(
        functools.partial(_gather_body, CW),
        out_type=jax.ShapeDtypeStruct((R, D), jnp.float32),
        mesh=mesh,
        scratch_types=[
            pltpu.VMEM((CW,), jnp.int32),
            pltpu.VMEM((NBUF, 32, D), jnp.float32),
        ] + [pltpu.SemaphoreType.DMA] * (2 * NBUF),
    )(x, tokrow)

    ysw = _run_gmm(gid, xs, W1, W3, W2, wrow)

    yg = pl.kernel(
        functools.partial(_gather_body, CP),
        out_type=jax.ShapeDtypeStruct((PAIRS, D), jnp.float32),
        mesh=mesh,
        scratch_types=[
            pltpu.VMEM((CP,), jnp.int32),
            pltpu.VMEM((NBUF, 32, D), jnp.float32),
        ] + [pltpu.SemaphoreType.DMA] * (2 * NBUF),
    )(ysw, pos)

    final = pl.pallas_call(
        _add_body,
        grid=(T // TMA,),
        in_specs=[
            pl.BlockSpec((TMA, D), lambda i: (i, 0)),
            pl.BlockSpec((TMA, D), lambda i: (i + T // TMA, 0)),
        ],
        out_specs=pl.BlockSpec((TMA, D), lambda i: (i, 0)),
        out_shape=jax.ShapeDtypeStruct((T, D), jnp.float32),
    )(yg, yg)

    return final.reshape(b, s, d), logits

# --- scband reference (transcript-rebuilt; emitter-appended) ---
"""Pipeline reference for scband-merged-mixtral-sparse-moe-block-85117661872396 (READ-ONLY COPY).

The authoritative reference and input builder live on the scoring server;
editing this copy changes nothing except your own understanding.
"""

import jax, jax.numpy as jnp
import numpy as np

B, S, D = 2, 2048, 1024
FF = 4096
E = 8
K = 2


def setup_inputs(seed: int = 0) -> dict:
    key = jax.random.key(seed)
    ks = jax.random.split(key, 5)
    hidden_states = jax.random.normal(ks[0], (B, S, D), dtype=jnp.float32)
    # gate: nn.Linear(hidden_dim, num_experts, bias=False); stored as [D, E] for x @ Wg
    Wg = jax.random.normal(ks[1], (D, E), dtype=jnp.float32) * 0.02
    # per-expert MixtralBlockSparseTop2MLP weights (w1=gate proj, w3=up proj, w2=down proj), bias=False
    W1 = jax.random.normal(ks[2], (E, D, FF), dtype=jnp.float32) * 0.02
    W3 = jax.random.normal(ks[3], (E, D, FF), dtype=jnp.float32) * 0.02
    W2 = jax.random.normal(ks[4], (E, FF, D), dtype=jnp.float32) * 0.02
    return {"hidden_states": hidden_states, "Wg": Wg, "W1": W1, "W2": W2, "W3": W3}


def reference(hidden_states, Wg, W1, W2, W3):
    b, s, d = hidden_states.shape
    x = hidden_states.reshape(-1, d)  # [T, D]
    router_logits = x @ Wg  # [T, E]
    routing_weights = jax.nn.softmax(router_logits.astype(jnp.float32), axis=1)
    top_w, selected_experts = jax.lax.top_k(routing_weights, K)  # [T, K]
    top_w = top_w / jnp.sum(top_w, axis=-1, keepdims=True)
    top_w = top_w.astype(x.dtype)
    final = jnp.zeros_like(x)
    # dense-dispatch formulation: for each expert, compute outputs for all tokens and
    # weight by (sum over top-k slots of routing weight where that slot selects this expert).
    # Tokens not routed to the expert get weight exactly 0, so this is strictly
    # math-equivalent to the gather/index_add loop in the torch module.
    for e in range(E):
        mask = (selected_experts == e)  # [T, K]
        w_e = jnp.sum(top_w * mask.astype(top_w.dtype), axis=-1)  # [T]
        h = jax.nn.silu(x @ W1[e]) * (x @ W3[e])  # [T, FF]
        out_e = h @ W2[e]  # [T, D]
        final = final + out_e * w_e[:, None]
    final = final.reshape(b, s, d)
    return (final, router_logits)

if __name__ == "__main__":
    import jax
    _d = setup_inputs()
    print(jax.jit(kernel)(*tuple(_d.values())))

</pallas_src>

<mosaic_0001>
#map = affine_map<(d0, d1) -> (0)>
module attributes {stable_mosaic.version = 14 : i64} {
  func.func @_scatter_body(%arg0: i32, %arg1: i32, %arg2: memref<8192xi32, #tpu.memory_space<hbm>>, %arg3: memref<8192xf32, #tpu.memory_space<hbm>>, %arg4: memref<8192xi32, #tpu.memory_space<hbm>>, %arg5: memref<9216xi32, #tpu.memory_space<hbm>>, %arg6: memref<9216xf32, #tpu.memory_space<hbm>>, %arg7: memref<9216xi32, #tpu.memory_space<hbm>>, %arg8: memref<9216xf32, #tpu.memory_space<hbm>>, %arg9: memref<8192xi32, #tpu.memory_space<vmem>>, %arg10: memref<8192xf32, #tpu.memory_space<vmem>>, %arg11: memref<8192xi32, #tpu.memory_space<vmem>>, %arg12: memref<9216xi32, #tpu.memory_space<vmem>>, %arg13: memref<9216xf32, #tpu.memory_space<vmem>>) attributes {dimension_semantics = [#tpu.dimension_semantics<core_parallel>, #tpu.dimension_semantics<subcore_parallel>], iteration_bounds = array<i64: 2, 16>, scalar_prefetch = 0 : i64, scratch_operands = 5 : i64, tpu.core_type = #tpu.core_type<sc_vector_subcore>, window_params = [{transform_indices = #map}, {transform_indices = #map}, {transform_indices = #map}, {transform_indices = #map}, {transform_indices = #map}, {transform_indices = #map}, {transform_indices = #map}]} {
    %mul3A = arith.constant 2 : i32
    %mul3A_0 = arith.muli %arg1, %mul3A : i32
    %add3A = arith.addi %mul3A_0, %arg0 : i32
    %eq3A = arith.constant 0 : i32
    %eq3A_1 = arith.cmpi eq, %add3A, %eq3A : i32
    %convert_element_type3A = arith.extui %eq3A_1 : i1 to i32
    %cond3A = arith.constant 0 : i32
    %cond3A_2 = arith.cmpi ne, %convert_element_type3A, %cond3A : i32
    scf.if %cond3A_2 {
      "tpu.region"() ({
        %run_scoped3A = tpu.sem_alloc : memref<!tpu.dma_semaphore, #tpu.memory_space<semaphore_mem>>
        tpu.enqueue_dma source(%arg2 : memref<8192xi32, #tpu.memory_space<hbm>>) target(%arg9 : memref<8192xi32, #tpu.memory_space<vmem>>) target_semaphore(%run_scoped3A : memref<!tpu.dma_semaphore, #tpu.memory_space<semaphore_mem>>)
        tpu.wait_dma2 semaphore(%run_scoped3A : memref<!tpu.dma_semaphore, #tpu.memory_space<semaphore_mem>>) src(%arg2 : memref<8192xi32, #tpu.memory_space<hbm>>) dst(%arg9 : memref<8192xi32, #tpu.memory_space<vmem>>)
        tpu.yield
      }) : () -> ()
      "tpu.region"() ({
        %run_scoped3A = tpu.sem_alloc : memref<!tpu.dma_semaphore, #tpu.memory_space<semaphore_mem>>
        tpu.enqueue_dma source(%arg3 : memref<8192xf32, #tpu.memory_space<hbm>>) target(%arg10 : memref<8192xf32, #tpu.memory_space<vmem>>) target_semaphore(%run_scoped3A : memref<!tpu.dma_semaphore, #tpu.memory_space<semaphore_mem>>)
        tpu.wait_dma2 semaphore(%run_scoped3A : memref<!tpu.dma_semaphore, #tpu.memory_space<semaphore_mem>>) src(%arg3 : memref<8192xf32, #tpu.memory_space<hbm>>) dst(%arg10 : memref<8192xf32, #tpu.memory_space<vmem>>)
        tpu.yield
      }) : () -> ()
      "tpu.region"() ({
        %run_scoped3A = tpu.sem_alloc : memref<!tpu.dma_semaphore, #tpu.memory_space<semaphore_mem>>
        tpu.enqueue_dma source(%arg4 : memref<8192xi32, #tpu.memory_space<hbm>>) target(%arg11 : memref<8192xi32, #tpu.memory_space<vmem>>) target_semaphore(%run_scoped3A : memref<!tpu.dma_semaphore, #tpu.memory_space<semaphore_mem>>)
        tpu.wait_dma2 semaphore(%run_scoped3A : memref<!tpu.dma_semaphore, #tpu.memory_space<semaphore_mem>>) src(%arg4 : memref<8192xi32, #tpu.memory_space<hbm>>) dst(%arg11 : memref<8192xi32, #tpu.memory_space<vmem>>)
        tpu.yield
      }) : () -> ()
      "tpu.region"() ({
        %run_scoped3A = tpu.sem_alloc : memref<!tpu.dma_semaphore, #tpu.memory_space<semaphore_mem>>
        tpu.enqueue_dma source(%arg5 : memref<9216xi32, #tpu.memory_space<hbm>>) target(%arg12 : memref<9216xi32, #tpu.memory_space<vmem>>) target_semaphore(%run_scoped3A : memref<!tpu.dma_semaphore, #tpu.memory_space<semaphore_mem>>)
        tpu.wait_dma2 semaphore(%run_scoped3A : memref<!tpu.dma_semaphore, #tpu.memory_space<semaphore_mem>>) src(%arg5 : memref<9216xi32, #tpu.memory_space<hbm>>) dst(%arg12 : memref<9216xi32, #tpu.memory_space<vmem>>)
        tpu.yield
      }) : () -> ()
      "tpu.region"() ({
        %run_scoped3A = tpu.sem_alloc : memref<!tpu.dma_semaphore, #tpu.memory_space<semaphore_mem>>
        tpu.enqueue_dma source(%arg6 : memref<9216xf32, #tpu.memory_space<hbm>>) target(%arg13 : memref<9216xf32, #tpu.memory_space<vmem>>) target_semaphore(%run_scoped3A : memref<!tpu.dma_semaphore, #tpu.memory_space<semaphore_mem>>)
        tpu.wait_dma2 semaphore(%run_scoped3A : memref<!tpu.dma_semaphore, #tpu.memory_space<semaphore_mem>>) src(%arg6 : memref<9216xf32, #tpu.memory_space<hbm>>) dst(%arg13 : memref<9216xf32, #tpu.memory_space<vmem>>)
        tpu.yield
      }) : () -> ()
      %scan3A = arith.constant 0 : i32
      %scan3A_3 = arith.constant 0 : i32
      %scan3A_4 = arith.constant 512 : i32
      %scan3A_5 = arith.addi %scan3A_3, %scan3A_4 : i32
      %scan3A_6 = arith.constant 1 : i32
      scf.for %scan3A_8 = %scan3A_3 to %scan3A_5 step %scan3A_6  : i32 {
        %mul3A_9 = arith.constant 16 : i32
        %mul3A_10 = arith.muli %scan3A_8, %mul3A_9 : i32
        %get3A = arith.index_cast %mul3A_10 : i32 to index
        %get3A_11 = tpu.vector_load %arg9[%get3A] {strides = array<i32>} : memref<8192xi32, #tpu.memory_space<vmem>>, vector<16xi32>,
        %get3A_12 = arith.index_cast %mul3A_10 : i32 to index
        %get3A_13 = tpu.vector_load %arg11[%get3A_12] {strides = array<i32>} : memref<8192xi32, #tpu.memory_space<vmem>>, vector<16xi32>,
        tpu.vector_store_idx %arg12[%get3A_11], %get3A_13 : memref<9216xi32, #tpu.memory_space<vmem>>[vector<16xi32>], vector<16xi32>,
        %get3A_14 = arith.index_cast %mul3A_10 : i32 to index
        %get3A_15 = tpu.vector_load %arg10[%get3A_14] {strides = array<i32>} : memref<8192xf32, #tpu.memory_space<vmem>>, vector<16xf32>,
        tpu.vector_store_idx %arg13[%get3A_11], %get3A_15 : memref<9216xf32, #tpu.memory_space<vmem>>[vector<16xi32>], vector<16xf32>,
      }
      %scan3A_7 = arith.constant 512 : i32
      "tpu.region"() ({
        %run_scoped3A = tpu.sem_alloc : memref<!tpu.dma_semaphore, #tpu.memory_space<semaphore_mem>>
        tpu.enqueue_dma source(%arg12 : memref<9216xi32, #tpu.memory_space<vmem>>) target(%arg7 : memref<9216xi32, #tpu.memory_space<hbm>>) target_semaphore(%run_scoped3A : memref<!tpu.dma_semaphore, #tpu.memory_space<semaphore_mem>>)
        tpu.wait_dma2 semaphore(%run_scoped3A : memref<!tpu.dma_semaphore, #tpu.memory_space<semaphore_mem>>) src(%arg12 : memref<9216xi32, #tpu.memory_space<vmem>>) dst(%arg7 : memref<9216xi32, #tpu.memory_space<hbm>>)
        tpu.yield
      }) : () -> ()
      "tpu.region"() ({
        %run_scoped3A = tpu.sem_alloc : memref<!tpu.dma_semaphore, #tpu.memory_space<semaphore_mem>>
        tpu.enqueue_dma source(%arg13 : memref<9216xf32, #tpu.memory_space<vmem>>) target(%arg8 : memref<9216xf32, #tpu.memory_space<hbm>>) target_semaphore(%run_scoped3A : memref<!tpu.dma_semaphore, #tpu.memory_space<semaphore_mem>>)
        tpu.wait_dma2 semaphore(%run_scoped3A : memref<!tpu.dma_semaphore, #tpu.memory_space<semaphore_mem>>) src(%arg13 : memref<9216xf32, #tpu.memory_space<vmem>>) dst(%arg8 : memref<9216xf32, #tpu.memory_space<hbm>>)
        tpu.yield
      }) : () -> ()
    } else {
    }
    return
  }
}

#map = affine_map<(d0, d1) -> (0, 0)>
#map1 = affine_map<(d0, d1) -> (0)>
module attributes {stable_mosaic.version = 14 : i64} {
  func.func @_gather_body(%arg0: i32, %arg1: i32, %arg2: memref<4096x1024xf32, #tpu.memory_space<hbm>>, %arg3: memref<9216xi32, #tpu.memory_space<hbm>>, %arg4: memref<9216x1024xf32, #tpu.memory_space<hbm>>, %arg5: memref<288xi32, #tpu.memory_space<vmem>>, %arg6: memref<3x32x1024xf32, #tpu.memory_space<vmem>>, %arg7: memref<!tpu.dma_semaphore, #tpu.memory_space<semaphore_mem>>, %arg8: memref<!tpu.dma_semaphore, #tpu.memory_space<semaphore_mem>>, %arg9: memref<!tpu.dma_semaphore, #tpu.memory_space<semaphore_mem>>, %arg10: memref<!tpu.dma_semaphore, #tpu.memory_space<semaphore_mem>>, %arg11: memref<!tpu.dma_semaphore, #tpu.memory_space<semaphore_mem>>, %arg12: memref<!tpu.dma_semaphore, #tpu.memory_space<semaphore_mem>>) attributes {dimension_semantics = [#tpu.dimension_semantics<core_parallel>, #tpu.dimension_semantics<subcore_parallel>], iteration_bounds = array<i64: 2, 16>, scalar_prefetch = 0 : i64, scratch_operands = 8 : i64, tpu.core_type = #tpu.core_type<sc_vector_subcore>, window_params = [{transform_indices = #map}, {transform_indices = #map1}, {transform_indices = #map}]} {
    %mul3A = arith.constant 2 : i32
    %mul3A_0 = arith.muli %arg1, %mul3A : i32
    %add3A = arith.addi %mul3A_0, %arg0 : i32
    %mul3A_1 = arith.constant 288 : i32
    %mul3A_2 = arith.muli %add3A, %mul3A_1 : i32
    "tpu.region"() ({
      %run_scoped3A = tpu.sem_alloc : memref<!tpu.dma_semaphore, #tpu.memory_space<semaphore_mem>>
      %dma_start3A_433 = tpu.memref_slice %arg3[%mul3A_2] : memref<9216xi32, #tpu.memory_space<hbm>> -> memref<288xi32, #tpu.memory_space<hbm>>
      %dma_start3A_434 = tpu.memref_slice %arg3[%mul3A_2] : memref<9216xi32, #tpu.memory_space<hbm>> -> memref<288xi32, #tpu.memory_space<hbm>>
      tpu.enqueue_dma source(%dma_start3A_434 : memref<288xi32, #tpu.memory_space<hbm>>) target(%arg5 : memref<288xi32, #tpu.memory_space<vmem>>) target_semaphore(%run_scoped3A : memref<!tpu.dma_semaphore, #tpu.memory_space<semaphore_mem>>)
      %dma_wait3A_435 = tpu.memref_slice %arg3[%mul3A_2] : memref<9216xi32, #tpu.memory_space<hbm>> -> memref<288xi32, #tpu.memory_space<hbm>>
      %dma_wait3A_436 = tpu.memref_slice %arg3[%mul3A_2] : memref<9216xi32, #tpu.memory_space<hbm>> -> memref<288xi32, #tpu.memory_space<hbm>>
      tpu.wait_dma2 semaphore(%run_scoped3A : memref<!tpu.dma_semaphore, #tpu.memory_space<semaphore_mem>>) src(%dma_wait3A_436 : memref<288xi32, #tpu.memory_space<hbm>>) dst(%arg5 : memref<288xi32, #tpu.memory_space<vmem>>)
      tpu.yield
    }) : () -> ()
    %dma_start3A = arith.constant 0 : i32
    %dma_start3A_3 = arith.constant 0 : i32
    %dma_start3A_4 = arith.constant 0 : i32
    %dma_start3A_5 = tpu.memref_slice %arg6[%dma_start3A, %dma_start3A_3, %dma_start3A_4] : memref<3x32x1024xf32, #tpu.memory_space<vmem>> -> memref<1x32x1024xf32, #tpu.memory_space<vmem>>
    %dma_start3A_6 = tpu.memref_squeeze %dma_start3A_5 : memref<1x32x1024xf32, #tpu.memory_space<vmem>> -> memref<32x1024xf32, #tpu.memory_space<vmem>>
    %dma_start3A_7 = arith.constant 0 : i32
    %dma_start3A_8 = tpu.memref_slice %arg5[%dma_start3A_7] : memref<288xi32, #tpu.memory_space<vmem>> -> memref<32xi32, #tpu.memory_space<vmem>>
    %dma_start3A_9 = arith.constant 0 : i32
    %dma_start3A_10 = arith.constant 0 : i32
    %dma_start3A_11 = tpu.memref_slice %arg2[%dma_start3A_9, %dma_start3A_10] : memref<4096x1024xf32, #tpu.memory_space<hbm>> -> memref<4096x1024xf32, #tpu.memory_space<hbm>>
    tpu.enqueue_indirect_dma source(%dma_start3A_11 : memref<4096x1024xf32, #tpu.memory_space<hbm>>) target(%dma_start3A_6 : memref<32x1024xf32, #tpu.memory_space<vmem>>) offsets(%dma_start3A_8 : memref<32xi32, #tpu.memory_space<vmem>>) semaphore(%arg7 : memref<!tpu.dma_semaphore, #tpu.memory_space<semaphore_mem>>)
    %dma_start3A_12 = arith.constant 1 : i32
    %dma_start3A_13 = arith.constant 0 : i32
    %dma_start3A_14 = arith.constant 0 : i32
    %dma_start3A_15 = tpu.memref_slice %arg6[%dma_start3A_12, %dma_start3A_13, %dma_start3A_14] : memref<3x32x1024xf32, #tpu.memory_space<vmem>> -> memref<1x32x1024xf32, #tpu.memory_space<vmem>>
    %dma_start3A_16 = tpu.memref_squeeze %dma_start3A_15 : memref<1x32x1024xf32, #tpu.memory_space<vmem>> -> memref<32x1024xf32, #tpu.memory_space<vmem>>
    %dma_start3A_17 = arith.constant 32 : i32
    %dma_start3A_18 = tpu.memref_slice %arg5[%dma_start3A_17] : memref<288xi32, #tpu.memory_space<vmem>> -> memref<32xi32, #tpu.memory_space<vmem>>
    %dma_start3A_19 = arith.constant 0 : i32
    %dma_start3A_20 = arith.constant 0 : i32
    %dma_start3A_21 = tpu.memref_slice %arg2[%dma_start3A_19, %dma_start3A_20] : memref<4096x1024xf32, #tpu.memory_space<hbm>> -> memref<4096x1024xf32, #tpu.memory_space<hbm>>
    tpu.enqueue_indirect_dma source(%dma_start3A_21 : memref<4096x1024xf32, #tpu.memory_space<hbm>>) target(%dma_start3A_16 : memref<32x1024xf32, #tpu.memory_space<vmem>>) offsets(%dma_start3A_18 : memref<32xi32, #tpu.memory_space<vmem>>) semaphore(%arg8 : memref<!tpu.dma_semaphore, #tpu.memory_space<semaphore_mem>>)
    %dma_start3A_22 = arith.constant 2 : i32
    %dma_start3A_23 = arith.constant 0 : i32
    %dma_start3A_24 = arith.constant 0 : i32
    %dma_start3A_25 = tpu.memref_slice %arg6[%dma_start3A_22, %dma_start3A_23, %dma_start3A_24] : memref<3x32x1024xf32, #tpu.memory_space<vmem>> -> memref<1x32x1024xf32, #tpu.memory_space<vmem>>
    %dma_start3A_26 = tpu.memref_squeeze %dma_start3A_25 : memref<1x32x1024xf32, #tpu.memory_space<vmem>> -> memref<32x1024xf32, #tpu.memory_space<vmem>>
    %dma_start3A_27 = arith.constant 64 : i32
    %dma_start3A_28 = tpu.memref_slice %arg5[%dma_start3A_27] : memref<288xi32, #tpu.memory_space<vmem>> -> memref<32xi32, #tpu.memory_space<vmem>>
    %dma_start3A_29 = arith.constant 0 : i32
    %dma_start3A_30 = arith.constant 0 : i32
    %dma_start3A_31 = tpu.memref_slice %arg2[%dma_start3A_29, %dma_start3A_30] : memref<4096x1024xf32, #tpu.memory_space<hbm>> -> memref<4096x1024xf32, #tpu.memory_space<hbm>>
    tpu.enqueue_indirect_dma source(%dma_start3A_31 : memref<4096x1024xf32, #tpu.memory_space<hbm>>) target(%dma_start3A_26 : memref<32x1024xf32, #tpu.memory_space<vmem>>) offsets(%dma_start3A_28 : memref<32xi32, #tpu.memory_space<vmem>>) semaphore(%arg9 : memref<!tpu.dma_semaphore, #tpu.memory_space<semaphore_mem>>)
    %dma_wait3A = arith.constant 0 : i32
    %dma_wait3A_32 = arith.constant 0 : i32
    %dma_wait3A_33 = arith.constant 0 : i32
    %dma_wait3A_34 = tpu.memref_slice %arg6[%dma_wait3A, %dma_wait3A_32, %dma_wait3A_33] : memref<3x32x1024xf32, #tpu.memory_space<vmem>> -> memref<1x32x1024xf32, #tpu.memory_space<vmem>>
    %dma_wait3A_35 = tpu.memref_squeeze %dma_wait3A_34 : memref<1x32x1024xf32, #tpu.memory_space<vmem>> -> memref<32x1024xf32, #tpu.memory_space<vmem>>
    %dma_wait3A_36 = arith.constant 0 : i32
    %dma_wait3A_37 = tpu.memref_slice %arg5[%dma_wait3A_36] : memref<288xi32, #tpu.memory_space<vmem>> -> memref<32xi32, #tpu.memory_space<vmem>>
    %dma_wait3A_38 = arith.constant 0 : i32
    %dma_wait3A_39 = arith.constant 0 : i32
    %dma_wait3A_40 = tpu.memref_slice %arg2[%dma_wait3A_38, %dma_wait3A_39] : memref<4096x1024xf32, #tpu.memory_space<hbm>> -> memref<4096x1024xf32, #tpu.memory_space<hbm>>
    tpu.wait_indirect_dma semaphore(%arg7 : memref<!tpu.dma_semaphore, #tpu.memory_space<semaphore_mem>>) src(%dma_wait3A_40 : memref<4096x1024xf32, #tpu.memory_space<hbm>>) dst(%dma_wait3A_35 : memref<32x1024xf32, #tpu.memory_space<vmem>>)
    %add3A_41 = arith.constant 0 : i32
    %add3A_42 = arith.addi %mul3A_2, %add3A_41 : i32
    %dma_start3A_43 = arith.constant 0 : i32
    %dma_start3A_44 = arith.constant 0 : i32
    %dma_start3A_45 = arith.constant 0 : i32
    %dma_start3A_46 = tpu.memref_slice %arg6[%dma_start3A_43, %dma_start3A_44, %dma_start3A_45] : memref<3x32x1024xf32, #tpu.memory_space<vmem>> -> memref<1x32x1024xf32, #tpu.memory_space<vmem>>
    %dma_start3A_47 = tpu.memref_squeeze %dma_start3A_46 : memref<1x32x1024xf32, #tpu.memory_space<vmem>> -> memref<32x1024xf32, #tpu.memory_space<vmem>>
    %dma_start3A_48 = arith.constant 0 : i32
    %dma_start3A_49 = tpu.memref_slice %arg4[%add3A_42, %dma_start3A_48] : memref<9216x1024xf32, #tpu.memory_space<hbm>> -> memref<32x1024xf32, #tpu.memory_space<hbm>>
    %dma_start3A_50 = arith.constant 0 : i32
    %dma_start3A_51 = tpu.memref_slice %arg4[%add3A_42, %dma_start3A_50] : memref<9216x1024xf32, #tpu.memory_space<hbm>> -> memref<32x1024xf32, #tpu.memory_space<hbm>>
    %dma_start3A_52 = arith.constant 0 : i32
    %dma_start3A_53 = arith.constant 0 : i32
    %dma_start3A_54 = tpu.memref_slice %arg6[%dma_start3A_43, %dma_start3A_52, %dma_start3A_53] : memref<3x32x1024xf32, #tpu.memory_space<vmem>> -> memref<1x32x1024xf32, #tpu.memory_space<vmem>>
    %dma_start3A_55 = tpu.memref_squeeze %dma_start3A_54 : memref<1x32x1024xf32, #tpu.memory_space<vmem>> -> memref<32x1024xf32, #tpu.memory_space<vmem>>
    tpu.enqueue_dma source(%dma_start3A_55 : memref<32x1024xf32, #tpu.memory_space<vmem>>) target(%dma_start3A_51 : memref<32x1024xf32, #tpu.memory_space<hbm>>) target_semaphore(%arg10 : memref<!tpu.dma_semaphore, #tpu.memory_space<semaphore_mem>>)
    %dma_wait3A_56 = arith.constant 0 : i32
    %dma_wait3A_57 = arith.constant 0 : i32
    %dma_wait3A_58 = arith.constant 0 : i32
    %dma_wait3A_59 = tpu.memref_slice %arg6[%dma_wait3A_56, %dma_wait3A_57, %dma_wait3A_58] : memref<3x32x1024xf32, #tpu.memory_space<vmem>> -> memref<1x32x1024xf32, #tpu.memory_space<vmem>>
    %dma_wait3A_60 = tpu.memref_squeeze %dma_wait3A_59 : memref<1x32x1024xf32, #tpu.memory_space<vmem>> -> memref<32x1024xf32, #tpu.memory_space<vmem>>
    %dma_wait3A_61 = arith.constant 0 : i32
    %dma_wait3A_62 = tpu.memref_slice %arg4[%add3A_42, %dma_wait3A_61] : memref<9216x1024xf32, #tpu.memory_space<hbm>> -> memref<32x1024xf32, #tpu.memory_space<hbm>>
    %dma_wait3A_63 = arith.constant 0 : i32
    %dma_wait3A_64 = tpu.memref_slice %arg4[%add3A_42, %dma_wait3A_63] : memref<9216x1024xf32, #tpu.memory_space<hbm>> -> memref<32x1024xf32, #tpu.memory_space<hbm>>
    %dma_wait3A_65 = arith.constant 0 : i32
    %dma_wait3A_66 = arith.constant 0 : i32
    %dma_wait3A_67 = tpu.memref_slice %arg6[%dma_wait3A_56, %dma_wait3A_65, %dma_wait3A_66] : memref<3x32x1024xf32, #tpu.memory_space<vmem>> -> memref<1x32x1024xf32, #tpu.memory_space<vmem>>
    %dma_wait3A_68 = tpu.memref_squeeze %dma_wait3A_67 : memref<1x32x1024xf32, #tpu.memory_space<vmem>> -> memref<32x1024xf32, #tpu.memory_space<vmem>>
    tpu.wait_dma2 semaphore(%arg10 : memref<!tpu.dma_semaphore, #tpu.memory_space<semaphore_mem>>) src(%dma_wait3A_68 : memref<32x1024xf32, #tpu.memory_space<vmem>>) dst(%dma_wait3A_64 : memref<32x1024xf32, #tpu.memory_space<hbm>>)
    %dma_start3A_69 = arith.constant 0 : i32
    %dma_start3A_70 = arith.constant 0 : i32
    %dma_start3A_71 = arith.constant 0 : i32
    %dma_start3A_72 = tpu.memref_slice %arg6[%dma_start3A_69, %dma_start3A_70, %dma_start3A_71] : memref<3x32x1024xf32, #tpu.memory_space<vmem>> -> memref<1x32x1024xf32, #tpu.memory_space<vmem>>
    %dma_start3A_73 = tpu.memref_squeeze %dma_start3A_72 : memref<1x32x1024xf32, #tpu.memory_space<vmem>> -> memref<32x1024xf32, #tpu.memory_space<vmem>>
    %dma_start3A_74 = arith.constant 96 : i32
    %dma_start3A_75 = tpu.memref_slice %arg5[%dma_start3A_74] : memref<288xi32, #tpu.memory_space<vmem>> -> memref<32xi32, #tpu.memory_space<vmem>>
    %dma_start3A_76 = arith.constant 0 : i32
    %dma_start3A_77 = arith.constant 0 : i32
    %dma_start3A_78 = tpu.memref_slice %arg2[%dma_start3A_76, %dma_start3A_77] : memref<4096x1024xf32, #tpu.memory_space<hbm>> -> memref<4096x1024xf32, #tpu.memory_space<hbm>>
    tpu.enqueue_indirect_dma source(%dma_start3A_78 : memref<4096x1024xf32, #tpu.memory_space<hbm>>) target(%dma_start3A_73 : memref<32x1024xf32, #tpu.memory_space<vmem>>) offsets(%dma_start3A_75 : memref<32xi32, #tpu.memory_space<vmem>>) semaphore(%arg7 : memref<!tpu.dma_semaphore, #tpu.memory_space<semaphore_mem>>)
    %dma_wait3A_79 = arith.constant 1 : i32
    %dma_wait3A_80 = arith.constant 0 : i32
    %dma_wait3A_81 = arith.constant 0 : i32
    %dma_wait3A_82 = tpu.memref_slice %arg6[%dma_wait3A_79, %dma_wait3A_80, %dma_wait3A_81] : memref<3x32x1024xf32, #tpu.memory_space<vmem>> -> memref<1x32x1024xf32, #tpu.memory_space<vmem>>
    %dma_wait3A_83 = tpu.memref_squeeze %dma_wait3A_82 : memref<1x32x1024xf32, #tpu.memory_space<vmem>> -> memref<32x1024xf32, #tpu.memory_space<vmem>>
    %dma_wait3A_84 = arith.constant 32 : i32
    %dma_wait3A_85 = tpu.memref_slice %arg5[%dma_wait3A_84] : memref<288xi32, #tpu.memory_space<vmem>> -> memref<32xi32, #tpu.memory_space<vmem>>
    %dma_wait3A_86 = arith.constant 0 : i32
    %dma_wait3A_87 = arith.constant 0 : i32
    %dma_wait3A_88 = tpu.memref_slice %arg2[%dma_wait3A_86, %dma_wait3A_87] : memref<4096x1024xf32, #tpu.memory_space<hbm>> -> memref<4096x1024xf32, #tpu.memory_space<hbm>>
    tpu.wait_indirect_dma semaphore(%arg8 : memref<!tpu.dma_semaphore, #tpu.memory_space<semaphore_mem>>) src(%dma_wait3A_88 : memref<4096x1024xf32, #tpu.memory_space<hbm>>) dst(%dma_wait3A_83 : memref<32x1024xf32, #tpu.memory_space<vmem>>)
    %add3A_89 = arith.constant 32 : i32
    %add3A_90 = arith.addi %mul3A_2, %add3A_89 : i32
    %dma_start3A_91 = arith.constant 1 : i32
    %dma_start3A_92 = arith.constant 0 : i32
    %dma_start3A_93 = arith.constant 0 : i32
    %dma_start3A_94 = tpu.memref_slice %arg6[%dma_start3A_91, %dma_start3A_92, %dma_start3A_93] : memref<3x32x1024xf32, #tpu.memory_space<vmem>> -> memref<1x32x1024xf32, #tpu.memory_space<vmem>>
    %dma_start3A_95 = tpu.memref_squeeze %dma_start3A_94 : memref<1x32x1024xf32, #tpu.memory_space<vmem>> -> memref<32x1024xf32, #tpu.memory_space<vmem>>
    %dma_start3A_96 = arith.constant 0 : i32
    %dma_start3A_97 = tpu.memref_slice %arg4[%add3A_90, %dma_start3A_96] : memref<9216x1024xf32, #tpu.memory_space<hbm>> -> memref<32x1024xf32, #tpu.memory_space<hbm>>
    %dma_start3A_98 = arith.constant 0 : i32
    %dma_start3A_99 = tpu.memref_slice %arg4[%add3A_90, %dma_start3A_98] : memref<9216x1024xf32, #tpu.memory_space<hbm>> -> memref<32x1024xf32, #tpu.memory_space<hbm>>
    %dma_start3A_100 = arith.constant 0 : i32
    %dma_start3A_101 = arith.constant 0 : i32
    %dma_start3A_102 = tpu.memref_slice %arg6[%dma_start3A_91, %dma_start3A_100, %dma_start3A_101] : memref<3x32x1024xf32, #tpu.memory_space<vmem>> -> memref<1x32x1024xf32, #tpu.memory_space<vmem>>
    %dma_start3A_103 = tpu.memref_squeeze %dma_start3A_102 : memref<1x32x1024xf32, #tpu.memory_space<vmem>> -> memref<32x1024xf32, #tpu.memory_space<vmem>>
    tpu.enqueue_dma source(%dma_start3A_103 : memref<32x1024xf32, #tpu.memory_space<vmem>>) target(%dma_start3A_99 : memref<32x1024xf32, #tpu.memory_space<hbm>>) target_semaphore(%arg11 : memref<!tpu.dma_semaphore, #tpu.memory_space<semaphore_mem>>)
    %dma_wait3A_104 = arith.constant 1 : i32
    %dma_wait3A_105 = arith.constant 0 : i32
    %dma_wait3A_106 = arith.constant 0 : i32
    %dma_wait3A_107 = tpu.memref_slice %arg6[%dma_wait3A_104, %dma_wait3A_105, %dma_wait3A_106] : memref<3x32x1024xf32, #tpu.memory_space<vmem>> -> memref<1x32x1024xf32, #tpu.memory_space<vmem>>
    %dma_wait3A_108 = tpu.memref_squeeze %dma_wait3A_107 : memref<1x32x1024xf32, #tpu.memory_space<vmem>> -> memref<32x1024xf32, #tpu.memory_space<vmem>>
    %dma_wait3A_109 = arith.constant 0 : i32
    %dma_wait3A_110 = tpu.memref_slice %arg4[%add3A_90, %dma_wait3A_109] : memref<9216x1024xf32, #tpu.memory_space<hbm>> -> memref<32x1024xf32, #tpu.memory_space<hbm>>
    %dma_wait3A_111 = arith.constant 0 : i32
    %dma_wait3A_112 = tpu.memref_slice %arg4[%add3A_90, %dma_wait3A_111] : memref<9216x1024xf32, #tpu.memory_space<hbm>> -> memref<32x1024xf32, #tpu.memory_space<hbm>>
    %dma_wait3A_113 = arith.constant 0 : i32
    %dma_wait3A_114 = arith.constant 0 : i32
    %dma_wait3A_115 = tpu.memref_slice %arg6[%dma_wait3A_104, %dma_wait3A_113, %dma_wait3A_114] : memref<3x32x1024xf32, #tpu.memory_space<vmem>> -> memref<1x32x1024xf32, #tpu.memory_space<vmem>>
    %dma_wait3A_116 = tpu.memref_squeeze %dma_wait3A_115 : memref<1x32x1024xf32, #tpu.memory_space<vmem>> -> memref<32x1024xf32, #tpu.memory_space<vmem>>
    tpu.wait_dma2 semaphore(%arg11 : memref<!tpu.dma_semaphore, #tpu.memory_space<semaphore_mem>>) src(%dma_wait3A_116 : memref<32x1024xf32, #tpu.memory_space<vmem>>) dst(%dma_wait3A_112 : memref<32x1024xf32, #tpu.memory_space<hbm>>)
    %dma_start3A_117 = arith.constant 1 : i32
    %dma_start3A_118 = arith.constant 0 : i32
    %dma_start3A_119 = arith.constant 0 : i32
    %dma_start3A_120 = tpu.memref_slice %arg6[%dma_start3A_117, %dma_start3A_118, %dma_start3A_119] : memref<3x32x1024xf32, #tpu.memory_space<vmem>> -> memref<1x32x1024xf32, #tpu.memory_space<vmem>>
    %dma_start3A_121 = tpu.memref_squeeze %dma_start3A_120 : memref<1x32x1024xf32, #tpu.memory_space<vmem>> -> memref<32x1024xf32, #tpu.memory_space<vmem>>
    %dma_start3A_122 = arith.constant 128 : i32
    %dma_start3A_123 = tpu.memref_slice %arg5[%dma_start3A_122] : memref<288xi32, #tpu.memory_space<vmem>> -> memref<32xi32, #tpu.memory_space<vmem>>
    %dma_start3A_124 = arith.constant 0 : i32
    %dma_start3A_125 = arith.constant 0 : i32
    %dma_start3A_126 = tpu.memref_slice %arg2[%dma_start3A_124, %dma_start3A_125] : memref<4096x1024xf32, #tpu.memory_space<hbm>> -> memref<4096x1024xf32, #tpu.memory_space<hbm>>
    tpu.enqueue_indirect_dma source(%dma_start3A_126 : memref<4096x1024xf32, #tpu.memory_space<hbm>>) target(%dma_start3A_121 : memref<32x1024xf32, #tpu.memory_space<vmem>>) offsets(%dma_start3A_123 : memref<32xi32, #tpu.memory_space<vmem>>) semaphore(%arg8 : memref<!tpu.dma_semaphore, #tpu.memory_space<semaphore_mem>>)
    %dma_wait3A_127 = arith.constant 2 : i32
    %dma_wait3A_128 = arith.constant 0 : i32
    %dma_wait3A_129 = arith.constant 0 : i32
    %dma_wait3A_130 = tpu.memref_slice %arg6[%dma_wait3A_127, %dma_wait3A_128, %dma_wait3A_129] : memref<3x32x1024xf32, #tpu.memory_space<vmem>> -> memref<1x32x1024xf32, #tpu.memory_space<vmem>>
    %dma_wait3A_131 = tpu.memref_squeeze %dma_wait3A_130 : memref<1x32x1024xf32, #tpu.memory_space<vmem>> -> memref<32x1024xf32, #tpu.memory_space<vmem>>
    %dma_wait3A_132 = arith.constant 64 : i32
    %dma_wait3A_133 = tpu.memref_slice %arg5[%dma_wait3A_132] : memref<288xi32, #tpu.memory_space<vmem>> -> memref<32xi32, #tpu.memory_space<vmem>>
    %dma_wait3A_134 = arith.constant 0 : i32
    %dma_wait3A_135 = arith.constant 0 : i32
    %dma_wait3A_136 = tpu.memref_slice %arg2[%dma_wait3A_134, %dma_wait3A_135] : memref<4096x1024xf32, #tpu.memory_space<hbm>> -> memref<4096x1024xf32, #tpu.memory_space<hbm>>
    tpu.wait_indirect_dma semaphore(%arg9 : memref<!tpu.dma_semaphore, #tpu.memory_space<semaphore_mem>>) src(%dma_wait3A_136 : memref<4096x1024xf32, #tpu.memory_space<hbm>>) dst(%dma_wait3A_131 : memref<32x1024xf32, #tpu.memory_space<vmem>>)
    %add3A_137 = arith.constant 64 : i32
    %add3A_138 = arith.addi %mul3A_2, %add3A_137 : i32
    %dma_start3A_139 = arith.constant 2 : i32
    %dma_start3A_140 = arith.constant 0 : i32
    %dma_start3A_141 = arith.constant 0 : i32
    %dma_start3A_142 = tpu.memref_slice %arg6[%dma_start3A_139, %dma_start3A_140, %dma_start3A_141] : memref<3x32x1024xf32, #tpu.memory_space<vmem>> -> memref<1x32x1024xf32, #tpu.memory_space<vmem>>
    %dma_start3A_143 = tpu.memref_squeeze %dma_start3A_142 : memref<1x32x1024xf32, #tpu.memory_space<vmem>> -> memref<32x1024xf32, #tpu.memory_space<vmem>>
    %dma_start3A_144 = arith.constant 0 : i32
    %dma_start3A_145 = tpu.memref_slice %arg4[%add3A_138, %dma_start3A_144] : memref<9216x1024xf32, #tpu.memory_space<hbm>> -> memref<32x1024xf32, #tpu.memory_space<hbm>>
    %dma_start3A_146 = arith.constant 0 : i32
    %dma_start3A_147 = tpu.memref_slice %arg4[%add3A_138, %dma_start3A_146] : memref<9216x1024xf32, #tpu.memory_space<hbm>> -> memref<32x1024xf32, #tpu.memory_space<hbm>>
    %dma_start3A_148 = arith.constant 0 : i32
    %dma_start3A_149 = arith.constant 0 : i32
    %dma_start3A_150 = tpu.memref_slice %arg6[%dma_start3A_139, %dma_start3A_148, %dma_start3A_149] : memref<3x32x1024xf32, #tpu.memory_space<vmem>> -> memref<1x32x1024xf32, #tpu.memory_space<vmem>>
    %dma_start3A_151 = tpu.memref_squeeze %dma_start3A_150 : memref<1x32x1024xf32, #tpu.memory_space<vmem>> -> memref<32x1024xf32, #tpu.memory_space<vmem>>
    tpu.enqueue_dma source(%dma_start3A_151 : memref<32x1024xf32, #tpu.memory_space<vmem>>) target(%dma_start3A_147 : memref<32x1024xf32, #tpu.memory_space<hbm>>) target_semaphore(%arg12 : memref<!tpu.dma_semaphore, #tpu.memory_space<semaphore_mem>>)
    %dma_wait3A_152 = arith.constant 2 : i32
    %dma_wait3A_153 = arith.constant 0 : i32
    %dma_wait3A_154 = arith.constant 0 : i32
    %dma_wait3A_155 = tpu.memref_slice %arg6[%dma_wait3A_152, %dma_wait3A_153, %dma_wait3A_154] : memref<3x32x1024xf32, #tpu.memory_space<vmem>> -> memref<1x32x1024xf32, #tpu.memory_space<vmem>>
    %dma_wait3A_156 = tpu.memref_squeeze %dma_wait3A_155 : memref<1x32x1024xf32, #tpu.memory_space<vmem>> -> memref<32x1024xf32, #tpu.memory_space<vmem>>
    %dma_wait3A_157 = arith.constant 0 : i32
    %dma_wait3A_158 = tpu.memref_slice %arg4[%add3A_138, %dma_wait3A_157] : memref<9216x1024xf32, #tpu.memory_space<hbm>> -> memref<32x1024xf32, #tpu.memory_space<hbm>>
    %dma_wait3A_159 = arith.constant 0 : i32
    %dma_wait3A_160 = tpu.memref_slice %arg4[%add3A_138, %dma_wait3A_159] : memref<9216x1024xf32, #tpu.memory_space<hbm>> -> memref<32x1024xf32, #tpu.memory_space<hbm>>
    %dma_wait3A_161 = arith.constant 0 : i32
    %dma_wait3A_162 = arith.constant 0 : i32
    %dma_wait3A_163 = tpu.memref_slice %arg6[%dma_wait3A_152, %dma_wait3A_161, %dma_wait3A_162] : memref<3x32x1024xf32, #tpu.memory_space<vmem>> -> memref<1x32x1024xf32, #tpu.memory_space<vmem>>
    %dma_wait3A_164 = tpu.memref_squeeze %dma_wait3A_163 : memref<1x32x1024xf32, #tpu.memory_space<vmem>> -> memref<32x1024xf32, #tpu.memory_space<vmem>>
    tpu.wait_dma2 semaphore(%arg12 : memref<!tpu.dma_semaphore, #tpu.memory_space<semaphore_mem>>) src(%dma_wait3A_164 : memref<32x1024xf32, #tpu.memory_space<vmem>>) dst(%dma_wait3A_160 : memref<32x1024xf32, #tpu.memory_space<hbm>>)
    %dma_start3A_165 = arith.constant 2 : i32
    %dma_start3A_166 = arith.constant 0 : i32
    %dma_start3A_167 = arith.constant 0 : i32
    %dma_start3A_168 = tpu.memref_slice %arg6[%dma_start3A_165, %dma_start3A_166, %dma_start3A_167] : memref<3x32x1024xf32, #tpu.memory_space<vmem>> -> memref<1x32x1024xf32, #tpu.memory_space<vmem>>
    %dma_start3A_169 = tpu.memref_squeeze %dma_start3A_168 : memref<1x32x1024xf32, #tpu.memory_space<vmem>> -> memref<32x1024xf32, #tpu.memory_space<vmem>>
    %dma_start3A_170 = arith.constant 160 : i32
    %dma_start3A_171 = tpu.memref_slice %arg5[%dma_start3A_170] : memref<288xi32, #tpu.memory_space<vmem>> -> memref<32xi32, #tpu.memory_space<vmem>>
    %dma_start3A_172 = arith.constant 0 : i32
    %dma_start3A_173 = arith.constant 0 : i32
    %dma_start3A_174 = tpu.memref_slice %arg2[%dma_start3A_172, %dma_start3A_173] : memref<4096x1024xf32, #tpu.memory_space<hbm>> -> memref<4096x1024xf32, #tpu.memory_space<hbm>>
    tpu.enqueue_indirect_dma source(%dma_start3A_174 : memref<4096x1024xf32, #tpu.memory_space<hbm>>) target(%dma_start3A_169 : memref<32x1024xf32, #tpu.memory_space<vmem>>) offsets(%dma_start3A_171 : memref<32xi32, #tpu.memory_space<vmem>>) semaphore(%arg9 : memref<!tpu.dma_semaphore, #tpu.memory_space<semaphore_mem>>)
    %dma_wait3A_175 = arith.constant 0 : i32
    %dma_wait3A_176 = arith.constant 0 : i32
    %dma_wait3A_177 = arith.constant 0 : i32
    %dma_wait3A_178 = tpu.memref_slice %arg6[%dma_wait3A_175, %dma_wait3A_176, %dma_wait3A_177] : memref<3x32x1024xf32, #tpu.memory_space<vmem>> -> memref<1x32x1024xf32, #tpu.memory_space<vmem>>
    %dma_wait3A_179 = tpu.memref_squeeze %dma_wait3A_178 : memref<1x32x1024xf32, #tpu.memory_space<vmem>> -> memref<32x1024xf32, #tpu.memory_space<vmem>>
    %dma_wait3A_180 = arith.constant 96 : i32
    %dma_wait3A_181 = tpu.memref_slice %arg5[%dma_wait3A_180] : memref<288xi32, #tpu.memory_space<vmem>> -> memref<32xi32, #tpu.memory_space<vmem>>
    %dma_wait3A_182 = arith.constant 0 : i32
    %dma_wait3A_183 = arith.constant 0 : i32
    %dma_wait3A_184 = tpu.memref_slice %arg2[%dma_wait3A_182, %dma_wait3A_183] : memref<4096x1024xf32, #tpu.memory_space<hbm>> -> memref<4096x1024xf32, #tpu.memory_space<hbm>>
    tpu.wait_indirect_dma semaphore(%arg7 : memref<!tpu.dma_semaphore, #tpu.memory_space<semaphore_mem>>) src(%dma_wait3A_184 : memref<4096x1024xf32, #tpu.memory_space<hbm>>) dst(%dma_wait3A_179 : memref<32x1024xf32, #tpu.memory_space<vmem>>)
    %add3A_185 = arith.constant 96 : i32
    %add3A_186 = arith.addi %mul3A_2, %add3A_185 : i32
    %dma_start3A_187 = arith.constant 0 : i32
    %dma_start3A_188 = arith.constant 0 : i32
    %dma_start3A_189 = arith.constant 0 : i32
    %dma_start3A_190 = tpu.memref_slice %arg6[%dma_start3A_187, %dma_start3A_188, %dma_start3A_189] : memref<3x32x1024xf32, #tpu.memory_space<vmem>> -> memref<1x32x1024xf32, #tpu.memory_space<vmem>>
    %dma_start3A_191 = tpu.memref_squeeze %dma_start3A_190 : memref<1x32x1024xf32, #tpu.memory_space<vmem>> -> memref<32x1024xf32, #tpu.memory_space<vmem>>
    %dma_start3A_192 = arith.constant 0 : i32
    %dma_start3A_193 = tpu.memref_slice %arg4[%add3A_186, %dma_start3A_192] : memref<9216x1024xf32, #tpu.memory_space<hbm>> -> memref<32x1024xf32, #tpu.memory_space<hbm>>
    %dma_start3A_194 = arith.constant 0 : i32
    %dma_start3A_195 = tpu.memref_slice %arg4[%add3A_186, %dma_start3A_194] : memref<9216x1024xf32, #tpu.memory_space<hbm>> -> memref<32x1024xf32, #tpu.memory_space<hbm>>
    %dma_start3A_196 = arith.constant 0 : i32
    %dma_start3A_197 = arith.constant 0 : i32
    %dma_start3A_198 = tpu.memref_slice %arg6[%dma_start3A_187, %dma_start3A_196, %dma_start3A_197] : memref<3x32x1024xf32, #tpu.memory_space<vmem>> -> memref<1x32x1024xf32, #tpu.memory_space<vmem>>
    %dma_start3A_199 = tpu.memref_squeeze %dma_start3A_198 : memref<1x32x1024xf32, #tpu.memory_space<vmem>> -> memref<32x1024xf32, #tpu.memory_space<vmem>>
    tpu.enqueue_dma source(%dma_start3A_199 : memref<32x1024xf32, #tpu.memory_space<vmem>>) target(%dma_start3A_195 : memref<32x1024xf32, #tpu.memory_space<hbm>>) target_semaphore(%arg10 : memref<!tpu.dma_semaphore, #tpu.memory_space<semaphore_mem>>)
    %dma_wait3A_200 = arith.constant 0 : i32
    %dma_wait3A_201 = arith.constant 0 : i32
    %dma_wait3A_202 = arith.constant 0 : i32
    %dma_wait3A_203 = tpu.memref_slice %arg6[%dma_wait3A_200, %dma_wait3A_201, %dma_wait3A_202] : memref<3x32x1024xf32, #tpu.memory_space<vmem>> -> memref<1x32x1024xf32, #tpu.memory_space<vmem>>
    %dma_wait3A_204 = tpu.memref_squeeze %dma_wait3A_203 : memref<1x32x1024xf32, #tpu.memory_space<vmem>> -> memref<32x1024xf32, #tpu.memory_space<vmem>>
    %dma_wait3A_205 = arith.constant 0 : i32
    %dma_wait3A_206 = tpu.memref_slice %arg4[%add3A_186, %dma_wait3A_205] : memref<9216x1024xf32, #tpu.memory_space<hbm>> -> memref<32x1024xf32, #tpu.memory_space<hbm>>
    %dma_wait3A_207 = arith.constant 0 : i32
    %dma_wait3A_208 = tpu.memref_slice %arg4[%add3A_186, %dma_wait3A_207] : memref<9216x1024xf32, #tpu.memory_space<hbm>> -> memref<32x1024xf32, #tpu.memory_space<hbm>>
    %dma_wait3A_209 = arith.constant 0 : i32
    %dma_wait3A_210 = arith.constant 0 : i32
    %dma_wait3A_211 = tpu.memref_slice %arg6[%dma_wait3A_200, %dma_wait3A_209, %dma_wait3A_210] : memref<3x32x1024xf32, #tpu.memory_space<vmem>> -> memref<1x32x1024xf32, #tpu.memory_space<vmem>>
    %dma_wait3A_212 = tpu.memref_squeeze %dma_wait3A_211 : memref<1x32x1024xf32, #tpu.memory_space<vmem>> -> memref<32x1024xf32, #tpu.memory_space<vmem>>
    tpu.wait_dma2 semaphore(%arg10 : memref<!tpu.dma_semaphore, #tpu.memory_space<semaphore_mem>>) src(%dma_wait3A_212 : memref<32x1024xf32, #tpu.memory_space<vmem>>) dst(%dma_wait3A_208 : memref<32x1024xf32, #tpu.memory_space<hbm>>)
    %dma_start3A_213 = arith.constant 0 : i32
    %dma_start3A_214 = arith.constant 0 : i32
    %dma_start3A_215 = arith.constant 0 : i32
    %dma_start3A_216 = tpu.memref_slice %arg6[%dma_start3A_213, %dma_start3A_214, %dma_start3A_215] : memref<3x32x1024xf32, #tpu.memory_space<vmem>> -> memref<1x32x1024xf32, #tpu.memory_space<vmem>>
    %dma_start3A_217 = tpu.memref_squeeze %dma_start3A_216 : memref<1x32x1024xf32, #tpu.memory_space<vmem>> -> memref<32x1024xf32, #tpu.memory_space<vmem>>
    %dma_start3A_218 = arith.constant 192 : i32
    %dma_start3A_219 = tpu.memref_slice %arg5[%dma_start3A_218] : memref<288xi32, #tpu.memory_space<vmem>> -> memref<32xi32, #tpu.memory_space<vmem>>
    %dma_start3A_220 = arith.constant 0 : i32
    %dma_start3A_221 = arith.constant 0 : i32
    %dma_start3A_222 = tpu.memref_slice %arg2[%dma_start3A_220, %dma_start3A_221] : memref<4096x1024xf32, #tpu.memory_space<hbm>> -> memref<4096x1024xf32, #tpu.memory_space<hbm>>
    tpu.enqueue_indirect_dma source(%dma_start3A_222 : memref<4096x1024xf32, #tpu.memory_space<hbm>>) target(%dma_start3A_217 : memref<32x1024xf32, #tpu.memory_space<vmem>>) offsets(%dma_start3A_219 : memref<32xi32, #tpu.memory_space<vmem>>) semaphore(%arg7 : memref<!tpu.dma_semaphore, #tpu.memory_space<semaphore_mem>>)
    %dma_wait3A_223 = arith.constant 1 : i32
    %dma_wait3A_224 = arith.constant 0 : i32
    %dma_wait3A_225 = arith.constant 0 : i32
    %dma_wait3A_226 = tpu.memref_slice %arg6[%dma_wait3A_223, %dma_wait3A_224, %dma_wait3A_225] : memref<3x32x1024xf32, #tpu.memory_space<vmem>> -> memref<1x32x1024xf32, #tpu.memory_space<vmem>>
    %dma_wait3A_227 = tpu.memref_squeeze %dma_wait3A_226 : memref<1x32x1024xf32, #tpu.memory_space<vmem>> -> memref<32x1024xf32, #tpu.memory_space<vmem>>
    %dma_wait3A_228 = arith.constant 128 : i32
    %dma_wait3A_229 = tpu.memref_slice %arg5[%dma_wait3A_228] : memref<288xi32, #tpu.memory_space<vmem>> -> memref<32xi32, #tpu.memory_space<vmem>>
    %dma_wait3A_230 = arith.constant 0 : i32
    %dma_wait3A_231 = arith.constant 0 : i32
    %dma_wait3A_232 = tpu.memref_slice %arg2[%dma_wait3A_230, %dma_wait3A_231] : memref<4096x1024xf32, #tpu.memory_space<hbm>> -> memref<4096x1024xf32, #tpu.memory_space<hbm>>
    tpu.wait_indirect_dma semaphore(%arg8 : memref<!tpu.dma_semaphore, #tpu.memory_space<semaphore_mem>>) src(%dma_wait3A_232 : memref<4096x1024xf32, #tpu.memory_space<hbm>>) dst(%dma_wait3A_227 : memref<32x1024xf32, #tpu.memory_space<vmem>>)
    %add3A_233 = arith.constant 128 : i32
    %add3A_234 = arith.addi %mul3A_2, %add3A_233 : i32
    %dma_start3A_235 = arith.constant 1 : i32
    %dma_start3A_236 = arith.constant 0 : i32
    %dma_start3A_237 = arith.constant 0 : i32
    %dma_start3A_238 = tpu.memref_slice %arg6[%dma_start3A_235, %dma_start3A_236, %dma_start3A_237] : memref<3x32x1024xf32, #tpu.memory_space<vmem>> -> memref<1x32x1024xf32, #tpu.memory_space<vmem>>
    %dma_start3A_239 = tpu.memref_squeeze %dma_start3A_238 : memref<1x32x1024xf32, #tpu.memory_space<vmem>> -> memref<32x1024xf32, #tpu.memory_space<vmem>>
    %dma_start3A_240 = arith.constant 0 : i32
    %dma_start3A_241 = tpu.memref_slice %arg4[%add3A_234, %dma_start3A_240] : memref<9216x1024xf32, #tpu.memory_space<hbm>> -> memref<32x1024xf32, #tpu.memory_space<hbm>>
    %dma_start3A_242 = arith.constant 0 : i32
    %dma_start3A_243 = tpu.memref_slice %arg4[%add3A_234, %dma_start3A_242] : memref<9216x1024xf32, #tpu.memory_space<hbm>> -> memref<32x1024xf32, #tpu.memory_space<hbm>>
    %dma_start3A_244 = arith.constant 0 : i32
    %dma_start3A_245 = arith.constant 0 : i32
    %dma_start3A_246 = tpu.memref_slice %arg6[%dma_start3A_235, %dma_start3A_244, %dma_start3A_245] : memref<3x32x1024xf32, #tpu.memory_space<vmem>> -> memref<1x32x1024xf32, #tpu.memory_space<vmem>>
    %dma_start3A_247 = tpu.memref_squeeze %dma_start3A_246 : memref<1x32x1024xf32, #tpu.memory_space<vmem>> -> memref<32x1024xf32, #tpu.memory_space<vmem>>
    tpu.enqueue_dma source(%dma_start3A_247 : memref<32x1024xf32, #tpu.memory_space<vmem>>) target(%dma_start3A_243 : memref<32x1024xf32, #tpu.memory_space<hbm>>) target_semaphore(%arg11 : memref<!tpu.dma_semaphore, #tpu.memory_space<semaphore_mem>>)
    %dma_wait3A_248 = arith.constant 1 : i32
    %dma_wait3A_249 = arith.constant 0 : i32
    %dma_wait3A_250 = arith.constant 0 : i32
    %dma_wait3A_251 = tpu.memref_slice %arg6[%dma_wait3A_248, %dma_wait3A_249, %dma_wait3A_250] : memref<3x32x1024xf32, #tpu.memory_space<vmem>> -> memref<1x32x1024xf32, #tpu.memory_space<vmem>>
    %dma_wait3A_252 = tpu.memref_squeeze %dma_wait3A_251 : memref<1x32x1024xf32, #tpu.memory_space<vmem>> -> memref<32x1024xf32, #tpu.memory_space<vmem>>
    %dma_wait3A_253 = arith.constant 0 : i32
    %dma_wait3A_254 = tpu.memref_slice %arg4[%add3A_234, %dma_wait3A_253] : memref<9216x1024xf32, #tpu.memory_space<hbm>> -> memref<32x1024xf32, #tpu.memory_space<hbm>>
    %dma_wait3A_255 = arith.constant 0 : i32
    %dma_wait3A_256 = tpu.memref_slice %arg4[%add3A_234, %dma_wait3A_255] : memref<9216x1024xf32, #tpu.memory_space<hbm>> -> memref<32x1024xf32, #tpu.memory_space<hbm>>
    %dma_wait3A_257 = arith.constant 0 : i32
    %dma_wait3A_258 = arith.constant 0 : i32
    %dma_wait3A_259 = tpu.memref_slice %arg6[%dma_wait3A_248, %dma_wait3A_257, %dma_wait3A_258] : memref<3x32x1024xf32, #tpu.memory_space<vmem>> -> memref<1x32x1024xf32, #tpu.memory_space<vmem>>
    %dma_wait3A_260 = tpu.memref_squeeze %dma_wait3A_259 : memref<1x32x1024xf32, #tpu.memory_space<vmem>> -> memref<32x1024xf32, #tpu.memory_space<vmem>>
    tpu.wait_dma2 semaphore(%arg11 : memref<!tpu.dma_semaphore, #tpu.memory_space<semaphore_mem>>) src(%dma_wait3A_260 : memref<32x1024xf32, #tpu.memory_space<vmem>>) dst(%dma_wait3A_256 : memref<32x1024xf32, #tpu.memory_space<hbm>>)
    %dma_start3A_261 = arith.constant 1 : i32
    %dma_start3A_262 = arith.constant 0 : i32
    %dma_start3A_263 = arith.constant 0 : i32
    %dma_start3A_264 = tpu.memref_slice %arg6[%dma_start3A_261, %dma_start3A_262, %dma_start3A_263] : memref<3x32x1024xf32, #tpu.memory_space<vmem>> -> memref<1x32x1024xf32, #tpu.memory_space<vmem>>
    %dma_start3A_265 = tpu.memref_squeeze %dma_start3A_264 : memref<1x32x1024xf32, #tpu.memory_space<vmem>> -> memref<32x1024xf32, #tpu.memory_space<vmem>>
    %dma_start3A_266 = arith.constant 224 : i32
    %dma_start3A_267 = tpu.memref_slice %arg5[%dma_start3A_266] : memref<288xi32, #tpu.memory_space<vmem>> -> memref<32xi32, #tpu.memory_space<vmem>>
    %dma_start3A_268 = arith.constant 0 : i32
    %dma_start3A_269 = arith.constant 0 : i32
    %dma_start3A_270 = tpu.memref_slice %arg2[%dma_start3A_268, %dma_start3A_269] : memref<4096x1024xf32, #tpu.memory_space<hbm>> -> memref<4096x1024xf32, #tpu.memory_space<hbm>>
    tpu.enqueue_indirect_dma source(%dma_start3A_270 : memref<4096x1024xf32, #tpu.memory_space<hbm>>) target(%dma_start3A_265 : memref<32x1024xf32, #tpu.memory_space<vmem>>) offsets(%dma_start3A_267 : memref<32xi32, #tpu.memory_space<vmem>>) semaphore(%arg8 : memref<!tpu.dma_semaphore, #tpu.memory_space<semaphore_mem>>)
    %dma_wait3A_271 = arith.constant 2 : i32
    %dma_wait3A_272 = arith.constant 0 : i32
    %dma_wait3A_273 = arith.constant 0 : i32
    %dma_wait3A_274 = tpu.memref_slice %arg6[%dma_wait3A_271, %dma_wait3A_272, %dma_wait3A_273] : memref<3x32x1024xf32, #tpu.memory_space<vmem>> -> memref<1x32x1024xf32, #tpu.memory_space<vmem>>
    %dma_wait3A_275 = tpu.memref_squeeze %dma_wait3A_274 : memref<1x32x1024xf32, #tpu.memory_space<vmem>> -> memref<32x1024xf32, #tpu.memory_space<vmem>>
    %dma_wait3A_276 = arith.constant 160 : i32
    %dma_wait3A_277 = tpu.memref_slice %arg5[%dma_wait3A_276] : memref<288xi32, #tpu.memory_space<vmem>> -> memref<32xi32, #tpu.memory_space<vmem>>
    %dma_wait3A_278 = arith.constant 0 : i32
    %dma_wait3A_279 = arith.constant 0 : i32
    %dma_wait3A_280 = tpu.memref_slice %arg2[%dma_wait3A_278, %dma_wait3A_279] : memref<4096x1024xf32, #tpu.memory_space<hbm>> -> memref<4096x1024xf32, #tpu.memory_space<hbm>>
    tpu.wait_indirect_dma semaphore(%arg9 : memref<!tpu.dma_semaphore, #tpu.memory_space<semaphore_mem>>) src(%dma_wait3A_280 : memref<4096x1024xf32, #tpu.memory_space<hbm>>) dst(%dma_wait3A_275 : memref<32x1024xf32, #tpu.memory_space<vmem>>)
    %add3A_281 = arith.constant 160 : i32
    %add3A_282 = arith.addi %mul3A_2, %add3A_281 : i32
    %dma_start3A_283 = arith.constant 2 : i32
    %dma_start3A_284 = arith.constant 0 : i32
    %dma_start3A_285 = arith.constant 0 : i32
    %dma_start3A_286 = tpu.memref_slice %arg6[%dma_start3A_283, %dma_start3A_284, %dma_start3A_285] : memref<3x32x1024xf32, #tpu.memory_space<vmem>> -> memref<1x32x1024xf32, #tpu.memory_space<vmem>>
    %dma_start3A_287 = tpu.memref_squeeze %dma_start3A_286 : memref<1x32x1024xf32, #tpu.memory_space<vmem>> -> memref<32x1024xf32, #tpu.memory_space<vmem>>
    %dma_start3A_288 = arith.constant 0 : i32
    %dma_start3A_289 = tpu.memref_slice %arg4[%add3A_282, %dma_start3A_288] : memref<9216x1024xf32, #tpu.memory_space<hbm>> -> memref<32x1024xf32, #tpu.memory_space<hbm>>
    %dma_start3A_290 = arith.constant 0 : i32
    %dma_start3A_291 = tpu.memref_slice %arg4[%add3A_282, %dma_start3A_290] : memref<9216x1024xf32, #tpu.memory_space<hbm>> -> memref<32x1024xf32, #tpu.memory_space<hbm>>
    %dma_start3A_292 = arith.constant 0 : i32
    %dma_start3A_293 = arith.constant 0 : i32
    %dma_start3A_294 = tpu.memref_slice %arg6[%dma_start3A_283, %dma_start3A_292, %dma_start3A_293] : memref<3x32x1024xf32, #tpu.memory_space<vmem>> -> memref<1x32x1024xf32, #tpu.memory_space<vmem>>
    %dma_start3A_295 = tpu.memref_squeeze %dma_start3A_294 : memref<1x32x1024xf32, #tpu.memory_space<vmem>> -> memref<32x1024xf32, #tpu.memory_space<vmem>>
    tpu.enqueue_dma source(%dma_start3A_295 : memref<32x1024xf32, #tpu.memory_space<vmem>>) target(%dma_start3A_291 : memref<32x1024xf32, #tpu.memory_space<hbm>>) target_semaphore(%arg12 : memref<!tpu.dma_semaphore, #tpu.memory_space<semaphore_mem>>)
    %dma_wait3A_296 = arith.constant 2 : i32
    %dma_wait3A_297 = arith.constant 0 : i32
    %dma_wait3A_298 = arith.constant 0 : i32
    %dma_wait3A_299 = tpu.memref_slice %arg6[%dma_wait3A_296, %dma_wait3A_297, %dma_wait3A_298] : memref<3x32x1024xf32, #tpu.memory_space<vmem>> -> memref<1x32x1024xf32, #tpu.memory_space<vmem>>
    %dma_wait3A_300 = tpu.memref_squeeze %dma_wait3A_299 : memref<1x32x1024xf32, #tpu.memory_space<vmem>> -> memref<32x1024xf32, #tpu.memory_space<vmem>>
    %dma_wait3A_301 = arith.constant 0 : i32
    %dma_wait3A_302 = tpu.memref_slice %arg4[%add3A_282, %dma_wait3A_301] : memref<9216x1024xf32, #tpu.memory_space<hbm>> -> memref<32x1024xf32, #tpu.memory_space<hbm>>
    %dma_wait3A_303 = arith.constant 0 : i32
    %dma_wait3A_304 = tpu.memref_slice %arg4[%add3A_282, %dma_wait3A_303] : memref<9216x1024xf32, #tpu.memory_space<hbm>> -> memref<32x1024xf32, #tpu.memory_space<hbm>>
    %dma_wait3A_305 = arith.constant 0 : i32
    %dma_wait3A_306 = arith.constant 0 : i32
    %dma_wait3A_307 = tpu.memref_slice %arg6[%dma_wait3A_296, %dma_wait3A_305, %dma_wait3A_306] : memref<3x32x1024xf32, #tpu.memory_space<vmem>> -> memref<1x32x1024xf32, #tpu.memory_space<vmem>>
    %dma_wait3A_308 = tpu.memref_squeeze %dma_wait3A_307 : memref<1x32x1024xf32, #tpu.memory_space<vmem>> -> memref<32x1024xf32, #tpu.memory_space<vmem>>
    tpu.wait_dma2 semaphore(%arg12 : memref<!tpu.dma_semaphore, #tpu.memory_space<semaphore_mem>>) src(%dma_wait3A_308 : memref<32x1024xf32, #tpu.memory_space<vmem>>) dst(%dma_wait3A_304 : memref<32x1024xf32, #tpu.memory_space<hbm>>)
    %dma_start3A_309 = arith.constant 2 : i32
    %dma_start3A_310 = arith.constant 0 : i32
    %dma_start3A_311 = arith.constant 0 : i32
    %dma_start3A_312 = tpu.memref_slice %arg6[%dma_start3A_309, %dma_start3A_310, %dma_start3A_311] : memref<3x32x1024xf32, #tpu.memory_space<vmem>> -> memref<1x32x1024xf32, #tpu.memory_space<vmem>>
    %dma_start3A_313 = tpu.memref_squeeze %dma_start3A_312 : memref<1x32x1024xf32, #tpu.memory_space<vmem>> -> memref<32x1024xf32, #tpu.memory_space<vmem>>
    %dma_start3A_314 = arith.constant 256 : i32
    %dma_start3A_315 = tpu.memref_slice %arg5[%dma_start3A_314] : memref<288xi32, #tpu.memory_space<vmem>> -> memref<32xi32, #tpu.memory_space<vmem>>
    %dma_start3A_316 = arith.constant 0 : i32
    %dma_start3A_317 = arith.constant 0 : i32
    %dma_start3A_318 = tpu.memref_slice %arg2[%dma_start3A_316, %dma_start3A_317] : memref<4096x1024xf32, #tpu.memory_space<hbm>> -> memref<4096x1024xf32, #tpu.memory_space<hbm>>
    tpu.enqueue_indirect_dma source(%dma_start3A_318 : memref<4096x1024xf32, #tpu.memory_space<hbm>>) target(%dma_start3A_313 : memref<32x1024xf32, #tpu.memory_space<vmem>>) offsets(%dma_start3A_315 : memref<32xi32, #tpu.memory_space<vmem>>) semaphore(%arg9 : memref<!tpu.dma_semaphore, #tpu.memory_space<semaphore_mem>>)
    %dma_wait3A_319 = arith.constant 0 : i32
    %dma_wait3A_320 = arith.constant 0 : i32
    %dma_wait3A_321 = arith.constant 0 : i32
    %dma_wait3A_322 = tpu.memref_slice %arg6[%dma_wait3A_319, %dma_wait3A_320, %dma_wait3A_321] : memref<3x32x1024xf32, #tpu.memory_space<vmem>> -> memref<1x32x1024xf32, #tpu.memory_space<vmem>>
    %dma_wait3A_323 = tpu.memref_squeeze %dma_wait3A_322 : memref<1x32x1024xf32, #tpu.memory_space<vmem>> -> memref<32x1024xf32, #tpu.memory_space<vmem>>
    %dma_wait3A_324 = arith.constant 192 : i32
    %dma_wait3A_325 = tpu.memref_slice %arg5[%dma_wait3A_324] : memref<288xi32, #tpu.memory_space<vmem>> -> memref<32xi32, #tpu.memory_space<vmem>>
    %dma_wait3A_326 = arith.constant 0 : i32
    %dma_wait3A_327 = arith.constant 0 : i32
    %dma_wait3A_328 = tpu.memref_slice %arg2[%dma_wait3A_326, %dma_wait3A_327] : memref<4096x1024xf32, #tpu.memory_space<hbm>> -> memref<4096x1024xf32, #tpu.memory_space<hbm>>
    tpu.wait_indirect_dma semaphore(%arg7 : memref<!tpu.dma_semaphore, #tpu.memory_space<semaphore_mem>>) src(%dma_wait3A_328 : memref<4096x1024xf32, #tpu.memory_space<hbm>>) dst(%dma_wait3A_323 : memref<32x1024xf32, #tpu.memory_space<vmem>>)
    %add3A_329 = arith.constant 192 : i32
    %add3A_330 = arith.addi %mul3A_2, %add3A_329 : i32
    %dma_start3A_331 = arith.constant 0 : i32
    %dma_start3A_332 = arith.constant 0 : i32
    %dma_start3A_333 = arith.constant 0 : i32
    %dma_start3A_334 = tpu.memref_slice %arg6[%dma_start3A_331, %dma_start3A_332, %dma_start3A_333] : memref<3x32x1024xf32, #tpu.memory_space<vmem>> -> memref<1x32x1024xf32, #tpu.memory_space<vmem>>
    %dma_start3A_335 = tpu.memref_squeeze %dma_start3A_334 : memref<1x32x1024xf32, #tpu.memory_space<vmem>> -> memref<32x1024xf32, #tpu.memory_space<vmem>>
    %dma_start3A_336 = arith.constant 0 : i32
    %dma_start3A_337 = tpu.memref_slice %arg4[%add3A_330, %dma_start3A_336] : memref<9216x1024xf32, #tpu.memory_space<hbm>> -> memref<32x1024xf32, #tpu.memory_space<hbm>>
    %dma_start3A_338 = arith.constant 0 : i32
    %dma_start3A_339 = tpu.memref_slice %arg4[%add3A_330, %dma_start3A_338] : memref<9216x1024xf32, #tpu.memory_space<hbm>> -> memref<32x1024xf32, #tpu.memory_space<hbm>>
    %dma_start3A_340 = arith.constant 0 : i32
    %dma_start3A_341 = arith.constant 0 : i32
    %dma_start3A_342 = tpu.memref_slice %arg6[%dma_start3A_331, %dma_start3A_340, %dma_start3A_341] : memref<3x32x1024xf32, #tpu.memory_space<vmem>> -> memref<1x32x1024xf32, #tpu.memory_space<vmem>>
    %dma_start3A_343 = tpu.memref_squeeze %dma_start3A_342 : memref<1x32x1024xf32, #tpu.memory_space<vmem>> -> memref<32x1024xf32, #tpu.memory_space<vmem>>
    tpu.enqueue_dma source(%dma_start3A_343 : memref<32x1024xf32, #tpu.memory_space<vmem>>) target(%dma_start3A_339 : memref<32x1024xf32, #tpu.memory_space<hbm>>) target_semaphore(%arg10 : memref<!tpu.dma_semaphore, #tpu.memory_space<semaphore_mem>>)
    %dma_wait3A_344 = arith.constant 1 : i32
    %dma_wait3A_345 = arith.constant 0 : i32
    %dma_wait3A_346 = arith.constant 0 : i32
    %dma_wait3A_347 = tpu.memref_slice %arg6[%dma_wait3A_344, %dma_wait3A_345, %dma_wait3A_346] : memref<3x32x1024xf32, #tpu.memory_space<vmem>> -> memref<1x32x1024xf32, #tpu.memory_space<vmem>>
    %dma_wait3A_348 = tpu.memref_squeeze %dma_wait3A_347 : memref<1x32x1024xf32, #tpu.memory_space<vmem>> -> memref<32x1024xf32, #tpu.memory_space<vmem>>
    %dma_wait3A_349 = arith.constant 224 : i32
    %dma_wait3A_350 = tpu.memref_slice %arg5[%dma_wait3A_349] : memref<288xi32, #tpu.memory_space<vmem>> -> memref<32xi32, #tpu.memory_space<vmem>>
    %dma_wait3A_351 = arith.constant 0 : i32
    %dma_wait3A_352 = arith.constant 0 : i32
    %dma_wait3A_353 = tpu.memref_slice %arg2[%dma_wait3A_351, %dma_wait3A_352] : memref<4096x1024xf32, #tpu.memory_space<hbm>> -> memref<4096x1024xf32, #tpu.memory_space<hbm>>
    tpu.wait_indirect_dma semaphore(%arg8 : memref<!tpu.dma_semaphore, #tpu.memory_space<semaphore_mem>>) src(%dma_wait3A_353 : memref<4096x1024xf32, #tpu.memory_space<hbm>>) dst(%dma_wait3A_348 : memref<32x1024xf32, #tpu.memory_space<vmem>>)
    %add3A_354 = arith.constant 224 : i32
    %add3A_355 = arith.addi %mul3A_2, %add3A_354 : i32
    %dma_start3A_356 = arith.constant 1 : i32
    %dma_start3A_357 = arith.constant 0 : i32
    %dma_start3A_358 = arith.constant 0 : i32
    %dma_start3A_359 = tpu.memref_slice %arg6[%dma_start3A_356, %dma_start3A_357, %dma_start3A_358] : memref<3x32x1024xf32, #tpu.memory_space<vmem>> -> memref<1x32x1024xf32, #tpu.memory_space<vmem>>
    %dma_start3A_360 = tpu.memref_squeeze %dma_start3A_359 : memref<1x32x1024xf32, #tpu.memory_space<vmem>> -> memref<32x1024xf32, #tpu.memory_space<vmem>>
    %dma_start3A_361 = arith.constant 0 : i32
    %dma_start3A_362 = tpu.memref_slice %arg4[%add3A_355, %dma_start3A_361] : memref<9216x1024xf32, #tpu.memory_space<hbm>> -> memref<32x1024xf32, #tpu.memory_space<hbm>>
    %dma_start3A_363 = arith.constant 0 : i32
    %dma_start3A_364 = tpu.memref_slice %arg4[%add3A_355, %dma_start3A_363] : memref<9216x1024xf32, #tpu.memory_space<hbm>> -> memref<32x1024xf32, #tpu.memory_space<hbm>>
    %dma_start3A_365 = arith.constant 0 : i32
    %dma_start3A_366 = arith.constant 0 : i32
    %dma_start3A_367 = tpu.memref_slice %arg6[%dma_start3A_356, %dma_start3A_365, %dma_start3A_366] : memref<3x32x1024xf32, #tpu.memory_space<vmem>> -> memref<1x32x1024xf32, #tpu.memory_space<vmem>>
    %dma_start3A_368 = tpu.memref_squeeze %dma_start3A_367 : memref<1x32x1024xf32, #tpu.memory_space<vmem>> -> memref<32x1024xf32, #tpu.memory_space<vmem>>
    tpu.enqueue_dma source(%dma_start3A_368 : memref<32x1024xf32, #tpu.memory_space<vmem>>) target(%dma_start3A_364 : memref<32x1024xf32, #tpu.memory_space<hbm>>) target_semaphore(%arg11 : memref<!tpu.dma_semaphore, #tpu.memory_space<semaphore_mem>>)
    %dma_wait3A_369 = arith.constant 2 : i32
    %dma_wait3A_370 = arith.constant 0 : i32
    %dma_wait3A_371 = arith.constant 0 : i32
    %dma_wait3A_372 = tpu.memref_slice %arg6[%dma_wait3A_369, %dma_wait3A_370, %dma_wait3A_371] : memref<3x32x1024xf32, #tpu.memory_space<vmem>> -> memref<1x32x1024xf32, #tpu.memory_space<vmem>>
    %dma_wait3A_373 = tpu.memref_squeeze %dma_wait3A_372 : memref<1x32x1024xf32, #tpu.memory_space<vmem>> -> memref<32x1024xf32, #tpu.memory_space<vmem>>
    %dma_wait3A_374 = arith.constant 256 : i32
    %dma_wait3A_375 = tpu.memref_slice %arg5[%dma_wait3A_374] : memref<288xi32, #tpu.memory_space<vmem>> -> memref<32xi32, #tpu.memory_space<vmem>>
    %dma_wait3A_376 = arith.constant 0 : i32
    %dma_wait3A_377 = arith.constant 0 : i32
    %dma_wait3A_378 = tpu.memref_slice %arg2[%dma_wait3A_376, %dma_wait3A_377] : memref<4096x1024xf32, #tpu.memory_space<hbm>> -> memref<4096x1024xf32, #tpu.memory_space<hbm>>
    tpu.wait_indirect_dma semaphore(%arg9 : memref<!tpu.dma_semaphore, #tpu.memory_space<semaphore_mem>>) src(%dma_wait3A_378 : memref<4096x1024xf32, #tpu.memory_space<hbm>>) dst(%dma_wait3A_373 : memref<32x1024xf32, #tpu.memory_space<vmem>>)
    %add3A_379 = arith.constant 256 : i32
    %add3A_380 = arith.addi %mul3A_2, %add3A_379 : i32
    %dma_start3A_381 = arith.constant 2 : i32
    %dma_start3A_382 = arith.constant 0 : i32
    %dma_start3A_383 = arith.constant 0 : i32
    %dma_start3A_384 = tpu.memref_slice %arg6[%dma_start3A_381, %dma_start3A_382, %dma_start3A_383] : memref<3x32x1024xf32, #tpu.memory_space<vmem>> -> memref<1x32x1024xf32, #tpu.memory_space<vmem>>
    %dma_start3A_385 = tpu.memref_squeeze %dma_start3A_384 : memref<1x32x1024xf32, #tpu.memory_space<vmem>> -> memref<32x1024xf32, #tpu.memory_space<vmem>>
    %dma_start3A_386 = arith.constant 0 : i32
    %dma_start3A_387 = tpu.memref_slice %arg4[%add3A_380, %dma_start3A_386] : memref<9216x1024xf32, #tpu.memory_space<hbm>> -> memref<32x1024xf32, #tpu.memory_space<hbm>>
    %dma_start3A_388 = arith.constant 0 : i32
    %dma_start3A_389 = tpu.memref_slice %arg4[%add3A_380, %dma_start3A_388] : memref<9216x1024xf32, #tpu.memory_space<hbm>> -> memref<32x1024xf32, #tpu.memory_space<hbm>>
    %dma_start3A_390 = arith.constant 0 : i32
    %dma_start3A_391 = arith.constant 0 : i32
    %dma_start3A_392 = tpu.memref_slice %arg6[%dma_start3A_381, %dma_start3A_390, %dma_start3A_391] : memref<3x32x1024xf32, #tpu.memory_space<vmem>> -> memref<1x32x1024xf32, #tpu.memory_space<vmem>>
    %dma_start3A_393 = tpu.memref_squeeze %dma_start3A_392 : memref<1x32x1024xf32, #tpu.memory_space<vmem>> -> memref<32x1024xf32, #tpu.memory_space<vmem>>
    tpu.enqueue_dma source(%dma_start3A_393 : memref<32x1024xf32, #tpu.memory_space<vmem>>) target(%dma_start3A_389 : memref<32x1024xf32, #tpu.memory_space<hbm>>) target_semaphore(%arg12 : memref<!tpu.dma_semaphore, #tpu.memory_space<semaphore_mem>>)
    %dma_wait3A_394 = arith.constant 0 : i32
    %dma_wait3A_395 = arith.constant 0 : i32
    %dma_wait3A_396 = arith.constant 0 : i32
    %dma_wait3A_397 = tpu.memref_slice %arg6[%dma_wait3A_394, %dma_wait3A_395, %dma_wait3A_396] : memref<3x32x1024xf32, #tpu.memory_space<vmem>> -> memref<1x32x1024xf32, #tpu.memory_space<vmem>>
    %dma_wait3A_398 = tpu.memref_squeeze %dma_wait3A_397 : memref<1x32x1024xf32, #tpu.memory_space<vmem>> -> memref<32x1024xf32, #tpu.memory_space<vmem>>
    %dma_wait3A_399 = arith.constant 0 : i32
    %dma_wait3A_400 = tpu.memref_slice %arg4[%add3A_330, %dma_wait3A_399] : memref<9216x1024xf32, #tpu.memory_space<hbm>> -> memref<32x1024xf32, #tpu.memory_space<hbm>>
    %dma_wait3A_401 = arith.constant 0 : i32
    %dma_wait3A_402 = tpu.memref_slice %arg4[%add3A_330, %dma_wait3A_401] : memref<9216x1024xf32, #tpu.memory_space<hbm>> -> memref<32x1024xf32, #tpu.memory_space<hbm>>
    %dma_wait3A_403 = arith.constant 0 : i32
    %dma_wait3A_404 = arith.constant 0 : i32
    %dma_wait3A_405 = tpu.memref_slice %arg6[%dma_wait3A_394, %dma_wait3A_403, %dma_wait3A_404] : memref<3x32x1024xf32, #tpu.memory_space<vmem>> -> memref<1x32x1024xf32, #tpu.memory_space<vmem>>
    %dma_wait3A_406 = tpu.memref_squeeze %dma_wait3A_405 : memref<1x32x1024xf32, #tpu.memory_space<vmem>> -> memref<32x1024xf32, #tpu.memory_space<vmem>>
    tpu.wait_dma2 semaphore(%arg10 : memref<!tpu.dma_semaphore, #tpu.memory_space<semaphore_mem>>) src(%dma_wait3A_406 : memref<32x1024xf32, #tpu.memory_space<vmem>>) dst(%dma_wait3A_402 : memref<32x1024xf32, #tpu.memory_space<hbm>>)
    %dma_wait3A_407 = arith.constant 1 : i32
    %dma_wait3A_408 = arith.constant 0 : i32
    %dma_wait3A_409 = arith.constant 0 : i32
    %dma_wait3A_410 = tpu.memref_slice %arg6[%dma_wait3A_407, %dma_wait3A_408, %dma_wait3A_409] : memref<3x32x1024xf32, #tpu.memory_space<vmem>> -> memref<1x32x1024xf32, #tpu.memory_space<vmem>>
    %dma_wait3A_411 = tpu.memref_squeeze %dma_wait3A_410 : memref<1x32x1024xf32, #tpu.memory_space<vmem>> -> memref<32x1024xf32, #tpu.memory_space<vmem>>
    %dma_wait3A_412 = arith.constant 0 : i32
    %dma_wait3A_413 = tpu.memref_slice %arg4[%add3A_355, %dma_wait3A_412] : memref<9216x1024xf32, #tpu.memory_space<hbm>> -> memref<32x1024xf32, #tpu.memory_space<hbm>>
    %dma_wait3A_414 = arith.constant 0 : i32
    %dma_wait3A_415 = tpu.memref_slice %arg4[%add3A_355, %dma_wait3A_414] : memref<9216x1024xf32, #tpu.memory_space<hbm>> -> memref<32x1024xf32, #tpu.memory_space<hbm>>
    %dma_wait3A_416 = arith.constant 0 : i32
    %dma_wait3A_417 = arith.constant 0 : i32
    %dma_wait3A_418 = tpu.memref_slice %arg6[%dma_wait3A_407, %dma_wait3A_416, %dma_wait3A_417] : memref<3x32x1024xf32, #tpu.memory_space<vmem>> -> memref<1x32x1024xf32, #tpu.memory_space<vmem>>
    %dma_wait3A_419 = tpu.memref_squeeze %dma_wait3A_418 : memref<1x32x1024xf32, #tpu.memory_space<vmem>> -> memref<32x1024xf32, #tpu.memory_space<vmem>>
    tpu.wait_dma2 semaphore(%arg11 : memref<!tpu.dma_semaphore, #tpu.memory_space<semaphore_mem>>) src(%dma_wait3A_419 : memref<32x1024xf32, #tpu.memory_space<vmem>>) dst(%dma_wait3A_415 : memref<32x1024xf32, #tpu.memory_space<hbm>>)
    %dma_wait3A_420 = arith.constant 2 : i32
    %dma_wait3A_421 = arith.constant 0 : i32
    %dma_wait3A_422 = arith.constant 0 : i32
    %dma_wait3A_423 = tpu.memref_slice %arg6[%dma_wait3A_420, %dma_wait3A_421, %dma_wait3A_422] : memref<3x32x1024xf32, #tpu.memory_space<vmem>> -> memref<1x32x1024xf32, #tpu.memory_space<vmem>>
    %dma_wait3A_424 = tpu.memref_squeeze %dma_wait3A_423 : memref<1x32x1024xf32, #tpu.memory_space<vmem>> -> memref<32x1024xf32, #tpu.memory_space<vmem>>
    %dma_wait3A_425 = arith.constant 0 : i32
    %dma_wait3A_426 = tpu.memref_slice %arg4[%add3A_380, %dma_wait3A_425] : memref<9216x1024xf32, #tpu.memory_space<hbm>> -> memref<32x1024xf32, #tpu.memory_space<hbm>>
    %dma_wait3A_427 = arith.constant 0 : i32
    %dma_wait3A_428 = tpu.memref_slice %arg4[%add3A_380, %dma_wait3A_427] : memref<9216x1024xf32, #tpu.memory_space<hbm>> -> memref<32x1024xf32, #tpu.memory_space<hbm>>
    %dma_wait3A_429 = arith.constant 0 : i32
    %dma_wait3A_430 = arith.constant 0 : i32
    %dma_wait3A_431 = tpu.memref_slice %arg6[%dma_wait3A_420, %dma_wait3A_429, %dma_wait3A_430] : memref<3x32x1024xf32, #tpu.memory_space<vmem>> -> memref<1x32x1024xf32, #tpu.memory_space<vmem>>
    %dma_wait3A_432 = tpu.memref_squeeze %dma_wait3A_431 : memref<1x32x1024xf32, #tpu.memory_space<vmem>> -> memref<32x1024xf32, #tpu.memory_space<vmem>>
    tpu.wait_dma2 semaphore(%arg12 : memref<!tpu.dma_semaphore, #tpu.memory_space<semaphore_mem>>) src(%dma_wait3A_432 : memref<32x1024xf32, #tpu.memory_space<vmem>>) dst(%dma_wait3A_428 : memref<32x1024xf32, #tpu.memory_space<hbm>>)
    return
  }
}

#map = affine_map<(d0, d1) -> (0, 0)>
#map1 = affine_map<(d0, d1) -> (0)>
module attributes {stable_mosaic.version = 14 : i64} {
  func.func @_gather_body(%arg0: i32, %arg1: i32, %arg2: memref<9216x1024xf32, #tpu.memory_space<hbm>>, %arg3: memref<8192xi32, #tpu.memory_space<hbm>>, %arg4: memref<8192x1024xf32, #tpu.memory_space<hbm>>, %arg5: memref<256xi32, #tpu.memory_space<vmem>>, %arg6: memref<3x32x1024xf32, #tpu.memory_space<vmem>>, %arg7: memref<!tpu.dma_semaphore, #tpu.memory_space<semaphore_mem>>, %arg8: memref<!tpu.dma_semaphore, #tpu.memory_space<semaphore_mem>>, %arg9: memref<!tpu.dma_semaphore, #tpu.memory_space<semaphore_mem>>, %arg10: memref<!tpu.dma_semaphore, #tpu.memory_space<semaphore_mem>>, %arg11: memref<!tpu.dma_semaphore, #tpu.memory_space<semaphore_mem>>, %arg12: memref<!tpu.dma_semaphore, #tpu.memory_space<semaphore_mem>>) attributes {dimension_semantics = [#tpu.dimension_semantics<core_parallel>, #tpu.dimension_semantics<subcore_parallel>], iteration_bounds = array<i64: 2, 16>, scalar_prefetch = 0 : i64, scratch_operands = 8 : i64, tpu.core_type = #tpu.core_type<sc_vector_subcore>, window_params = [{transform_indices = #map}, {transform_indices = #map1}, {transform_indices = #map}]} {
    %mul3A = arith.constant 2 : i32
    %mul3A_0 = arith.muli %arg1, %mul3A : i32
    %add3A = arith.addi %mul3A_0, %arg0 : i32
    %mul3A_1 = arith.constant 256 : i32
    %mul3A_2 = arith.muli %add3A, %mul3A_1 : i32
    "tpu.region"() ({
      %run_scoped3A = tpu.sem_alloc : memref<!tpu.dma_semaphore, #tpu.memory_space<semaphore_mem>>
      %dma_start3A_385 = tpu.memref_slice %arg3[%mul3A_2] : memref<8192xi32, #tpu.memory_space<hbm>> -> memref<256xi32, #tpu.memory_space<hbm>>
      %dma_start3A_386 = tpu.memref_slice %arg3[%mul3A_2] : memref<8192xi32, #tpu.memory_space<hbm>> -> memref<256xi32, #tpu.memory_space<hbm>>
      tpu.enqueue_dma source(%dma_start3A_386 : memref<256xi32, #tpu.memory_space<hbm>>) target(%arg5 : memref<256xi32, #tpu.memory_space<vmem>>) target_semaphore(%run_scoped3A : memref<!tpu.dma_semaphore, #tpu.memory_space<semaphore_mem>>)
      %dma_wait3A_387 = tpu.memref_slice %arg3[%mul3A_2] : memref<8192xi32, #tpu.memory_space<hbm>> -> memref<256xi32, #tpu.memory_space<hbm>>
      %dma_wait3A_388 = tpu.memref_slice %arg3[%mul3A_2] : memref<8192xi32, #tpu.memory_space<hbm>> -> memref<256xi32, #tpu.memory_space<hbm>>
      tpu.wait_dma2 semaphore(%run_scoped3A : memref<!tpu.dma_semaphore, #tpu.memory_space<semaphore_mem>>) src(%dma_wait3A_388 : memref<256xi32, #tpu.memory_space<hbm>>) dst(%arg5 : memref<256xi32, #tpu.memory_space<vmem>>)
      tpu.yield
    }) : () -> ()
    %dma_start3A = arith.constant 0 : i32
    %dma_start3A_3 = arith.constant 0 : i32
    %dma_start3A_4 = arith.constant 0 : i32
    %dma_start3A_5 = tpu.memref_slice %arg6[%dma_start3A, %dma_start3A_3, %dma_start3A_4] : memref<3x32x1024xf32, #tpu.memory_space<vmem>> -> memref<1x32x1024xf32, #tpu.memory_space<vmem>>
    %dma_start3A_6 = tpu.memref_squeeze %dma_start3A_5 : memref<1x32x1024xf32, #tpu.memory_space<vmem>> -> memref<32x1024xf32, #tpu.memory_space<vmem>>
    %dma_start3A_7 = arith.constant 0 : i32
    %dma_start3A_8 = tpu.memref_slice %arg5[%dma_start3A_7] : memref<256xi32, #tpu.memory_space<vmem>> -> memref<32xi32, #tpu.memory_space<vmem>>
    %dma_start3A_9 = arith.constant 0 : i32
    %dma_start3A_10 = arith.constant 0 : i32
    %dma_start3A_11 = tpu.memref_slice %arg2[%dma_start3A_9, %dma_start3A_10] : memref<9216x1024xf32, #tpu.memory_space<hbm>> -> memref<9216x1024xf32, #tpu.memory_space<hbm>>
    tpu.enqueue_indirect_dma source(%dma_start3A_11 : memref<9216x1024xf32, #tpu.memory_space<hbm>>) target(%dma_start3A_6 : memref<32x1024xf32, #tpu.memory_space<vmem>>) offsets(%dma_start3A_8 : memref<32xi32, #tpu.memory_space<vmem>>) semaphore(%arg7 : memref<!tpu.dma_semaphore, #tpu.memory_space<semaphore_mem>>)
    %dma_start3A_12 = arith.constant 1 : i32
    %dma_start3A_13 = arith.constant 0 : i32
    %dma_start3A_14 = arith.constant 0 : i32
    %dma_start3A_15 = tpu.memref_slice %arg6[%dma_start3A_12, %dma_start3A_13, %dma_start3A_14] : memref<3x32x1024xf32, #tpu.memory_space<vmem>> -> memref<1x32x1024xf32, #tpu.memory_space<vmem>>
    %dma_start3A_16 = tpu.memref_squeeze %dma_start3A_15 : memref<1x32x1024xf32, #tpu.memory_space<vmem>> -> memref<32x1024xf32, #tpu.memory_space<vmem>>
    %dma_start3A_17 = arith.constant 32 : i32
    %dma_start3A_18 = tpu.memref_slice %arg5[%dma_start3A_17] : memref<256xi32, #tpu.memory_space<vmem>> -> memref<32xi32, #tpu.memory_space<vmem>>
    %dma_start3A_19 = arith.constant 0 : i32
    %dma_start3A_20 = arith.constant 0 : i32
    %dma_start3A_21 = tpu.memref_slice %arg2[%dma_start3A_19, %dma_start3A_20] : memref<9216x1024xf32, #tpu.memory_space<hbm>> -> memref<9216x1024xf32, #tpu.memory_space<hbm>>
    tpu.enqueue_indirect_dma source(%dma_start3A_21 : memref<9216x1024xf32, #tpu.memory_space<hbm>>) target(%dma_start3A_16 : memref<32x1024xf32, #tpu.memory_space<vmem>>) offsets(%dma_start3A_18 : memref<32xi32, #tpu.memory_space<vmem>>) semaphore(%arg8 : memref<!tpu.dma_semaphore, #tpu.memory_space<semaphore_mem>>)
    %dma_start3A_22 = arith.constant 2 : i32
    %dma_start3A_23 = arith.constant 0 : i32
    %dma_start3A_24 = arith.constant 0 : i32
    %dma_start3A_25 = tpu.memref_slice %arg6[%dma_start3A_22, %dma_start3A_23, %dma_start3A_24] : memref<3x32x1024xf32, #tpu.memory_space<vmem>> -> memref<1x32x1024xf32, #tpu.memory_space<vmem>>
    %dma_start3A_26 = tpu.memref_squeeze %dma_start3A_25 : memref<1x32x1024xf32, #tpu.memory_space<vmem>> -> memref<32x1024xf32, #tpu.memory_space<vmem>>
    %dma_start3A_27 = arith.constant 64 : i32
    %dma_start3A_28 = tpu.memref_slice %arg5[%dma_start3A_27] : memref<256xi32, #tpu.memory_space<vmem>> -> memref<32xi32, #tpu.memory_space<vmem>>
    %dma_start3A_29 = arith.constant 0 : i32
    %dma_start3A_30 = arith.constant 0 : i32
    %dma_start3A_31 = tpu.memref_slice %arg2[%dma_start3A_29, %dma_start3A_30] : memref<9216x1024xf32, #tpu.memory_space<hbm>> -> memref<9216x1024xf32, #tpu.memory_space<hbm>>
    tpu.enqueue_indirect_dma source(%dma_start3A_31 : memref<9216x1024xf32, #tpu.memory_space<hbm>>) target(%dma_start3A_26 : memref<32x1024xf32, #tpu.memory_space<vmem>>) offsets(%dma_start3A_28 : memref<32xi32, #tpu.memory_space<vmem>>) semaphore(%arg9 : memref<!tpu.dma_semaphore, #tpu.memory_space<semaphore_mem>>)
    %dma_wait3A = arith.constant 0 : i32
    %dma_wait3A_32 = arith.constant 0 : i32
    %dma_wait3A_33 = arith.constant 0 : i32
    %dma_wait3A_34 = tpu.memref_slice %arg6[%dma_wait3A, %dma_wait3A_32, %dma_wait3A_33] : memref<3x32x1024xf32, #tpu.memory_space<vmem>> -> memref<1x32x1024xf32, #tpu.memory_space<vmem>>
    %dma_wait3A_35 = tpu.memref_squeeze %dma_wait3A_34 : memref<1x32x1024xf32, #tpu.memory_space<vmem>> -> memref<32x1024xf32, #tpu.memory_space<vmem>>
    %dma_wait3A_36 = arith.constant 0 : i32
    %dma_wait3A_37 = tpu.memref_slice %arg5[%dma_wait3A_36] : memref<256xi32, #tpu.memory_space<vmem>> -> memref<32xi32, #tpu.memory_space<vmem>>
    %dma_wait3A_38 = arith.constant 0 : i32
    %dma_wait3A_39 = arith.constant 0 : i32
    %dma_wait3A_40 = tpu.memref_slice %arg2[%dma_wait3A_38, %dma_wait3A_39] : memref<9216x1024xf32, #tpu.memory_space<hbm>> -> memref<9216x1024xf32, #tpu.memory_space<hbm>>
    tpu.wait_indirect_dma semaphore(%arg7 : memref<!tpu.dma_semaphore, #tpu.memory_space<semaphore_mem>>) src(%dma_wait3A_40 : memref<9216x1024xf32, #tpu.memory_space<hbm>>) dst(%dma_wait3A_35 : memref<32x1024xf32, #tpu.memory_space<vmem>>)
    %add3A_41 = arith.constant 0 : i32
    %add3A_42 = arith.addi %mul3A_2, %add3A_41 : i32
    %dma_start3A_43 = arith.constant 0 : i32
    %dma_start3A_44 = arith.constant 0 : i32
    %dma_start3A_45 = arith.constant 0 : i32
    %dma_start3A_46 = tpu.memref_slice %arg6[%dma_start3A_43, %dma_start3A_44, %dma_start3A_45] : memref<3x32x1024xf32, #tpu.memory_space<vmem>> -> memref<1x32x1024xf32, #tpu.memory_space<vmem>>
    %dma_start3A_47 = tpu.memref_squeeze %dma_start3A_46 : memref<1x32x1024xf32, #tpu.memory_space<vmem>> -> memref<32x1024xf32, #tpu.memory_space<vmem>>
    %dma_start3A_48 = arith.constant 0 : i32
    %dma_start3A_49 = tpu.memref_slice %arg4[%add3A_42, %dma_start3A_48] : memref<8192x1024xf32, #tpu.memory_space<hbm>> -> memref<32x1024xf32, #tpu.memory_space<hbm>>
    %dma_start3A_50 = arith.constant 0 : i32
    %dma_start3A_51 = tpu.memref_slice %arg4[%add3A_42, %dma_start3A_50] : memref<8192x1024xf32, #tpu.memory_space<hbm>> -> memref<32x1024xf32, #tpu.memory_space<hbm>>
    %dma_start3A_52 = arith.constant 0 : i32
    %dma_start3A_53 = arith.constant 0 : i32
    %dma_start3A_54 = tpu.memref_slice %arg6[%dma_start3A_43, %dma_start3A_52, %dma_start3A_53] : memref<3x32x1024xf32, #tpu.memory_space<vmem>> -> memref<1x32x1024xf32, #tpu.memory_space<vmem>>
    %dma_start3A_55 = tpu.memref_squeeze %dma_start3A_54 : memref<1x32x1024xf32, #tpu.memory_space<vmem>> -> memref<32x1024xf32, #tpu.memory_space<vmem>>
    tpu.enqueue_dma source(%dma_start3A_55 : memref<32x1024xf32, #tpu.memory_space<vmem>>) target(%dma_start3A_51 : memref<32x1024xf32, #tpu.memory_space<hbm>>) target_semaphore(%arg10 : memref<!tpu.dma_semaphore, #tpu.memory_space<semaphore_mem>>)
    %dma_wait3A_56 = arith.constant 0 : i32
    %dma_wait3A_57 = arith.constant 0 : i32
    %dma_wait3A_58 = arith.constant 0 : i32
    %dma_wait3A_59 = tpu.memref_slice %arg6[%dma_wait3A_56, %dma_wait3A_57, %dma_wait3A_58] : memref<3x32x1024xf32, #tpu.memory_space<vmem>> -> memref<1x32x1024xf32, #tpu.memory_space<vmem>>
    %dma_wait3A_60 = tpu.memref_squeeze %dma_wait3A_59 : memref<1x32x1024xf32, #tpu.memory_space<vmem>> -> memref<32x1024xf32, #tpu.memory_space<vmem>>
    %dma_wait3A_61 = arith.constant 0 : i32
    %dma_wait3A_62 = tpu.memref_slice %arg4[%add3A_42, %dma_wait3A_61] : memref<8192x1024xf32, #tpu.memory_space<hbm>> -> memref<32x1024xf32, #tpu.memory_space<hbm>>
    %dma_wait3A_63 = arith.constant 0 : i32
    %dma_wait3A_64 = tpu.memref_slice %arg4[%add3A_42, %dma_wait3A_63] : memref<8192x1024xf32, #tpu.memory_space<hbm>> -> memref<32x1024xf32, #tpu.memory_space<hbm>>
    %dma_wait3A_65 = arith.constant 0 : i32
    %dma_wait3A_66 = arith.constant 0 : i32
    %dma_wait3A_67 = tpu.memref_slice %arg6[%dma_wait3A_56, %dma_wait3A_65, %dma_wait3A_66] : memref<3x32x1024xf32, #tpu.memory_space<vmem>> -> memref<1x32x1024xf32, #tpu.memory_space<vmem>>
    %dma_wait3A_68 = tpu.memref_squeeze %dma_wait3A_67 : memref<1x32x1024xf32, #tpu.memory_space<vmem>> -> memref<32x1024xf32, #tpu.memory_space<vmem>>
    tpu.wait_dma2 semaphore(%arg10 : memref<!tpu.dma_semaphore, #tpu.memory_space<semaphore_mem>>) src(%dma_wait3A_68 : memref<32x1024xf32, #tpu.memory_space<vmem>>) dst(%dma_wait3A_64 : memref<32x1024xf32, #tpu.memory_space<hbm>>)
    %dma_start3A_69 = arith.constant 0 : i32
    %dma_start3A_70 = arith.constant 0 : i32
    %dma_start3A_71 = arith.constant 0 : i32
    %dma_start3A_72 = tpu.memref_slice %arg6[%dma_start3A_69, %dma_start3A_70, %dma_start3A_71] : memref<3x32x1024xf32, #tpu.memory_space<vmem>> -> memref<1x32x1024xf32, #tpu.memory_space<vmem>>
    %dma_start3A_73 = tpu.memref_squeeze %dma_start3A_72 : memref<1x32x1024xf32, #tpu.memory_space<vmem>> -> memref<32x1024xf32, #tpu.memory_space<vmem>>
    %dma_start3A_74 = arith.constant 96 : i32
    %dma_start3A_75 = tpu.memref_slice %arg5[%dma_start3A_74] : memref<256xi32, #tpu.memory_space<vmem>> -> memref<32xi32, #tpu.memory_space<vmem>>
    %dma_start3A_76 = arith.constant 0 : i32
    %dma_start3A_77 = arith.constant 0 : i32
    %dma_start3A_78 = tpu.memref_slice %arg2[%dma_start3A_76, %dma_start3A_77] : memref<9216x1024xf32, #tpu.memory_space<hbm>> -> memref<9216x1024xf32, #tpu.memory_space<hbm>>
    tpu.enqueue_indirect_dma source(%dma_start3A_78 : memref<9216x1024xf32, #tpu.memory_space<hbm>>) target(%dma_start3A_73 : memref<32x1024xf32, #tpu.memory_space<vmem>>) offsets(%dma_start3A_75 : memref<32xi32, #tpu.memory_space<vmem>>) semaphore(%arg7 : memref<!tpu.dma_semaphore, #tpu.memory_space<semaphore_mem>>)
    %dma_wait3A_79 = arith.constant 1 : i32
    %dma_wait3A_80 = arith.constant 0 : i32
    %dma_wait3A_81 = arith.constant 0 : i32
    %dma_wait3A_82 = tpu.memref_slice %arg6[%dma_wait3A_79, %dma_wait3A_80, %dma_wait3A_81] : memref<3x32x1024xf32, #tpu.memory_space<vmem>> -> memref<1x32x1024xf32, #tpu.memory_space<vmem>>
    %dma_wait3A_83 = tpu.memref_squeeze %dma_wait3A_82 : memref<1x32x1024xf32, #tpu.memory_space<vmem>> -> memref<32x1024xf32, #tpu.memory_space<vmem>>
    %dma_wait3A_84 = arith.constant 32 : i32
    %dma_wait3A_85 = tpu.memref_slice %arg5[%dma_wait3A_84] : memref<256xi32, #tpu.memory_space<vmem>> -> memref<32xi32, #tpu.memory_space<vmem>>
    %dma_wait3A_86 = arith.constant 0 : i32
    %dma_wait3A_87 = arith.constant 0 : i32
    %dma_wait3A_88 = tpu.memref_slice %arg2[%dma_wait3A_86, %dma_wait3A_87] : memref<9216x1024xf32, #tpu.memory_space<hbm>> -> memref<9216x1024xf32, #tpu.memory_space<hbm>>
    tpu.wait_indirect_dma semaphore(%arg8 : memref<!tpu.dma_semaphore, #tpu.memory_space<semaphore_mem>>) src(%dma_wait3A_88 : memref<9216x1024xf32, #tpu.memory_space<hbm>>) dst(%dma_wait3A_83 : memref<32x1024xf32, #tpu.memory_space<vmem>>)
    %add3A_89 = arith.constant 32 : i32
    %add3A_90 = arith.addi %mul3A_2, %add3A_89 : i32
    %dma_start3A_91 = arith.constant 1 : i32
    %dma_start3A_92 = arith.constant 0 : i32
    %dma_start3A_93 = arith.constant 0 : i32
    %dma_start3A_94 = tpu.memref_slice %arg6[%dma_start3A_91, %dma_start3A_92, %dma_start3A_93] : memref<3x32x1024xf32, #tpu.memory_space<vmem>> -> memref<1x32x1024xf32, #tpu.memory_space<vmem>>
    %dma_start3A_95 = tpu.memref_squeeze %dma_start3A_94 : memref<1x32x1024xf32, #tpu.memory_space<vmem>> -> memref<32x1024xf32, #tpu.memory_space<vmem>>
    %dma_start3A_96 = arith.constant 0 : i32
    %dma_start3A_97 = tpu.memref_slice %arg4[%add3A_90, %dma_start3A_96] : memref<8192x1024xf32, #tpu.memory_space<hbm>> -> memref<32x1024xf32, #tpu.memory_space<hbm>>
    %dma_start3A_98 = arith.constant 0 : i32
    %dma_start3A_99 = tpu.memref_slice %arg4[%add3A_90, %dma_start3A_98] : memref<8192x1024xf32, #tpu.memory_space<hbm>> -> memref<32x1024xf32, #tpu.memory_space<hbm>>
    %dma_start3A_100 = arith.constant 0 : i32
    %dma_start3A_101 = arith.constant 0 : i32
    %dma_start3A_102 = tpu.memref_slice %arg6[%dma_start3A_91, %dma_start3A_100, %dma_start3A_101] : memref<3x32x1024xf32, #tpu.memory_space<vmem>> -> memref<1x32x1024xf32, #tpu.memory_space<vmem>>
    %dma_start3A_103 = tpu.memref_squeeze %dma_start3A_102 : memref<1x32x1024xf32, #tpu.memory_space<vmem>> -> memref<32x1024xf32, #tpu.memory_space<vmem>>
    tpu.enqueue_dma source(%dma_start3A_103 : memref<32x1024xf32, #tpu.memory_space<vmem>>) target(%dma_start3A_99 : memref<32x1024xf32, #tpu.memory_space<hbm>>) target_semaphore(%arg11 : memref<!tpu.dma_semaphore, #tpu.memory_space<semaphore_mem>>)
    %dma_wait3A_104 = arith.constant 1 : i32
    %dma_wait3A_105 = arith.constant 0 : i32
    %dma_wait3A_106 = arith.constant 0 : i32
    %dma_wait3A_107 = tpu.memref_slice %arg6[%dma_wait3A_104, %dma_wait3A_105, %dma_wait3A_106] : memref<3x32x1024xf32, #tpu.memory_space<vmem>> -> memref<1x32x1024xf32, #tpu.memory_space<vmem>>
    %dma_wait3A_108 = tpu.memref_squeeze %dma_wait3A_107 : memref<1x32x1024xf32, #tpu.memory_space<vmem>> -> memref<32x1024xf32, #tpu.memory_space<vmem>>
    %dma_wait3A_109 = arith.constant 0 : i32
    %dma_wait3A_110 = tpu.memref_slice %arg4[%add3A_90, %dma_wait3A_109] : memref<8192x1024xf32, #tpu.memory_space<hbm>> -> memref<32x1024xf32, #tpu.memory_space<hbm>>
    %dma_wait3A_111 = arith.constant 0 : i32
    %dma_wait3A_112 = tpu.memref_slice %arg4[%add3A_90, %dma_wait3A_111] : memref<8192x1024xf32, #tpu.memory_space<hbm>> -> memref<32x1024xf32, #tpu.memory_space<hbm>>
    %dma_wait3A_113 = arith.constant 0 : i32
    %dma_wait3A_114 = arith.constant 0 : i32
    %dma_wait3A_115 = tpu.memref_slice %arg6[%dma_wait3A_104, %dma_wait3A_113, %dma_wait3A_114] : memref<3x32x1024xf32, #tpu.memory_space<vmem>> -> memref<1x32x1024xf32, #tpu.memory_space<vmem>>
    %dma_wait3A_116 = tpu.memref_squeeze %dma_wait3A_115 : memref<1x32x1024xf32, #tpu.memory_space<vmem>> -> memref<32x1024xf32, #tpu.memory_space<vmem>>
    tpu.wait_dma2 semaphore(%arg11 : memref<!tpu.dma_semaphore, #tpu.memory_space<semaphore_mem>>) src(%dma_wait3A_116 : memref<32x1024xf32, #tpu.memory_space<vmem>>) dst(%dma_wait3A_112 : memref<32x1024xf32, #tpu.memory_space<hbm>>)
    %dma_start3A_117 = arith.constant 1 : i32
    %dma_start3A_118 = arith.constant 0 : i32
    %dma_start3A_119 = arith.constant 0 : i32
    %dma_start3A_120 = tpu.memref_slice %arg6[%dma_start3A_117, %dma_start3A_118, %dma_start3A_119] : memref<3x32x1024xf32, #tpu.memory_space<vmem>> -> memref<1x32x1024xf32, #tpu.memory_space<vmem>>
    %dma_start3A_121 = tpu.memref_squeeze %dma_start3A_120 : memref<1x32x1024xf32, #tpu.memory_space<vmem>> -> memref<32x1024xf32, #tpu.memory_space<vmem>>
    %dma_start3A_122 = arith.constant 128 : i32
    %dma_start3A_123 = tpu.memref_slice %arg5[%dma_start3A_122] : memref<256xi32, #tpu.memory_space<vmem>> -> memref<32xi32, #tpu.memory_space<vmem>>
    %dma_start3A_124 = arith.constant 0 : i32
    %dma_start3A_125 = arith.constant 0 : i32
    %dma_start3A_126 = tpu.memref_slice %arg2[%dma_start3A_124, %dma_start3A_125] : memref<9216x1024xf32, #tpu.memory_space<hbm>> -> memref<9216x1024xf32, #tpu.memory_space<hbm>>
    tpu.enqueue_indirect_dma source(%dma_start3A_126 : memref<9216x1024xf32, #tpu.memory_space<hbm>>) target(%dma_start3A_121 : memref<32x1024xf32, #tpu.memory_space<vmem>>) offsets(%dma_start3A_123 : memref<32xi32, #tpu.memory_space<vmem>>) semaphore(%arg8 : memref<!tpu.dma_semaphore, #tpu.memory_space<semaphore_mem>>)
    %dma_wait3A_127 = arith.constant 2 : i32
    %dma_wait3A_128 = arith.constant 0 : i32
    %dma_wait3A_129 = arith.constant 0 : i32
    %dma_wait3A_130 = tpu.memref_slice %arg6[%dma_wait3A_127, %dma_wait3A_128, %dma_wait3A_129] : memref<3x32x1024xf32, #tpu.memory_space<vmem>> -> memref<1x32x1024xf32, #tpu.memory_space<vmem>>
    %dma_wait3A_131 = tpu.memref_squeeze %dma_wait3A_130 : memref<1x32x1024xf32, #tpu.memory_space<vmem>> -> memref<32x1024xf32, #tpu.memory_space<vmem>>
    %dma_wait3A_132 = arith.constant 64 : i32
    %dma_wait3A_133 = tpu.memref_slice %arg5[%dma_wait3A_132] : memref<256xi32, #tpu.memory_space<vmem>> -> memref<32xi32, #tpu.memory_space<vmem>>
    %dma_wait3A_134 = arith.constant 0 : i32
    %dma_wait3A_135 = arith.constant 0 : i32
    %dma_wait3A_136 = tpu.memref_slice %arg2[%dma_wait3A_134, %dma_wait3A_135] : memref<9216x1024xf32, #tpu.memory_space<hbm>> -> memref<9216x1024xf32, #tpu.memory_space<hbm>>
    tpu.wait_indirect_dma semaphore(%arg9 : memref<!tpu.dma_semaphore, #tpu.memory_space<semaphore_mem>>) src(%dma_wait3A_136 : memref<9216x1024xf32, #tpu.memory_space<hbm>>) dst(%dma_wait3A_131 : memref<32x1024xf32, #tpu.memory_space<vmem>>)
    %add3A_137 = arith.constant 64 : i32
    %add3A_138 = arith.addi %mul3A_2, %add3A_137 : i32
    %dma_start3A_139 = arith.constant 2 : i32
    %dma_start3A_140 = arith.constant 0 : i32
    %dma_start3A_141 = arith.constant 0 : i32
    %dma_start3A_142 = tpu.memref_slice %arg6[%dma_start3A_139, %dma_start3A_140, %dma_start3A_141] : memref<3x32x1024xf32, #tpu.memory_space<vmem>> -> memref<1x32x1024xf32, #tpu.memory_space<vmem>>
    %dma_start3A_143 = tpu.memref_squeeze %dma_start3A_142 : memref<1x32x1024xf32, #tpu.memory_space<vmem>> -> memref<32x1024xf32, #tpu.memory_space<vmem>>
    %dma_start3A_144 = arith.constant 0 : i32
    %dma_start3A_145 = tpu.memref_slice %arg4[%add3A_138, %dma_start3A_144] : memref<8192x1024xf32, #tpu.memory_space<hbm>> -> memref<32x1024xf32, #tpu.memory_space<hbm>>
    %dma_start3A_146 = arith.constant 0 : i32
    %dma_start3A_147 = tpu.memref_slice %arg4[%add3A_138, %dma_start3A_146] : memref<8192x1024xf32, #tpu.memory_space<hbm>> -> memref<32x1024xf32, #tpu.memory_space<hbm>>
    %dma_start3A_148 = arith.constant 0 : i32
    %dma_start3A_149 = arith.constant 0 : i32
    %dma_start3A_150 = tpu.memref_slice %arg6[%dma_start3A_139, %dma_start3A_148, %dma_start3A_149] : memref<3x32x1024xf32, #tpu.memory_space<vmem>> -> memref<1x32x1024xf32, #tpu.memory_space<vmem>>
    %dma_start3A_151 = tpu.memref_squeeze %dma_start3A_150 : memref<1x32x1024xf32, #tpu.memory_space<vmem>> -> memref<32x1024xf32, #tpu.memory_space<vmem>>
    tpu.enqueue_dma source(%dma_start3A_151 : memref<32x1024xf32, #tpu.memory_space<vmem>>) target(%dma_start3A_147 : memref<32x1024xf32, #tpu.memory_space<hbm>>) target_semaphore(%arg12 : memref<!tpu.dma_semaphore, #tpu.memory_space<semaphore_mem>>)
    %dma_wait3A_152 = arith.constant 2 : i32
    %dma_wait3A_153 = arith.constant 0 : i32
    %dma_wait3A_154 = arith.constant 0 : i32
    %dma_wait3A_155 = tpu.memref_slice %arg6[%dma_wait3A_152, %dma_wait3A_153, %dma_wait3A_154] : memref<3x32x1024xf32, #tpu.memory_space<vmem>> -> memref<1x32x1024xf32, #tpu.memory_space<vmem>>
    %dma_wait3A_156 = tpu.memref_squeeze %dma_wait3A_155 : memref<1x32x1024xf32, #tpu.memory_space<vmem>> -> memref<32x1024xf32, #tpu.memory_space<vmem>>
    %dma_wait3A_157 = arith.constant 0 : i32
    %dma_wait3A_158 = tpu.memref_slice %arg4[%add3A_138, %dma_wait3A_157] : memref<8192x1024xf32, #tpu.memory_space<hbm>> -> memref<32x1024xf32, #tpu.memory_space<hbm>>
    %dma_wait3A_159 = arith.constant 0 : i32
    %dma_wait3A_160 = tpu.memref_slice %arg4[%add3A_138, %dma_wait3A_159] : memref<8192x1024xf32, #tpu.memory_space<hbm>> -> memref<32x1024xf32, #tpu.memory_space<hbm>>
    %dma_wait3A_161 = arith.constant 0 : i32
    %dma_wait3A_162 = arith.constant 0 : i32
    %dma_wait3A_163 = tpu.memref_slice %arg6[%dma_wait3A_152, %dma_wait3A_161, %dma_wait3A_162] : memref<3x32x1024xf32, #tpu.memory_space<vmem>> -> memref<1x32x1024xf32, #tpu.memory_space<vmem>>
    %dma_wait3A_164 = tpu.memref_squeeze %dma_wait3A_163 : memref<1x32x1024xf32, #tpu.memory_space<vmem>> -> memref<32x1024xf32, #tpu.memory_space<vmem>>
    tpu.wait_dma2 semaphore(%arg12 : memref<!tpu.dma_semaphore, #tpu.memory_space<semaphore_mem>>) src(%dma_wait3A_164 : memref<32x1024xf32, #tpu.memory_space<vmem>>) dst(%dma_wait3A_160 : memref<32x1024xf32, #tpu.memory_space<hbm>>)
    %dma_start3A_165 = arith.constant 2 : i32
    %dma_start3A_166 = arith.constant 0 : i32
    %dma_start3A_167 = arith.constant 0 : i32
    %dma_start3A_168 = tpu.memref_slice %arg6[%dma_start3A_165, %dma_start3A_166, %dma_start3A_167] : memref<3x32x1024xf32, #tpu.memory_space<vmem>> -> memref<1x32x1024xf32, #tpu.memory_space<vmem>>
    %dma_start3A_169 = tpu.memref_squeeze %dma_start3A_168 : memref<1x32x1024xf32, #tpu.memory_space<vmem>> -> memref<32x1024xf32, #tpu.memory_space<vmem>>
    %dma_start3A_170 = arith.constant 160 : i32
    %dma_start3A_171 = tpu.memref_slice %arg5[%dma_start3A_170] : memref<256xi32, #tpu.memory_space<vmem>> -> memref<32xi32, #tpu.memory_space<vmem>>
    %dma_start3A_172 = arith.constant 0 : i32
    %dma_start3A_173 = arith.constant 0 : i32
    %dma_start3A_174 = tpu.memref_slice %arg2[%dma_start3A_172, %dma_start3A_173] : memref<9216x1024xf32, #tpu.memory_space<hbm>> -> memref<9216x1024xf32, #tpu.memory_space<hbm>>
    tpu.enqueue_indirect_dma source(%dma_start3A_174 : memref<9216x1024xf32, #tpu.memory_space<hbm>>) target(%dma_start3A_169 : memref<32x1024xf32, #tpu.memory_space<vmem>>) offsets(%dma_start3A_171 : memref<32xi32, #tpu.memory_space<vmem>>) semaphore(%arg9 : memref<!tpu.dma_semaphore, #tpu.memory_space<semaphore_mem>>)
    %dma_wait3A_175 = arith.constant 0 : i32
    %dma_wait3A_176 = arith.constant 0 : i32
    %dma_wait3A_177 = arith.constant 0 : i32
    %dma_wait3A_178 = tpu.memref_slice %arg6[%dma_wait3A_175, %dma_wait3A_176, %dma_wait3A_177] : memref<3x32x1024xf32, #tpu.memory_space<vmem>> -> memref<1x32x1024xf32, #tpu.memory_space<vmem>>
    %dma_wait3A_179 = tpu.memref_squeeze %dma_wait3A_178 : memref<1x32x1024xf32, #tpu.memory_space<vmem>> -> memref<32x1024xf32, #tpu.memory_space<vmem>>
    %dma_wait3A_180 = arith.constant 96 : i32
    %dma_wait3A_181 = tpu.memref_slice %arg5[%dma_wait3A_180] : memref<256xi32, #tpu.memory_space<vmem>> -> memref<32xi32, #tpu.memory_space<vmem>>
    %dma_wait3A_182 = arith.constant 0 : i32
    %dma_wait3A_183 = arith.constant 0 : i32
    %dma_wait3A_184 = tpu.memref_slice %arg2[%dma_wait3A_182, %dma_wait3A_183] : memref<9216x1024xf32, #tpu.memory_space<hbm>> -> memref<9216x1024xf32, #tpu.memory_space<hbm>>
    tpu.wait_indirect_dma semaphore(%arg7 : memref<!tpu.dma_semaphore, #tpu.memory_space<semaphore_mem>>) src(%dma_wait3A_184 : memref<9216x1024xf32, #tpu.memory_space<hbm>>) dst(%dma_wait3A_179 : memref<32x1024xf32, #tpu.memory_space<vmem>>)
    %add3A_185 = arith.constant 96 : i32
    %add3A_186 = arith.addi %mul3A_2, %add3A_185 : i32
    %dma_start3A_187 = arith.constant 0 : i32
    %dma_start3A_188 = arith.constant 0 : i32
    %dma_start3A_189 = arith.constant 0 : i32
    %dma_start3A_190 = tpu.memref_slice %arg6[%dma_start3A_187, %dma_start3A_188, %dma_start3A_189] : memref<3x32x1024xf32, #tpu.memory_space<vmem>> -> memref<1x32x1024xf32, #tpu.memory_space<vmem>>
    %dma_start3A_191 = tpu.memref_squeeze %dma_start3A_190 : memref<1x32x1024xf32, #tpu.memory_space<vmem>> -> memref<32x1024xf32, #tpu.memory_space<vmem>>
    %dma_start3A_192 = arith.constant 0 : i32
    %dma_start3A_193 = tpu.memref_slice %arg4[%add3A_186, %dma_start3A_192] : memref<8192x1024xf32, #tpu.memory_space<hbm>> -> memref<32x1024xf32, #tpu.memory_space<hbm>>
    %dma_start3A_194 = arith.constant 0 : i32
    %dma_start3A_195 = tpu.memref_slice %arg4[%add3A_186, %dma_start3A_194] : memref<8192x1024xf32, #tpu.memory_space<hbm>> -> memref<32x1024xf32, #tpu.memory_space<hbm>>
    %dma_start3A_196 = arith.constant 0 : i32
    %dma_start3A_197 = arith.constant 0 : i32
    %dma_start3A_198 = tpu.memref_slice %arg6[%dma_start3A_187, %dma_start3A_196, %dma_start3A_197] : memref<3x32x1024xf32, #tpu.memory_space<vmem>> -> memref<1x32x1024xf32, #tpu.memory_space<vmem>>
    %dma_start3A_199 = tpu.memref_squeeze %dma_start3A_198 : memref<1x32x1024xf32, #tpu.memory_space<vmem>> -> memref<32x1024xf32, #tpu.memory_space<vmem>>
    tpu.enqueue_dma source(%dma_start3A_199 : memref<32x1024xf32, #tpu.memory_space<vmem>>) target(%dma_start3A_195 : memref<32x1024xf32, #tpu.memory_space<hbm>>) target_semaphore(%arg10 : memref<!tpu.dma_semaphore, #tpu.memory_space<semaphore_mem>>)
    %dma_wait3A_200 = arith.constant 0 : i32
    %dma_wait3A_201 = arith.constant 0 : i32
    %dma_wait3A_202 = arith.constant 0 : i32
    %dma_wait3A_203 = tpu.memref_slice %arg6[%dma_wait3A_200, %dma_wait3A_201, %dma_wait3A_202] : memref<3x32x1024xf32, #tpu.memory_space<vmem>> -> memref<1x32x1024xf32, #tpu.memory_space<vmem>>
    %dma_wait3A_204 = tpu.memref_squeeze %dma_wait3A_203 : memref<1x32x1024xf32, #tpu.memory_space<vmem>> -> memref<32x1024xf32, #tpu.memory_space<vmem>>
    %dma_wait3A_205 = arith.constant 0 : i32
    %dma_wait3A_206 = tpu.memref_slice %arg4[%add3A_186, %dma_wait3A_205] : memref<8192x1024xf32, #tpu.memory_space<hbm>> -> memref<32x1024xf32, #tpu.memory_space<hbm>>
    %dma_wait3A_207 = arith.constant 0 : i32
    %dma_wait3A_208 = tpu.memref_slice %arg4[%add3A_186, %dma_wait3A_207] : memref<8192x1024xf32, #tpu.memory_space<hbm>> -> memref<32x1024xf32, #tpu.memory_space<hbm>>
    %dma_wait3A_209 = arith.constant 0 : i32
    %dma_wait3A_210 = arith.constant 0 : i32
    %dma_wait3A_211 = tpu.memref_slice %arg6[%dma_wait3A_200, %dma_wait3A_209, %dma_wait3A_210] : memref<3x32x1024xf32, #tpu.memory_space<vmem>> -> memref<1x32x1024xf32, #tpu.memory_space<vmem>>
    %dma_wait3A_212 = tpu.memref_squeeze %dma_wait3A_211 : memref<1x32x1024xf32, #tpu.memory_space<vmem>> -> memref<32x1024xf32, #tpu.memory_space<vmem>>
    tpu.wait_dma2 semaphore(%arg10 : memref<!tpu.dma_semaphore, #tpu.memory_space<semaphore_mem>>) src(%dma_wait3A_212 : memref<32x1024xf32, #tpu.memory_space<vmem>>) dst(%dma_wait3A_208 : memref<32x1024xf32, #tpu.memory_space<hbm>>)
    %dma_start3A_213 = arith.constant 0 : i32
    %dma_start3A_214 = arith.constant 0 : i32
    %dma_start3A_215 = arith.constant 0 : i32
    %dma_start3A_216 = tpu.memref_slice %arg6[%dma_start3A_213, %dma_start3A_214, %dma_start3A_215] : memref<3x32x1024xf32, #tpu.memory_space<vmem>> -> memref<1x32x1024xf32, #tpu.memory_space<vmem>>
    %dma_start3A_217 = tpu.memref_squeeze %dma_start3A_216 : memref<1x32x1024xf32, #tpu.memory_space<vmem>> -> memref<32x1024xf32, #tpu.memory_space<vmem>>
    %dma_start3A_218 = arith.constant 192 : i32
    %dma_start3A_219 = tpu.memref_slice %arg5[%dma_start3A_218] : memref<256xi32, #tpu.memory_space<vmem>> -> memref<32xi32, #tpu.memory_space<vmem>>
    %dma_start3A_220 = arith.constant 0 : i32
    %dma_start3A_221 = arith.constant 0 : i32
    %dma_start3A_222 = tpu.memref_slice %arg2[%dma_start3A_220, %dma_start3A_221] : memref<9216x1024xf32, #tpu.memory_space<hbm>> -> memref<9216x1024xf32, #tpu.memory_space<hbm>>
    tpu.enqueue_indirect_dma source(%dma_start3A_222 : memref<9216x1024xf32, #tpu.memory_space<hbm>>) target(%dma_start3A_217 : memref<32x1024xf32, #tpu.memory_space<vmem>>) offsets(%dma_start3A_219 : memref<32xi32, #tpu.memory_space<vmem>>) semaphore(%arg7 : memref<!tpu.dma_semaphore, #tpu.memory_space<semaphore_mem>>)
    %dma_wait3A_223 = arith.constant 1 : i32
    %dma_wait3A_224 = arith.constant 0 : i32
    %dma_wait3A_225 = arith.constant 0 : i32
    %dma_wait3A_226 = tpu.memref_slice %arg6[%dma_wait3A_223, %dma_wait3A_224, %dma_wait3A_225] : memref<3x32x1024xf32, #tpu.memory_space<vmem>> -> memref<1x32x1024xf32, #tpu.memory_space<vmem>>
    %dma_wait3A_227 = tpu.memref_squeeze %dma_wait3A_226 : memref<1x32x1024xf32, #tpu.memory_space<vmem>> -> memref<32x1024xf32, #tpu.memory_space<vmem>>
    %dma_wait3A_228 = arith.constant 128 : i32
    %dma_wait3A_229 = tpu.memref_slice %arg5[%dma_wait3A_228] : memref<256xi32, #tpu.memory_space<vmem>> -> memref<32xi32, #tpu.memory_space<vmem>>
    %dma_wait3A_230 = arith.constant 0 : i32
    %dma_wait3A_231 = arith.constant 0 : i32
    %dma_wait3A_232 = tpu.memref_slice %arg2[%dma_wait3A_230, %dma_wait3A_231] : memref<9216x1024xf32, #tpu.memory_space<hbm>> -> memref<9216x1024xf32, #tpu.memory_space<hbm>>
    tpu.wait_indirect_dma semaphore(%arg8 : memref<!tpu.dma_semaphore, #tpu.memory_space<semaphore_mem>>) src(%dma_wait3A_232 : memref<9216x1024xf32, #tpu.memory_space<hbm>>) dst(%dma_wait3A_227 : memref<32x1024xf32, #tpu.memory_space<vmem>>)
    %add3A_233 = arith.constant 128 : i32
    %add3A_234 = arith.addi %mul3A_2, %add3A_233 : i32
    %dma_start3A_235 = arith.constant 1 : i32
    %dma_start3A_236 = arith.constant 0 : i32
    %dma_start3A_237 = arith.constant 0 : i32
    %dma_start3A_238 = tpu.memref_slice %arg6[%dma_start3A_235, %dma_start3A_236, %dma_start3A_237] : memref<3x32x1024xf32, #tpu.memory_space<vmem>> -> memref<1x32x1024xf32, #tpu.memory_space<vmem>>
    %dma_start3A_239 = tpu.memref_squeeze %dma_start3A_238 : memref<1x32x1024xf32, #tpu.memory_space<vmem>> -> memref<32x1024xf32, #tpu.memory_space<vmem>>
    %dma_start3A_240 = arith.constant 0 : i32
    %dma_start3A_241 = tpu.memref_slice %arg4[%add3A_234, %dma_start3A_240] : memref<8192x1024xf32, #tpu.memory_space<hbm>> -> memref<32x1024xf32, #tpu.memory_space<hbm>>
    %dma_start3A_242 = arith.constant 0 : i32
    %dma_start3A_243 = tpu.memref_slice %arg4[%add3A_234, %dma_start3A_242] : memref<8192x1024xf32, #tpu.memory_space<hbm>> -> memref<32x1024xf32, #tpu.memory_space<hbm>>
    %dma_start3A_244 = arith.constant 0 : i32
    %dma_start3A_245 = arith.constant 0 : i32
    %dma_start3A_246 = tpu.memref_slice %arg6[%dma_start3A_235, %dma_start3A_244, %dma_start3A_245] : memref<3x32x1024xf32, #tpu.memory_space<vmem>> -> memref<1x32x1024xf32, #tpu.memory_space<vmem>>
    %dma_start3A_247 = tpu.memref_squeeze %dma_start3A_246 : memref<1x32x1024xf32, #tpu.memory_space<vmem>> -> memref<32x1024xf32, #tpu.memory_space<vmem>>
    tpu.enqueue_dma source(%dma_start3A_247 : memref<32x1024xf32, #tpu.memory_space<vmem>>) target(%dma_start3A_243 : memref<32x1024xf32, #tpu.memory_space<hbm>>) target_semaphore(%arg11 : memref<!tpu.dma_semaphore, #tpu.memory_space<semaphore_mem>>)
    %dma_wait3A_248 = arith.constant 1 : i32
    %dma_wait3A_249 = arith.constant 0 : i32
    %dma_wait3A_250 = arith.constant 0 : i32
    %dma_wait3A_251 = tpu.memref_slice %arg6[%dma_wait3A_248, %dma_wait3A_249, %dma_wait3A_250] : memref<3x32x1024xf32, #tpu.memory_space<vmem>> -> memref<1x32x1024xf32, #tpu.memory_space<vmem>>
    %dma_wait3A_252 = tpu.memref_squeeze %dma_wait3A_251 : memref<1x32x1024xf32, #tpu.memory_space<vmem>> -> memref<32x1024xf32, #tpu.memory_space<vmem>>
    %dma_wait3A_253 = arith.constant 0 : i32
    %dma_wait3A_254 = tpu.memref_slice %arg4[%add3A_234, %dma_wait3A_253] : memref<8192x1024xf32, #tpu.memory_space<hbm>> -> memref<32x1024xf32, #tpu.memory_space<hbm>>
    %dma_wait3A_255 = arith.constant 0 : i32
    %dma_wait3A_256 = tpu.memref_slice %arg4[%add3A_234, %dma_wait3A_255] : memref<8192x1024xf32, #tpu.memory_space<hbm>> -> memref<32x1024xf32, #tpu.memory_space<hbm>>
    %dma_wait3A_257 = arith.constant 0 : i32
    %dma_wait3A_258 = arith.constant 0 : i32
    %dma_wait3A_259 = tpu.memref_slice %arg6[%dma_wait3A_248, %dma_wait3A_257, %dma_wait3A_258] : memref<3x32x1024xf32, #tpu.memory_space<vmem>> -> memref<1x32x1024xf32, #tpu.memory_space<vmem>>
    %dma_wait3A_260 = tpu.memref_squeeze %dma_wait3A_259 : memref<1x32x1024xf32, #tpu.memory_space<vmem>> -> memref<32x1024xf32, #tpu.memory_space<vmem>>
    tpu.wait_dma2 semaphore(%arg11 : memref<!tpu.dma_semaphore, #tpu.memory_space<semaphore_mem>>) src(%dma_wait3A_260 : memref<32x1024xf32, #tpu.memory_space<vmem>>) dst(%dma_wait3A_256 : memref<32x1024xf32, #tpu.memory_space<hbm>>)
    %dma_start3A_261 = arith.constant 1 : i32
    %dma_start3A_262 = arith.constant 0 : i32
    %dma_start3A_263 = arith.constant 0 : i32
    %dma_start3A_264 = tpu.memref_slice %arg6[%dma_start3A_261, %dma_start3A_262, %dma_start3A_263] : memref<3x32x1024xf32, #tpu.memory_space<vmem>> -> memref<1x32x1024xf32, #tpu.memory_space<vmem>>
    %dma_start3A_265 = tpu.memref_squeeze %dma_start3A_264 : memref<1x32x1024xf32, #tpu.memory_space<vmem>> -> memref<32x1024xf32, #tpu.memory_space<vmem>>
    %dma_start3A_266 = arith.constant 224 : i32
    %dma_start3A_267 = tpu.memref_slice %arg5[%dma_start3A_266] : memref<256xi32, #tpu.memory_space<vmem>> -> memref<32xi32, #tpu.memory_space<vmem>>
    %dma_start3A_268 = arith.constant 0 : i32
    %dma_start3A_269 = arith.constant 0 : i32
    %dma_start3A_270 = tpu.memref_slice %arg2[%dma_start3A_268, %dma_start3A_269] : memref<9216x1024xf32, #tpu.memory_space<hbm>> -> memref<9216x1024xf32, #tpu.memory_space<hbm>>
    tpu.enqueue_indirect_dma source(%dma_start3A_270 : memref<9216x1024xf32, #tpu.memory_space<hbm>>) target(%dma_start3A_265 : memref<32x1024xf32, #tpu.memory_space<vmem>>) offsets(%dma_start3A_267 : memref<32xi32, #tpu.memory_space<vmem>>) semaphore(%arg8 : memref<!tpu.dma_semaphore, #tpu.memory_space<semaphore_mem>>)
    %dma_wait3A_271 = arith.constant 2 : i32
    %dma_wait3A_272 = arith.constant 0 : i32
    %dma_wait3A_273 = arith.constant 0 : i32
    %dma_wait3A_274 = tpu.memref_slice %arg6[%dma_wait3A_271, %dma_wait3A_272, %dma_wait3A_273] : memref<3x32x1024xf32, #tpu.memory_space<vmem>> -> memref<1x32x1024xf32, #tpu.memory_space<vmem>>
    %dma_wait3A_275 = tpu.memref_squeeze %dma_wait3A_274 : memref<1x32x1024xf32, #tpu.memory_space<vmem>> -> memref<32x1024xf32, #tpu.memory_space<vmem>>
    %dma_wait3A_276 = arith.constant 160 : i32
    %dma_wait3A_277 = tpu.memref_slice %arg5[%dma_wait3A_276] : memref<256xi32, #tpu.memory_space<vmem>> -> memref<32xi32, #tpu.memory_space<vmem>>
    %dma_wait3A_278 = arith.constant 0 : i32
    %dma_wait3A_279 = arith.constant 0 : i32
    %dma_wait3A_280 = tpu.memref_slice %arg2[%dma_wait3A_278, %dma_wait3A_279] : memref<9216x1024xf32, #tpu.memory_space<hbm>> -> memref<9216x1024xf32, #tpu.memory_space<hbm>>
    tpu.wait_indirect_dma semaphore(%arg9 : memref<!tpu.dma_semaphore, #tpu.memory_space<semaphore_mem>>) src(%dma_wait3A_280 : memref<9216x1024xf32, #tpu.memory_space<hbm>>) dst(%dma_wait3A_275 : memref<32x1024xf32, #tpu.memory_space<vmem>>)
    %add3A_281 = arith.constant 160 : i32
    %add3A_282 = arith.addi %mul3A_2, %add3A_281 : i32
    %dma_start3A_283 = arith.constant 2 : i32
    %dma_start3A_284 = arith.constant 0 : i32
    %dma_start3A_285 = arith.constant 0 : i32
    %dma_start3A_286 = tpu.memref_slice %arg6[%dma_start3A_283, %dma_start3A_284, %dma_start3A_285] : memref<3x32x1024xf32, #tpu.memory_space<vmem>> -> memref<1x32x1024xf32, #tpu.memory_space<vmem>>
    %dma_start3A_287 = tpu.memref_squeeze %dma_start3A_286 : memref<1x32x1024xf32, #tpu.memory_space<vmem>> -> memref<32x1024xf32, #tpu.memory_space<vmem>>
    %dma_start3A_288 = arith.constant 0 : i32
    %dma_start3A_289 = tpu.memref_slice %arg4[%add3A_282, %dma_start3A_288] : memref<8192x1024xf32, #tpu.memory_space<hbm>> -> memref<32x1024xf32, #tpu.memory_space<hbm>>
    %dma_start3A_290 = arith.constant 0 : i32
    %dma_start3A_291 = tpu.memref_slice %arg4[%add3A_282, %dma_start3A_290] : memref<8192x1024xf32, #tpu.memory_space<hbm>> -> memref<32x1024xf32, #tpu.memory_space<hbm>>
    %dma_start3A_292 = arith.constant 0 : i32
    %dma_start3A_293 = arith.constant 0 : i32
    %dma_start3A_294 = tpu.memref_slice %arg6[%dma_start3A_283, %dma_start3A_292, %dma_start3A_293] : memref<3x32x1024xf32, #tpu.memory_space<vmem>> -> memref<1x32x1024xf32, #tpu.memory_space<vmem>>
    %dma_start3A_295 = tpu.memref_squeeze %dma_start3A_294 : memref<1x32x1024xf32, #tpu.memory_space<vmem>> -> memref<32x1024xf32, #tpu.memory_space<vmem>>
    tpu.enqueue_dma source(%dma_start3A_295 : memref<32x1024xf32, #tpu.memory_space<vmem>>) target(%dma_start3A_291 : memref<32x1024xf32, #tpu.memory_space<hbm>>) target_semaphore(%arg12 : memref<!tpu.dma_semaphore, #tpu.memory_space<semaphore_mem>>)
    %dma_wait3A_296 = arith.constant 0 : i32
    %dma_wait3A_297 = arith.constant 0 : i32
    %dma_wait3A_298 = arith.constant 0 : i32
    %dma_wait3A_299 = tpu.memref_slice %arg6[%dma_wait3A_296, %dma_wait3A_297, %dma_wait3A_298] : memref<3x32x1024xf32, #tpu.memory_space<vmem>> -> memref<1x32x1024xf32, #tpu.memory_space<vmem>>
    %dma_wait3A_300 = tpu.memref_squeeze %dma_wait3A_299 : memref<1x32x1024xf32, #tpu.memory_space<vmem>> -> memref<32x1024xf32, #tpu.memory_space<vmem>>
    %dma_wait3A_301 = arith.constant 192 : i32
    %dma_wait3A_302 = tpu.memref_slice %arg5[%dma_wait3A_301] : memref<256xi32, #tpu.memory_space<vmem>> -> memref<32xi32, #tpu.memory_space<vmem>>
    %dma_wait3A_303 = arith.constant 0 : i32
    %dma_wait3A_304 = arith.constant 0 : i32
    %dma_wait3A_305 = tpu.memref_slice %arg2[%dma_wait3A_303, %dma_wait3A_304] : memref<9216x1024xf32, #tpu.memory_space<hbm>> -> memref<9216x1024xf32, #tpu.memory_space<hbm>>
    tpu.wait_indirect_dma semaphore(%arg7 : memref<!tpu.dma_semaphore, #tpu.memory_space<semaphore_mem>>) src(%dma_wait3A_305 : memref<9216x1024xf32, #tpu.memory_space<hbm>>) dst(%dma_wait3A_300 : memref<32x1024xf32, #tpu.memory_space<vmem>>)
    %add3A_306 = arith.constant 192 : i32
    %add3A_307 = arith.addi %mul3A_2, %add3A_306 : i32
    %dma_start3A_308 = arith.constant 0 : i32
    %dma_start3A_309 = arith.constant 0 : i32
    %dma_start3A_310 = arith.constant 0 : i32
    %dma_start3A_311 = tpu.memref_slice %arg6[%dma_start3A_308, %dma_start3A_309, %dma_start3A_310] : memref<3x32x1024xf32, #tpu.memory_space<vmem>> -> memref<1x32x1024xf32, #tpu.memory_space<vmem>>
    %dma_start3A_312 = tpu.memref_squeeze %dma_start3A_311 : memref<1x32x1024xf32, #tpu.memory_space<vmem>> -> memref<32x1024xf32, #tpu.memory_space<vmem>>
    %dma_start3A_313 = arith.constant 0 : i32
    %dma_start3A_314 = tpu.memref_slice %arg4[%add3A_307, %dma_start3A_313] : memref<8192x1024xf32, #tpu.memory_space<hbm>> -> memref<32x1024xf32, #tpu.memory_space<hbm>>
    %dma_start3A_315 = arith.constant 0 : i32
    %dma_start3A_316 = tpu.memref_slice %arg4[%add3A_307, %dma_start3A_315] : memref<8192x1024xf32, #tpu.memory_space<hbm>> -> memref<32x1024xf32, #tpu.memory_space<hbm>>
    %dma_start3A_317 = arith.constant 0 : i32
    %dma_start3A_318 = arith.constant 0 : i32
    %dma_start3A_319 = tpu.memref_slice %arg6[%dma_start3A_308, %dma_start3A_317, %dma_start3A_318] : memref<3x32x1024xf32, #tpu.memory_space<vmem>> -> memref<1x32x1024xf32, #tpu.memory_space<vmem>>
    %dma_start3A_320 = tpu.memref_squeeze %dma_start3A_319 : memref<1x32x1024xf32, #tpu.memory_space<vmem>> -> memref<32x1024xf32, #tpu.memory_space<vmem>>
    tpu.enqueue_dma source(%dma_start3A_320 : memref<32x1024xf32, #tpu.memory_space<vmem>>) target(%dma_start3A_316 : memref<32x1024xf32, #tpu.memory_space<hbm>>) target_semaphore(%arg10 : memref<!tpu.dma_semaphore, #tpu.memory_space<semaphore_mem>>)
    %dma_wait3A_321 = arith.constant 1 : i32
    %dma_wait3A_322 = arith.constant 0 : i32
    %dma_wait3A_323 = arith.constant 0 : i32
    %dma_wait3A_324 = tpu.memref_slice %arg6[%dma_wait3A_321, %dma_wait3A_322, %dma_wait3A_323] : memref<3x32x1024xf32, #tpu.memory_space<vmem>> -> memref<1x32x1024xf32, #tpu.memory_space<vmem>>
    %dma_wait3A_325 = tpu.memref_squeeze %dma_wait3A_324 : memref<1x32x1024xf32, #tpu.memory_space<vmem>> -> memref<32x1024xf32, #tpu.memory_space<vmem>>
    %dma_wait3A_326 = arith.constant 224 : i32
    %dma_wait3A_327 = tpu.memref_slice %arg5[%dma_wait3A_326] : memref<256xi32, #tpu.memory_space<vmem>> -> memref<32xi32, #tpu.memory_space<vmem>>
    %dma_wait3A_328 = arith.constant 0 : i32
    %dma_wait3A_329 = arith.constant 0 : i32
    %dma_wait3A_330 = tpu.memref_slice %arg2[%dma_wait3A_328, %dma_wait3A_329] : memref<9216x1024xf32, #tpu.memory_space<hbm>> -> memref<9216x1024xf32, #tpu.memory_space<hbm>>
    tpu.wait_indirect_dma semaphore(%arg8 : memref<!tpu.dma_semaphore, #tpu.memory_space<semaphore_mem>>) src(%dma_wait3A_330 : memref<9216x1024xf32, #tpu.memory_space<hbm>>) dst(%dma_wait3A_325 : memref<32x1024xf32, #tpu.memory_space<vmem>>)
    %add3A_331 = arith.constant 224 : i32
    %add3A_332 = arith.addi %mul3A_2, %add3A_331 : i32
    %dma_start3A_333 = arith.constant 1 : i32
    %dma_start3A_334 = arith.constant 0 : i32
    %dma_start3A_335 = arith.constant 0 : i32
    %dma_start3A_336 = tpu.memref_slice %arg6[%dma_start3A_333, %dma_start3A_334, %dma_start3A_335] : memref<3x32x1024xf32, #tpu.memory_space<vmem>> -> memref<1x32x1024xf32, #tpu.memory_space<vmem>>
    %dma_start3A_337 = tpu.memref_squeeze %dma_start3A_336 : memref<1x32x1024xf32, #tpu.memory_space<vmem>> -> memref<32x1024xf32, #tpu.memory_space<vmem>>
    %dma_start3A_338 = arith.constant 0 : i32
    %dma_start3A_339 = tpu.memref_slice %arg4[%add3A_332, %dma_start3A_338] : memref<8192x1024xf32, #tpu.memory_space<hbm>> -> memref<32x1024xf32, #tpu.memory_space<hbm>>
    %dma_start3A_340 = arith.constant 0 : i32
    %dma_start3A_341 = tpu.memref_slice %arg4[%add3A_332, %dma_start3A_340] : memref<8192x1024xf32, #tpu.memory_space<hbm>> -> memref<32x1024xf32, #tpu.memory_space<hbm>>
    %dma_start3A_342 = arith.constant 0 : i32
    %dma_start3A_343 = arith.constant 0 : i32
    %dma_start3A_344 = tpu.memref_slice %arg6[%dma_start3A_333, %dma_start3A_342, %dma_start3A_343] : memref<3x32x1024xf32, #tpu.memory_space<vmem>> -> memref<1x32x1024xf32, #tpu.memory_space<vmem>>
    %dma_start3A_345 = tpu.memref_squeeze %dma_start3A_344 : memref<1x32x1024xf32, #tpu.memory_space<vmem>> -> memref<32x1024xf32, #tpu.memory_space<vmem>>
    tpu.enqueue_dma source(%dma_start3A_345 : memref<32x1024xf32, #tpu.memory_space<vmem>>) target(%dma_start3A_341 : memref<32x1024xf32, #tpu.memory_space<hbm>>) target_semaphore(%arg11 : memref<!tpu.dma_semaphore, #tpu.memory_space<semaphore_mem>>)
    %dma_wait3A_346 = arith.constant 0 : i32
    %dma_wait3A_347 = arith.constant 0 : i32
    %dma_wait3A_348 = arith.constant 0 : i32
    %dma_wait3A_349 = tpu.memref_slice %arg6[%dma_wait3A_346, %dma_wait3A_347, %dma_wait3A_348] : memref<3x32x1024xf32, #tpu.memory_space<vmem>> -> memref<1x32x1024xf32, #tpu.memory_space<vmem>>
    %dma_wait3A_350 = tpu.memref_squeeze %dma_wait3A_349 : memref<1x32x1024xf32, #tpu.memory_space<vmem>> -> memref<32x1024xf32, #tpu.memory_space<vmem>>
    %dma_wait3A_351 = arith.constant 0 : i32
    %dma_wait3A_352 = tpu.memref_slice %arg4[%add3A_307, %dma_wait3A_351] : memref<8192x1024xf32, #tpu.memory_space<hbm>> -> memref<32x1024xf32, #tpu.memory_space<hbm>>
    %dma_wait3A_353 = arith.constant 0 : i32
    %dma_wait3A_354 = tpu.memref_slice %arg4[%add3A_307, %dma_wait3A_353] : memref<8192x1024xf32, #tpu.memory_space<hbm>> -> memref<32x1024xf32, #tpu.memory_space<hbm>>
    %dma_wait3A_355 = arith.constant 0 : i32
    %dma_wait3A_356 = arith.constant 0 : i32
    %dma_wait3A_357 = tpu.memref_slice %arg6[%dma_wait3A_346, %dma_wait3A_355, %dma_wait3A_356] : memref<3x32x1024xf32, #tpu.memory_space<vmem>> -> memref<1x32x1024xf32, #tpu.memory_space<vmem>>
    %dma_wait3A_358 = tpu.memref_squeeze %dma_wait3A_357 : memref<1x32x1024xf32, #tpu.memory_space<vmem>> -> memref<32x1024xf32, #tpu.memory_space<vmem>>
    tpu.wait_dma2 semaphore(%arg10 : memref<!tpu.dma_semaphore, #tpu.memory_space<semaphore_mem>>) src(%dma_wait3A_358 : memref<32x1024xf32, #tpu.memory_space<vmem>>) dst(%dma_wait3A_354 : memref<32x1024xf32, #tpu.memory_space<hbm>>)
    %dma_wait3A_359 = arith.constant 1 : i32
    %dma_wait3A_360 = arith.constant 0 : i32
    %dma_wait3A_361 = arith.constant 0 : i32
    %dma_wait3A_362 = tpu.memref_slice %arg6[%dma_wait3A_359, %dma_wait3A_360, %dma_wait3A_361] : memref<3x32x1024xf32, #tpu.memory_space<vmem>> -> memref<1x32x1024xf32, #tpu.memory_space<vmem>>
    %dma_wait3A_363 = tpu.memref_squeeze %dma_wait3A_362 : memref<1x32x1024xf32, #tpu.memory_space<vmem>> -> memref<32x1024xf32, #tpu.memory_space<vmem>>
    %dma_wait3A_364 = arith.constant 0 : i32
    %dma_wait3A_365 = tpu.memref_slice %arg4[%add3A_332, %dma_wait3A_364] : memref<8192x1024xf32, #tpu.memory_space<hbm>> -> memref<32x1024xf32, #tpu.memory_space<hbm>>
    %dma_wait3A_366 = arith.constant 0 : i32
    %dma_wait3A_367 = tpu.memref_slice %arg4[%add3A_332, %dma_wait3A_366] : memref<8192x1024xf32, #tpu.memory_space<hbm>> -> memref<32x1024xf32, #tpu.memory_space<hbm>>
    %dma_wait3A_368 = arith.constant 0 : i32
    %dma_wait3A_369 = arith.constant 0 : i32
    %dma_wait3A_370 = tpu.memref_slice %arg6[%dma_wait3A_359, %dma_wait3A_368, %dma_wait3A_369] : memref<3x32x1024xf32, #tpu.memory_space<vmem>> -> memref<1x32x1024xf32, #tpu.memory_space<vmem>>
    %dma_wait3A_371 = tpu.memref_squeeze %dma_wait3A_370 : memref<1x32x1024xf32, #tpu.memory_space<vmem>> -> memref<32x1024xf32, #tpu.memory_space<vmem>>
    tpu.wait_dma2 semaphore(%arg11 : memref<!tpu.dma_semaphore, #tpu.memory_space<semaphore_mem>>) src(%dma_wait3A_371 : memref<32x1024xf32, #tpu.memory_space<vmem>>) dst(%dma_wait3A_367 : memref<32x1024xf32, #tpu.memory_space<hbm>>)
    %dma_wait3A_372 = arith.constant 2 : i32
    %dma_wait3A_373 = arith.constant 0 : i32
    %dma_wait3A_374 = arith.constant 0 : i32
    %dma_wait3A_375 = tpu.memref_slice %arg6[%dma_wait3A_372, %dma_wait3A_373, %dma_wait3A_374] : memref<3x32x1024xf32, #tpu.memory_space<vmem>> -> memref<1x32x1024xf32, #tpu.memory_space<vmem>>
    %dma_wait3A_376 = tpu.memref_squeeze %dma_wait3A_375 : memref<1x32x1024xf32, #tpu.memory_space<vmem>> -> memref<32x1024xf32, #tpu.memory_space<vmem>>
    %dma_wait3A_377 = arith.constant 0 : i32
    %dma_wait3A_378 = tpu.memref_slice %arg4[%add3A_282, %dma_wait3A_377] : memref<8192x1024xf32, #tpu.memory_space<hbm>> -> memref<32x1024xf32, #tpu.memory_space<hbm>>
    %dma_wait3A_379 = arith.constant 0 : i32
    %dma_wait3A_380 = tpu.memref_slice %arg4[%add3A_282, %dma_wait3A_379] : memref<8192x1024xf32, #tpu.memory_space<hbm>> -> memref<32x1024xf32, #tpu.memory_space<hbm>>
    %dma_wait3A_381 = arith.constant 0 : i32
    %dma_wait3A_382 = arith.constant 0 : i32
    %dma_wait3A_383 = tpu.memref_slice %arg6[%dma_wait3A_372, %dma_wait3A_381, %dma_wait3A_382] : memref<3x32x1024xf32, #tpu.memory_space<vmem>> -> memref<1x32x1024xf32, #tpu.memory_space<vmem>>
    %dma_wait3A_384 = tpu.memref_squeeze %dma_wait3A_383 : memref<1x32x1024xf32, #tpu.memory_space<vmem>> -> memref<32x1024xf32, #tpu.memory_space<vmem>>
    tpu.wait_dma2 semaphore(%arg12 : memref<!tpu.dma_semaphore, #tpu.memory_space<semaphore_mem>>) src(%dma_wait3A_384 : memref<32x1024xf32, #tpu.memory_space<vmem>>) dst(%dma_wait3A_380 : memref<32x1024xf32, #tpu.memory_space<hbm>>)
    return
  }
}

module attributes {stable_mosaic.version = 14 : i64} {
  func.func @_router_meta_body(%arg0: i32, %arg1: memref<256x1024xf32, #tpu.memory_space<vmem>>, %arg2: memref<1024x8xf32, #tpu.memory_space<vmem>>, %arg3: memref<256x8xf32, #tpu.memory_space<vmem>>, %arg4: memref<256x1xi32, #tpu.memory_space<vmem>>, %arg5: memref<256x1xf32, #tpu.memory_space<vmem>>, %arg6: memref<256x1xi32, #tpu.memory_space<vmem>>, %arg7: memref<256x1xf32, #tpu.memory_space<vmem>>, %arg8: memref<1x128xi32, #tpu.memory_space<vmem>>, %arg9: memref<1x8xf32, #tpu.memory_space<vmem>>, %arg10: memref<1x8xf32, #tpu.memory_space<vmem>>, %arg11: memref<4096x1xi32, #tpu.memory_space<vmem>>, %arg12: memref<4096x1xi32, #tpu.memory_space<vmem>>, %arg13: memref<4096x1xf32, #tpu.memory_space<vmem>>) attributes {dimension_semantics = [#tpu.dimension_semantics<arbitrary>], iteration_bounds = array<i64: 32>, scalar_prefetch = 0 : i64, scratch_operands = 5 : i64, tpu.core_type = #tpu.core_type<tc>, window_params = [{transform_indices = @transform_0, window_bounds = array<i64: 256, 1024>}, {pipeline_mode = #tpu.pipeline_mode<synchronous>, transform_indices = @transform_1, window_bounds = array<i64: 1024, 8>}, {transform_indices = @transform_2, window_bounds = array<i64: 256, 8>}, {transform_indices = @transform_3, window_bounds = array<i64: 256, 1>}, {transform_indices = @transform_4, window_bounds = array<i64: 256, 1>}, {transform_indices = @transform_5, window_bounds = array<i64: 256, 1>}, {transform_indices = @transform_6, window_bounds = array<i64: 256, 1>}, {pipeline_mode = #tpu.pipeline_mode<synchronous>, transform_indices = @transform_7, window_bounds = array<i64: 1, 128>}]} {
    %iota3A = tpu.iota {dimensions = array<i32: 1>} : vector<256x8xi32>
    %eq3A = arith.constant 0 : i32
    %eq3A_0 = arith.cmpi eq, %arg0, %eq3A : i32
    %convert_element_type3A = arith.extui %eq3A_0 : i1 to i32
    %cond3A = arith.constant 0 : i32
    %cond3A_1 = arith.cmpi ne, %convert_element_type3A, %cond3A : i32
    scf.if %cond3A_1 {
      %broadcast_in_dim3A = arith.constant 0.000000e+00 : f32
      %broadcast_in_dim3A_15 = vector.broadcast %broadcast_in_dim3A : f32 to vector<1x8xf32>
      %swap3A = arith.constant 0 : index
      %swap3A_16 = arith.constant 0 : index
      %swap3A_17 = vector.load %arg9[%swap3A, %swap3A_16] : memref<1x8xf32, #tpu.memory_space<vmem>>, vector<1x8xf32>
      tpu.vector_store %arg9[%swap3A, %swap3A_16], %broadcast_in_dim3A_15 {strides = array<i32>} : memref<1x8xf32, #tpu.memory_space<vmem>>, vector<1x8xf32>,
    } else {
    }
    %lt3A = arith.constant 16 : i32
    %lt3A_2 = arith.cmpi slt, %arg0, %lt3A : i32
    %convert_element_type3A_3 = arith.extui %lt3A_2 : i1 to i32
    %cond3A_4 = arith.constant 0 : i32
    %cond3A_5 = arith.cmpi ne, %convert_element_type3A_3, %cond3A_4 : i32
    scf.if %cond3A_5 {
      %get3A = arith.constant 0 : index
      %get3A_15 = arith.constant 0 : index
      %get3A_16 = vector.load %arg1[%get3A, %get3A_15] : memref<256x1024xf32, #tpu.memory_space<vmem>>, vector<256x1024xf32>
      %get3A_17 = arith.constant 0 : index
      %get3A_18 = arith.constant 0 : index
      %get3A_19 = vector.load %arg2[%get3A_17, %get3A_18] : memref<1024x8xf32, #tpu.memory_space<vmem>>, vector<1024x8xf32>
      %dot_general3A = arith.constant dense<0.000000e+00> : vector<256x8xf32>
      %dot_general3A_20 = tpu.matmul %get3A_16, %get3A_19, %dot_general3A {dimension_numbers = #tpu.dot_dimension_numbers<[1], [0], [0], [1], [0, 0, 1, 1], [], []>, transpose_lhs_hint = false} : vector<256x1024xf32>, vector<1024x8xf32>, vector<256x8xf32> -> vector<256x8xf32>
      %swap3A = arith.constant 0 : index
      %swap3A_21 = arith.constant 0 : index
      %swap3A_22 = vector.load %arg3[%swap3A, %swap3A_21] : memref<256x8xf32, #tpu.memory_space<vmem>>, vector<256x8xf32>
      tpu.vector_store %arg3[%swap3A, %swap3A_21], %dot_general3A_20 {strides = array<i32>} : memref<256x8xf32, #tpu.memory_space<vmem>>, vector<256x8xf32>,
      %reduce_max3A = arith.constant dense<0xFF800000> : vector<256xf32>
      %reduce_max3A_23 = vector.multi_reduction <maximumf>, %dot_general3A_20, %reduce_max3A [1] : vector<256x8xf32> to vector<256xf32>
      %broadcast_in_dim3A = vector.shape_cast %reduce_max3A_23 : vector<256xf32> to vector<256x1xf32>
      %eq3A_24 = vector.broadcast %broadcast_in_dim3A : vector<256x1xf32> to vector<256x8xf32>
      %eq3A_25 = arith.cmpf oeq, %dot_general3A_20, %eq3A_24 : vector<256x8xf32>
      %jit3A = arith.constant 8 : i32
      %broadcast_in_dim3A_26 = vector.broadcast %jit3A : i32 to vector<256x8xi32>
      %select_n3A = arith.select %eq3A_25, %iota3A, %broadcast_in_dim3A_26 : vector<256x8xi1>, vector<256x8xi32>
      %reduce_min3A = arith.constant dense<2147483647> : vector<256xi32>
      %reduce_min3A_27 = vector.multi_reduction <minsi>, %select_n3A, %reduce_min3A [1] : vector<256x8xi32> to vector<256xi32>
      %broadcast_in_dim3A_28 = vector.shape_cast %reduce_min3A_27 : vector<256xi32> to vector<256x1xi32>
      %eq3A_29 = vector.broadcast %broadcast_in_dim3A_28 : vector<256x1xi32> to vector<256x8xi32>
      %eq3A_30 = arith.cmpi eq, %iota3A, %eq3A_29 : vector<256x8xi32>
      %jit3A_31 = arith.constant -1.000000e+30 : f32
      %broadcast_in_dim3A_32 = vector.broadcast %jit3A_31 : f32 to vector<256x8xf32>
      %select_n3A_33 = arith.select %eq3A_30, %broadcast_in_dim3A_32, %dot_general3A_20 : vector<256x8xi1>, vector<256x8xf32>
      %reduce_max3A_34 = arith.constant dense<0xFF800000> : vector<256xf32>
      %reduce_max3A_35 = vector.multi_reduction <maximumf>, %select_n3A_33, %reduce_max3A_34 [1] : vector<256x8xf32> to vector<256xf32>
      %broadcast_in_dim3A_36 = vector.shape_cast %reduce_max3A_35 : vector<256xf32> to vector<256x1xf32>
      %eq3A_37 = vector.broadcast %broadcast_in_dim3A_36 : vector<256x1xf32> to vector<256x8xf32>
      %eq3A_38 = arith.cmpf oeq, %select_n3A_33, %eq3A_37 : vector<256x8xf32>
      %jit3A_39 = arith.constant 8 : i32
      %broadcast_in_dim3A_40 = vector.broadcast %jit3A_39 : i32 to vector<256x8xi32>
      %select_n3A_41 = arith.select %eq3A_38, %iota3A, %broadcast_in_dim3A_40 : vector<256x8xi1>, vector<256x8xi32>
      %reduce_min3A_42 = arith.constant dense<2147483647> : vector<256xi32>
      %reduce_min3A_43 = vector.multi_reduction <minsi>, %select_n3A_41, %reduce_min3A_42 [1] : vector<256x8xi32> to vector<256xi32>
      %broadcast_in_dim3A_44 = vector.shape_cast %reduce_min3A_43 : vector<256xi32> to vector<256x1xi32>
      %sub3A = arith.subf %broadcast_in_dim3A_36, %broadcast_in_dim3A : vector<256x1xf32>
      %exp3A = math.exp %sub3A : vector<256x1xf32>
      %add3A = arith.constant 1.000000e+00 : f32
      %add3A_45 = vector.broadcast %add3A : f32 to vector<256x1xf32>
      %add3A_46 = arith.addf %add3A_45, %exp3A : vector<256x1xf32>
      %div3A = arith.constant 1.000000e+00 : f32
      %div3A_47 = vector.broadcast %div3A : f32 to vector<256x1xf32>
      %div3A_48 = arith.divf %div3A_47, %add3A_46 : vector<256x1xf32>
      %mul3A = arith.constant 256 : i32
      %mul3A_49 = arith.muli %arg0, %mul3A : i32
      %swap3A_50 = arith.index_cast %mul3A_49 : i32 to index
      %swap3A_51 = arith.constant 0 : index
      %swap3A_52 = vector.load %arg11[%swap3A_50, %swap3A_51] : memref<4096x1xi32, #tpu.memory_space<vmem>>, vector<256x1xi32>
      tpu.vector_store %arg11[%swap3A_50, %swap3A_51], %broadcast_in_dim3A_28 {strides = array<i32>} : memref<4096x1xi32, #tpu.memory_space<vmem>>, vector<256x1xi32>,
      %swap3A_53 = arith.index_cast %mul3A_49 : i32 to index
      %swap3A_54 = arith.constant 0 : index
      %swap3A_55 = vector.load %arg12[%swap3A_53, %swap3A_54] : memref<4096x1xi32, #tpu.memory_space<vmem>>, vector<256x1xi32>
      tpu.vector_store %arg12[%swap3A_53, %swap3A_54], %broadcast_in_dim3A_44 {strides = array<i32>} : memref<4096x1xi32, #tpu.memory_space<vmem>>, vector<256x1xi32>,
      %swap3A_56 = arith.index_cast %mul3A_49 : i32 to index
      %swap3A_57 = arith.constant 0 : index
      %swap3A_58 = vector.load %arg13[%swap3A_56, %swap3A_57] : memref<4096x1xf32, #tpu.memory_space<vmem>>, vector<256x1xf32>
      tpu.vector_store %arg13[%swap3A_56, %swap3A_57], %div3A_48 {strides = array<i32>} : memref<4096x1xf32, #tpu.memory_space<vmem>>, vector<256x1xf32>,
      %eq3A_59 = vector.broadcast %broadcast_in_dim3A_28 : vector<256x1xi32> to vector<256x8xi32>
      %eq3A_60 = arith.cmpi eq, %iota3A, %eq3A_59 : vector<256x8xi32>
      %convert_element_type3A_61 = arith.extui %eq3A_60 : vector<256x8xi1> to vector<256x8xi32>
      %convert_element_type3A_62 = arith.sitofp %convert_element_type3A_61 : vector<256x8xi32> to vector<256x8xf32>
      %eq3A_63 = vector.broadcast %broadcast_in_dim3A_44 : vector<256x1xi32> to vector<256x8xi32>
      %eq3A_64 = arith.cmpi eq, %iota3A, %eq3A_63 : vector<256x8xi32>
      %convert_element_type3A_65 = arith.extui %eq3A_64 : vector<256x8xi1> to vector<256x8xi32>
      %convert_element_type3A_66 = arith.sitofp %convert_element_type3A_65 : vector<256x8xi32> to vector<256x8xf32>
      %add3A_67 = arith.addf %convert_element_type3A_62, %convert_element_type3A_66 : vector<256x8xf32>
      %get3A_68 = arith.constant 0 : index
      %get3A_69 = arith.constant 0 : index
      %get3A_70 = vector.load %arg9[%get3A_68, %get3A_69] : memref<1x8xf32, #tpu.memory_space<vmem>>, vector<1x8xf32>
      %reduce_sum3A = arith.constant dense<0.000000e+00> : vector<8xf32>
      %reduce_sum3A_71 = vector.multi_reduction <add>, %add3A_67, %reduce_sum3A [0] : vector<256x8xf32> to vector<8xf32>
      %broadcast_in_dim3A_72 = vector.shape_cast %reduce_sum3A_71 : vector<8xf32> to vector<1x8xf32>
      %add3A_73 = arith.addf %get3A_70, %broadcast_in_dim3A_72 : vector<1x8xf32>
      %swap3A_74 = arith.constant 0 : index
      %swap3A_75 = arith.constant 0 : index
      %swap3A_76 = vector.load %arg9[%swap3A_74, %swap3A_75] : memref<1x8xf32, #tpu.memory_space<vmem>>, vector<1x8xf32>
      tpu.vector_store %arg9[%swap3A_74, %swap3A_75], %add3A_73 {strides = array<i32>} : memref<1x8xf32, #tpu.memory_space<vmem>>, vector<1x8xf32>,
      %broadcast_in_dim3A_77 = arith.constant 0 : i32
      %broadcast_in_dim3A_78 = vector.broadcast %broadcast_in_dim3A_77 : i32 to vector<256x1xi32>
      %swap3A_79 = arith.constant 0 : index
      %swap3A_80 = arith.constant 0 : index
      %swap3A_81 = vector.load %arg4[%swap3A_79, %swap3A_80] : memref<256x1xi32, #tpu.memory_space<vmem>>, vector<256x1xi32>
      tpu.vector_store %arg4[%swap3A_79, %swap3A_80], %broadcast_in_dim3A_78 {strides = array<i32>} : memref<256x1xi32, #tpu.memory_space<vmem>>, vector<256x1xi32>,
      %broadcast_in_dim3A_82 = arith.constant 0.000000e+00 : f32
      %broadcast_in_dim3A_83 = vector.broadcast %broadcast_in_dim3A_82 : f32 to vector<256x1xf32>
      %swap3A_84 = arith.constant 0 : index
      %swap3A_85 = arith.constant 0 : index
      %swap3A_86 = vector.load %arg5[%swap3A_84, %swap3A_85] : memref<256x1xf32, #tpu.memory_space<vmem>>, vector<256x1xf32>
      tpu.vector_store %arg5[%swap3A_84, %swap3A_85], %broadcast_in_dim3A_83 {strides = array<i32>} : memref<256x1xf32, #tpu.memory_space<vmem>>, vector<256x1xf32>,
      %broadcast_in_dim3A_87 = arith.constant 0 : i32
      %broadcast_in_dim3A_88 = vector.broadcast %broadcast_in_dim3A_87 : i32 to vector<256x1xi32>
      %swap3A_89 = arith.constant 0 : index
      %swap3A_90 = arith.constant 0 : index
      %swap3A_91 = vector.load %arg6[%swap3A_89, %swap3A_90] : memref<256x1xi32, #tpu.memory_space<vmem>>, vector<256x1xi32>
      tpu.vector_store %arg6[%swap3A_89, %swap3A_90], %broadcast_in_dim3A_88 {strides = array<i32>} : memref<256x1xi32, #tpu.memory_space<vmem>>, vector<256x1xi32>,
      %broadcast_in_dim3A_92 = arith.constant 0.000000e+00 : f32
      %broadcast_in_dim3A_93 = vector.broadcast %broadcast_in_dim3A_92 : f32 to vector<256x1xf32>
      %swap3A_94 = arith.constant 0 : index
      %swap3A_95 = arith.constant 0 : index
      %swap3A_96 = vector.load %arg7[%swap3A_94, %swap3A_95] : memref<256x1xf32, #tpu.memory_space<vmem>>, vector<256x1xf32>
      tpu.vector_store %arg7[%swap3A_94, %swap3A_95], %broadcast_in_dim3A_93 {strides = array<i32>} : memref<256x1xf32, #tpu.memory_space<vmem>>, vector<256x1xf32>,
    } else {
    }
    %eq3A_6 = arith.constant 16 : i32
    %eq3A_7 = arith.cmpi eq, %arg0, %eq3A_6 : i32
    %convert_element_type3A_8 = arith.extui %eq3A_7 : i1 to i32
    %cond3A_9 = arith.constant 0 : i32
    %cond3A_10 = arith.cmpi ne, %convert_element_type3A_8, %cond3A_9 : i32
    scf.if %cond3A_10 {
      %get3A = arith.constant 0 : index
      %get3A_15 = arith.constant 0 : index
      %get3A_16 = vector.load %arg9[%get3A, %get3A_15] : memref<1x8xf32, #tpu.memory_space<vmem>>, vector<1x8xf32>
      %add3A = arith.constant 1.270000e+02 : f32
      %add3A_17 = vector.broadcast %add3A : f32 to vector<1x8xf32>
      %add3A_18 = arith.addf %get3A_16, %add3A_17 : vector<1x8xf32>
      %mul3A = arith.constant 7.812500e-03 : f32
      %mul3A_19 = vector.broadcast %mul3A : f32 to vector<1x8xf32>
      %mul3A_20 = arith.mulf %add3A_18, %mul3A_19 : vector<1x8xf32>
      %floor3A = math.floor %mul3A_20 : vector<1x8xf32>
      %mul3A_21 = arith.constant 1.280000e+02 : f32
      %mul3A_22 = vector.broadcast %mul3A_21 : f32 to vector<1x8xf32>
      %mul3A_23 = arith.mulf %floor3A, %mul3A_22 : vector<1x8xf32>
      %iota3A_24 = tpu.iota {dimensions = array<i32: 0>} : vector<8x8xi32>
      %iota3A_25 = tpu.iota {dimensions = array<i32: 1>} : vector<8x8xi32>
      %lt3A_26 = arith.cmpi slt, %iota3A_24, %iota3A_25 : vector<8x8xi32>
      %convert_element_type3A_27 = arith.extui %lt3A_26 : vector<8x8xi1> to vector<8x8xi32>
      %convert_element_type3A_28 = arith.sitofp %convert_element_type3A_27 : vector<8x8xi32> to vector<8x8xf32>
      %dot_general3A = arith.constant dense<0.000000e+00> : vector<1x8xf32>
      %dot_general3A_29 = tpu.matmul %mul3A_23, %convert_element_type3A_28, %dot_general3A {dimension_numbers = #tpu.dot_dimension_numbers<[1], [0], [0], [1], [0, 0, 1, 1], [], []>, transpose_lhs_hint = false} : vector<1x8xf32>, vector<8x8xf32>, vector<1x8xf32> -> vector<1x8xf32>
      %swap3A = arith.constant 0 : index
      %swap3A_30 = arith.constant 0 : index
      %swap3A_31 = vector.load %arg10[%swap3A, %swap3A_30] : memref<1x8xf32, #tpu.memory_space<vmem>>, vector<1x8xf32>
      tpu.vector_store %arg10[%swap3A, %swap3A_30], %dot_general3A_29 {strides = array<i32>} : memref<1x8xf32, #tpu.memory_space<vmem>>, vector<1x8xf32>,
      %iota3A_32 = tpu.iota {dimensions = array<i32: 1>} : vector<1x128xi32>
      %convert_element_type3A_33 = arith.sitofp %iota3A_32 : vector<1x128xi32> to vector<1x128xf32>
      %mul3A_34 = arith.constant 1.280000e+02 : f32
      %mul3A_35 = vector.broadcast %mul3A_34 : f32 to vector<1x128xf32>
      %mul3A_36 = arith.mulf %convert_element_type3A_33, %mul3A_35 : vector<1x128xf32>
      %broadcast_in_dim3A = arith.constant 0.000000e+00 : f32
      %broadcast_in_dim3A_37 = vector.broadcast %broadcast_in_dim3A : f32 to vector<1x128xf32>
      %slice3A = vector.extract_strided_slice %dot_general3A_29 {offsets = [0, 1], sizes = [1, 1], strides = [1, 1]} : vector<1x8xf32> to vector<1x1xf32>
      %ge3A_38 = vector.broadcast %slice3A : vector<1x1xf32> to vector<1x128xf32>
      %ge3A_39 = arith.cmpf oge, %mul3A_36, %ge3A_38 : vector<1x128xf32>
      %convert_element_type3A_40 = arith.extui %ge3A_39 : vector<1x128xi1> to vector<1x128xi32>
      %convert_element_type3A_41 = arith.sitofp %convert_element_type3A_40 : vector<1x128xi32> to vector<1x128xf32>
      %add3A_42 = arith.addf %broadcast_in_dim3A_37, %convert_element_type3A_41 : vector<1x128xf32>
      %slice3A_43 = vector.extract_strided_slice %dot_general3A_29 {offsets = [0, 2], sizes = [1, 1], strides = [1, 1]} : vector<1x8xf32> to vector<1x1xf32>
      %ge3A_44 = vector.broadcast %slice3A_43 : vector<1x1xf32> to vector<1x128xf32>
      %ge3A_45 = arith.cmpf oge, %mul3A_36, %ge3A_44 : vector<1x128xf32>
      %convert_element_type3A_46 = arith.extui %ge3A_45 : vector<1x128xi1> to vector<1x128xi32>
      %convert_element_type3A_47 = arith.sitofp %convert_element_type3A_46 : vector<1x128xi32> to vector<1x128xf32>
      %add3A_48 = arith.addf %add3A_42, %convert_element_type3A_47 : vector<1x128xf32>
      %slice3A_49 = vector.extract_strided_slice %dot_general3A_29 {offsets = [0, 3], sizes = [1, 1], strides = [1, 1]} : vector<1x8xf32> to vector<1x1xf32>
      %ge3A_50 = vector.broadcast %slice3A_49 : vector<1x1xf32> to vector<1x128xf32>
      %ge3A_51 = arith.cmpf oge, %mul3A_36, %ge3A_50 : vector<1x128xf32>
      %convert_element_type3A_52 = arith.extui %ge3A_51 : vector<1x128xi1> to vector<1x128xi32>
      %convert_element_type3A_53 = arith.sitofp %convert_element_type3A_52 : vector<1x128xi32> to vector<1x128xf32>
      %add3A_54 = arith.addf %add3A_48, %convert_element_type3A_53 : vector<1x128xf32>
      %slice3A_55 = vector.extract_strided_slice %dot_general3A_29 {offsets = [0, 4], sizes = [1, 1], strides = [1, 1]} : vector<1x8xf32> to vector<1x1xf32>
      %ge3A_56 = vector.broadcast %slice3A_55 : vector<1x1xf32> to vector<1x128xf32>
      %ge3A_57 = arith.cmpf oge, %mul3A_36, %ge3A_56 : vector<1x128xf32>
      %convert_element_type3A_58 = arith.extui %ge3A_57 : vector<1x128xi1> to vector<1x128xi32>
      %convert_element_type3A_59 = arith.sitofp %convert_element_type3A_58 : vector<1x128xi32> to vector<1x128xf32>
      %add3A_60 = arith.addf %add3A_54, %convert_element_type3A_59 : vector<1x128xf32>
      %slice3A_61 = vector.extract_strided_slice %dot_general3A_29 {offsets = [0, 5], sizes = [1, 1], strides = [1, 1]} : vector<1x8xf32> to vector<1x1xf32>
      %ge3A_62 = vector.broadcast %slice3A_61 : vector<1x1xf32> to vector<1x128xf32>
      %ge3A_63 = arith.cmpf oge, %mul3A_36, %ge3A_62 : vector<1x128xf32>
      %convert_element_type3A_64 = arith.extui %ge3A_63 : vector<1x128xi1> to vector<1x128xi32>
      %convert_element_type3A_65 = arith.sitofp %convert_element_type3A_64 : vector<1x128xi32> to vector<1x128xf32>
      %add3A_66 = arith.addf %add3A_60, %convert_element_type3A_65 : vector<1x128xf32>
      %slice3A_67 = vector.extract_strided_slice %dot_general3A_29 {offsets = [0, 6], sizes = [1, 1], strides = [1, 1]} : vector<1x8xf32> to vector<1x1xf32>
      %ge3A_68 = vector.broadcast %slice3A_67 : vector<1x1xf32> to vector<1x128xf32>
      %ge3A_69 = arith.cmpf oge, %mul3A_36, %ge3A_68 : vector<1x128xf32>
      %convert_element_type3A_70 = arith.extui %ge3A_69 : vector<1x128xi1> to vector<1x128xi32>
      %convert_element_type3A_71 = arith.sitofp %convert_element_type3A_70 : vector<1x128xi32> to vector<1x128xf32>
      %add3A_72 = arith.addf %add3A_66, %convert_element_type3A_71 : vector<1x128xf32>
      %slice3A_73 = vector.extract_strided_slice %dot_general3A_29 {offsets = [0, 7], sizes = [1, 1], strides = [1, 1]} : vector<1x8xf32> to vector<1x1xf32>
      %ge3A_74 = vector.broadcast %slice3A_73 : vector<1x1xf32> to vector<1x128xf32>
      %ge3A_75 = arith.cmpf oge, %mul3A_36, %ge3A_74 : vector<1x128xf32>
      %convert_element_type3A_76 = arith.extui %ge3A_75 : vector<1x128xi1> to vector<1x128xi32>
      %convert_element_type3A_77 = arith.sitofp %convert_element_type3A_76 : vector<1x128xi32> to vector<1x128xf32>
      %add3A_78 = arith.addf %add3A_72, %convert_element_type3A_77 : vector<1x128xf32>
      %convert_element_type3A_79 = arith.fptosi %add3A_78 : vector<1x128xf32> to vector<1x128xi32>
      %swap3A_80 = arith.constant 0 : index
      %swap3A_81 = arith.constant 0 : index
      %swap3A_82 = vector.load %arg8[%swap3A_80, %swap3A_81] : memref<1x128xi32, #tpu.memory_space<vmem>>, vector<1x128xi32>
      tpu.vector_store %arg8[%swap3A_80, %swap3A_81], %convert_element_type3A_79 {strides = array<i32>} : memref<1x128xi32, #tpu.memory_space<vmem>>, vector<1x128xi32>,
    } else {
    }
    %ge3A = arith.constant 16 : i32
    %ge3A_11 = arith.cmpi sge, %arg0, %ge3A : i32
    %convert_element_type3A_12 = arith.extui %ge3A_11 : i1 to i32
    %cond3A_13 = arith.constant 0 : i32
    %cond3A_14 = arith.cmpi ne, %convert_element_type3A_12, %cond3A_13 : i32
    scf.if %cond3A_14 {
      %sub3A = arith.constant 16 : i32
      %sub3A_15 = arith.subi %arg0, %sub3A : i32
      %mul3A = arith.constant 256 : i32
      %mul3A_16 = arith.muli %sub3A_15, %mul3A : i32
      %get3A = arith.index_cast %mul3A_16 : i32 to index
      %get3A_17 = arith.constant 0 : index
      %get3A_18 = vector.load %arg11[%get3A, %get3A_17] : memref<4096x1xi32, #tpu.memory_space<vmem>>, vector<256x1xi32>
      %get3A_19 = arith.index_cast %mul3A_16 : i32 to index
      %get3A_20 = arith.constant 0 : index
      %get3A_21 = vector.load %arg12[%get3A_19, %get3A_20] : memref<4096x1xi32, #tpu.memory_space<vmem>>, vector<256x1xi32>
      %get3A_22 = arith.index_cast %mul3A_16 : i32 to index
      %get3A_23 = arith.constant 0 : index
      %get3A_24 = vector.load %arg13[%get3A_22, %get3A_23] : memref<4096x1xf32, #tpu.memory_space<vmem>>, vector<256x1xf32>
      %iota3A_25 = tpu.iota {dimensions = array<i32: 0>} : vector<256x256xi32>
      %iota3A_26 = tpu.iota {dimensions = array<i32: 1>} : vector<256x256xi32>
      %lt3A_27 = arith.cmpi slt, %iota3A_26, %iota3A_25 : vector<256x256xi32>
      %convert_element_type3A_28 = arith.extui %lt3A_27 : vector<256x256xi1> to vector<256x256xi32>
      %convert_element_type3A_29 = arith.sitofp %convert_element_type3A_28 : vector<256x256xi32> to vector<256x256xf32>
      %get3A_30 = arith.constant 0 : index
      %get3A_31 = arith.constant 0 : index
      %get3A_32 = vector.load %arg10[%get3A_30, %get3A_31] : memref<1x8xf32, #tpu.memory_space<vmem>>, vector<1x8xf32>
      %eq3A_33 = vector.broadcast %get3A_18 : vector<256x1xi32> to vector<256x8xi32>
      %eq3A_34 = arith.cmpi eq, %iota3A, %eq3A_33 : vector<256x8xi32>
      %convert_element_type3A_35 = arith.extui %eq3A_34 : vector<256x8xi1> to vector<256x8xi32>
      %convert_element_type3A_36 = arith.sitofp %convert_element_type3A_35 : vector<256x8xi32> to vector<256x8xf32>
      %dot_general3A = arith.constant dense<0.000000e+00> : vector<256x8xf32>
      %dot_general3A_37 = tpu.matmul %convert_element_type3A_29, %convert_element_type3A_36, %dot_general3A {dimension_numbers = #tpu.dot_dimension_numbers<[1], [0], [0], [1], [0, 0, 1, 1], [], []>, transpose_lhs_hint = false} : vector<256x256xf32>, vector<256x8xf32>, vector<256x8xf32> -> vector<256x8xf32>
      %mul3A_38 = arith.mulf %dot_general3A_37, %convert_element_type3A_36 : vector<256x8xf32>
      %reduce_sum3A = arith.constant dense<0.000000e+00> : vector<256xf32>
      %reduce_sum3A_39 = vector.multi_reduction <add>, %mul3A_38, %reduce_sum3A [1] : vector<256x8xf32> to vector<256xf32>
      %broadcast_in_dim3A = vector.shape_cast %reduce_sum3A_39 : vector<256xf32> to vector<256x1xf32>
      %mul3A_40 = vector.broadcast %get3A_32 : vector<1x8xf32> to vector<256x8xf32>
      %mul3A_41 = arith.mulf %mul3A_40, %convert_element_type3A_36 : vector<256x8xf32>
      %reduce_sum3A_42 = arith.constant dense<0.000000e+00> : vector<256xf32>
      %reduce_sum3A_43 = vector.multi_reduction <add>, %mul3A_41, %reduce_sum3A_42 [1] : vector<256x8xf32> to vector<256xf32>
      %broadcast_in_dim3A_44 = vector.shape_cast %reduce_sum3A_43 : vector<256xf32> to vector<256x1xf32>
      %add3A = arith.addf %broadcast_in_dim3A, %broadcast_in_dim3A_44 : vector<256x1xf32>
      %convert_element_type3A_45 = arith.fptosi %add3A : vector<256x1xf32> to vector<256x1xi32>
      %swap3A = arith.constant 0 : index
      %swap3A_46 = arith.constant 0 : index
      %swap3A_47 = vector.load %arg4[%swap3A, %swap3A_46] : memref<256x1xi32, #tpu.memory_space<vmem>>, vector<256x1xi32>
      tpu.vector_store %arg4[%swap3A, %swap3A_46], %convert_element_type3A_45 {strides = array<i32>} : memref<256x1xi32, #tpu.memory_space<vmem>>, vector<256x1xi32>,
      %swap3A_48 = arith.constant 0 : index
      %swap3A_49 = arith.constant 0 : index
      %swap3A_50 = vector.load %arg5[%swap3A_48, %swap3A_49] : memref<256x1xf32, #tpu.memory_space<vmem>>, vector<256x1xf32>
      tpu.vector_store %arg5[%swap3A_48, %swap3A_49], %get3A_24 {strides = array<i32>} : memref<256x1xf32, #tpu.memory_space<vmem>>, vector<256x1xf32>,
      %reduce_sum3A_51 = arith.constant dense<0.000000e+00> : vector<8xf32>
      %reduce_sum3A_52 = vector.multi_reduction <add>, %convert_element_type3A_36, %reduce_sum3A_51 [0] : vector<256x8xf32> to vector<8xf32>
      %broadcast_in_dim3A_53 = vector.shape_cast %reduce_sum3A_52 : vector<8xf32> to vector<1x8xf32>
      %add3A_54 = arith.addf %get3A_32, %broadcast_in_dim3A_53 : vector<1x8xf32>
      %eq3A_55 = vector.broadcast %get3A_21 : vector<256x1xi32> to vector<256x8xi32>
      %eq3A_56 = arith.cmpi eq, %iota3A, %eq3A_55 : vector<256x8xi32>
      %convert_element_type3A_57 = arith.extui %eq3A_56 : vector<256x8xi1> to vector<256x8xi32>
      %convert_element_type3A_58 = arith.sitofp %convert_element_type3A_57 : vector<256x8xi32> to vector<256x8xf32>
      %dot_general3A_59 = arith.constant dense<0.000000e+00> : vector<256x8xf32>
      %dot_general3A_60 = tpu.matmul %convert_element_type3A_29, %convert_element_type3A_58, %dot_general3A_59 {dimension_numbers = #tpu.dot_dimension_numbers<[1], [0], [0], [1], [0, 0, 1, 1], [], []>, transpose_lhs_hint = false} : vector<256x256xf32>, vector<256x8xf32>, vector<256x8xf32> -> vector<256x8xf32>
      %mul3A_61 = arith.mulf %dot_general3A_60, %convert_element_type3A_58 : vector<256x8xf32>
      %reduce_sum3A_62 = arith.constant dense<0.000000e+00> : vector<256xf32>
      %reduce_sum3A_63 = vector.multi_reduction <add>, %mul3A_61, %reduce_sum3A_62 [1] : vector<256x8xf32> to vector<256xf32>
      %broadcast_in_dim3A_64 = vector.shape_cast %reduce_sum3A_63 : vector<256xf32> to vector<256x1xf32>
      %mul3A_65 = vector.broadcast %add3A_54 : vector<1x8xf32> to vector<256x8xf32>
      %mul3A_66 = arith.mulf %mul3A_65, %convert_element_type3A_58 : vector<256x8xf32>
      %reduce_sum3A_67 = arith.constant dense<0.000000e+00> : vector<256xf32>
      %reduce_sum3A_68 = vector.multi_reduction <add>, %mul3A_66, %reduce_sum3A_67 [1] : vector<256x8xf32> to vector<256xf32>
      %broadcast_in_dim3A_69 = vector.shape_cast %reduce_sum3A_68 : vector<256xf32> to vector<256x1xf32>
      %add3A_70 = arith.addf %broadcast_in_dim3A_64, %broadcast_in_dim3A_69 : vector<256x1xf32>
      %convert_element_type3A_71 = arith.fptosi %add3A_70 : vector<256x1xf32> to vector<256x1xi32>
      %swap3A_72 = arith.constant 0 : index
      %swap3A_73 = arith.constant 0 : index
      %swap3A_74 = vector.load %arg6[%swap3A_72, %swap3A_73] : memref<256x1xi32, #tpu.memory_space<vmem>>, vector<256x1xi32>
      tpu.vector_store %arg6[%swap3A_72, %swap3A_73], %convert_element_type3A_71 {strides = array<i32>} : memref<256x1xi32, #tpu.memory_space<vmem>>, vector<256x1xi32>,
      %sub3A_75 = arith.constant 1.000000e+00 : f32
      %sub3A_76 = vector.broadcast %sub3A_75 : f32 to vector<256x1xf32>
      %sub3A_77 = arith.subf %sub3A_76, %get3A_24 : vector<256x1xf32>
      %swap3A_78 = arith.constant 0 : index
      %swap3A_79 = arith.constant 0 : index
      %swap3A_80 = vector.load %arg7[%swap3A_78, %swap3A_79] : memref<256x1xf32, #tpu.memory_space<vmem>>, vector<256x1xf32>
      tpu.vector_store %arg7[%swap3A_78, %swap3A_79], %sub3A_77 {strides = array<i32>} : memref<256x1xf32, #tpu.memory_space<vmem>>, vector<256x1xf32>,
      %reduce_sum3A_81 = arith.constant dense<0.000000e+00> : vector<8xf32>
      %reduce_sum3A_82 = vector.multi_reduction <add>, %convert_element_type3A_58, %reduce_sum3A_81 [0] : vector<256x8xf32> to vector<8xf32>
      %broadcast_in_dim3A_83 = vector.shape_cast %reduce_sum3A_82 : vector<8xf32> to vector<1x8xf32>
      %add3A_84 = arith.addf %add3A_54, %broadcast_in_dim3A_83 : vector<1x8xf32>
      %swap3A_85 = arith.constant 0 : index
      %swap3A_86 = arith.constant 0 : index
      %swap3A_87 = vector.load %arg10[%swap3A_85, %swap3A_86] : memref<1x8xf32, #tpu.memory_space<vmem>>, vector<1x8xf32>
      tpu.vector_store %arg10[%swap3A_85, %swap3A_86], %add3A_84 {strides = array<i32>} : memref<1x8xf32, #tpu.memory_space<vmem>>, vector<1x8xf32>,
    } else {
    }
    return
  }
  func.func @transform_0(%arg0: i32) -> (i32, i32) {
    %min3A = arith.constant 15 : i32
    %min3A_0 = arith.minsi %arg0, %min3A : i32
    %c0_i32 = arith.constant 0 : i32
    %c0_i32_1 = arith.constant 0 : i32
    return %min3A_0, %c0_i32 : i32, i32
  }
  func.func @transform_1(%arg0: i32) -> (i32, i32) {
    %c0_i32 = arith.constant 0 : i32
    %c0_i32_0 = arith.constant 0 : i32
    %c0_i32_1 = arith.constant 0 : i32
    return %c0_i32, %c0_i32_0 : i32, i32
  }
  func.func @transform_2(%arg0: i32) -> (i32, i32) {
    %min3A = arith.constant 15 : i32
    %min3A_0 = arith.minsi %arg0, %min3A : i32
    %c0_i32 = arith.constant 0 : i32
    %c0_i32_1 = arith.constant 0 : i32
    return %min3A_0, %c0_i32 : i32, i32
  }
  func.func @transform_3(%arg0: i32) -> (i32, i32) {
    %lt3A = arith.constant 16 : i32
    %lt3A_0 = arith.cmpi slt, %arg0, %lt3A : i32
    %sub3A = arith.constant 16 : i32
    %sub3A_1 = arith.subi %arg0, %sub3A : i32
    %jit3A = arith.constant 0 : i32
    %select_n3A = arith.select %lt3A_0, %jit3A, %sub3A_1 : i32
    %c0_i32 = arith.constant 0 : i32
    %c0_i32_2 = arith.constant 0 : i32
    return %select_n3A, %c0_i32 : i32, i32
  }
  func.func @transform_4(%arg0: i32) -> (i32, i32) {
    %lt3A = arith.constant 16 : i32
    %lt3A_0 = arith.cmpi slt, %arg0, %lt3A : i32
    %sub3A = arith.constant 16 : i32
    %sub3A_1 = arith.subi %arg0, %sub3A : i32
    %jit3A = arith.constant 0 : i32
    %select_n3A = arith.select %lt3A_0, %jit3A, %sub3A_1 : i32
    %c0_i32 = arith.constant 0 : i32
    %c0_i32_2 = arith.constant 0 : i32
    return %select_n3A, %c0_i32 : i32, i32
  }
  func.func @transform_5(%arg0: i32) -> (i32, i32) {
    %lt3A = arith.constant 16 : i32
    %lt3A_0 = arith.cmpi slt, %arg0, %lt3A : i32
    %sub3A = arith.constant 16 : i32
    %sub3A_1 = arith.subi %arg0, %sub3A : i32
    %jit3A = arith.constant 0 : i32
    %select_n3A = arith.select %lt3A_0, %jit3A, %sub3A_1 : i32
    %c0_i32 = arith.constant 0 : i32
    %c0_i32_2 = arith.constant 0 : i32
    return %select_n3A, %c0_i32 : i32, i32
  }
  func.func @transform_6(%arg0: i32) -> (i32, i32) {
    %lt3A = arith.constant 16 : i32
    %lt3A_0 = arith.cmpi slt, %arg0, %lt3A : i32
    %sub3A = arith.constant 16 : i32
    %sub3A_1 = arith.subi %arg0, %sub3A : i32
    %jit3A = arith.constant 0 : i32
    %select_n3A = arith.select %lt3A_0, %jit3A, %sub3A_1 : i32
    %c0_i32 = arith.constant 0 : i32
    %c0_i32_2 = arith.constant 0 : i32
    return %select_n3A, %c0_i32 : i32, i32
  }
  func.func @transform_7(%arg0: i32) -> (i32, i32) {
    %c0_i32 = arith.constant 0 : i32
    %c0_i32_0 = arith.constant 0 : i32
    %c0_i32_1 = arith.constant 0 : i32
    return %c0_i32, %c0_i32_0 : i32, i32
  }
}

module attributes {stable_mosaic.version = 14 : i64} {
  func.func @_gmm_body(%arg0: i32, %arg1: i32, %arg2: memref<128xi32, #tpu.memory_space<smem>>, %arg3: memref<128x1024xf32, #tpu.memory_space<vmem>>, %arg4: memref<1x1024x1024xf32, #tpu.memory_space<vmem>>, %arg5: memref<1x1024x1024xf32, #tpu.memory_space<vmem>>, %arg6: memref<1x1024x1024xf32, #tpu.memory_space<vmem>>, %arg7: memref<128x1xf32, #tpu.memory_space<vmem>>, %arg8: memref<9216x1024xf32, #tpu.memory_space<any>>, %arg9: memref<72x128x1024xf32, #tpu.memory_space<vmem>>, %arg10: memref<!tpu.dma_semaphore, #tpu.memory_space<semaphore_mem>>) attributes {dimension_semantics = [#tpu.dimension_semantics<arbitrary>, #tpu.dimension_semantics<arbitrary>], iteration_bounds = array<i64: 4, 72>, scalar_prefetch = 1 : i64, scratch_operands = 2 : i64, tpu.core_type = #tpu.core_type<tc>, window_params = [{transform_indices = @transform_0, window_bounds = array<i64: 128, 1024>}, {transform_indices = @transform_1, window_bounds = array<i64: 1, 1024, 1024>}, {transform_indices = @transform_2, window_bounds = array<i64: 1, 1024, 1024>}, {transform_indices = @transform_3, window_bounds = array<i64: 1, 1024, 1024>}, {transform_indices = @transform_4, window_bounds = array<i64: 128, 1>}, {}]} {
    %get3A = arith.constant 0 : index
    %get3A_0 = arith.constant 0 : index
    %get3A_1 = vector.load %arg3[%get3A, %get3A_0] : memref<128x1024xf32, #tpu.memory_space<vmem>>, vector<128x1024xf32>
    %get3A_2 = arith.constant 0 : index
    %get3A_3 = arith.constant 0 : index
    %get3A_4 = arith.constant 0 : index
    %get3A_5 = vector.load %arg4[%get3A_2, %get3A_3, %get3A_4] : memref<1x1024x1024xf32, #tpu.memory_space<vmem>>, vector<1x1024x1024xf32>
    %get3A_6 = vector.shape_cast %get3A_5 : vector<1x1024x1024xf32> to vector<1024x1024xf32>
    %dot_general3A = arith.constant dense<0.000000e+00> : vector<128x1024xf32>
    %dot_general3A_7 = tpu.matmul %get3A_1, %get3A_6, %dot_general3A {dimension_numbers = #tpu.dot_dimension_numbers<[1], [0], [0], [1], [0, 0, 1, 1], [], []>, transpose_lhs_hint = false} : vector<128x1024xf32>, vector<1024x1024xf32>, vector<128x1024xf32> -> vector<128x1024xf32>
    %neg3A = arith.constant 0.000000e+00 : f32
    %neg3A_8 = vector.broadcast %neg3A : f32 to vector<128x1024xf32>
    %neg3A_9 = arith.subf %neg3A_8, %dot_general3A_7 : vector<128x1024xf32>
    %exp3A = math.exp %neg3A_9 : vector<128x1024xf32>
    %add3A = arith.constant 1.000000e+00 : f32
    %add3A_10 = vector.broadcast %add3A : f32 to vector<128x1024xf32>
    %add3A_11 = arith.addf %add3A_10, %exp3A : vector<128x1024xf32>
    %div3A = arith.divf %dot_general3A_7, %add3A_11 : vector<128x1024xf32>
    %get3A_12 = arith.constant 0 : index
    %get3A_13 = arith.constant 0 : index
    %get3A_14 = arith.constant 0 : index
    %get3A_15 = vector.load %arg5[%get3A_12, %get3A_13, %get3A_14] : memref<1x1024x1024xf32, #tpu.memory_space<vmem>>, vector<1x1024x1024xf32>
    %get3A_16 = vector.shape_cast %get3A_15 : vector<1x1024x1024xf32> to vector<1024x1024xf32>
    %dot_general3A_17 = arith.constant dense<0.000000e+00> : vector<128x1024xf32>
    %dot_general3A_18 = tpu.matmul %get3A_1, %get3A_16, %dot_general3A_17 {dimension_numbers = #tpu.dot_dimension_numbers<[1], [0], [0], [1], [0, 0, 1, 1], [], []>, transpose_lhs_hint = false} : vector<128x1024xf32>, vector<1024x1024xf32>, vector<128x1024xf32> -> vector<128x1024xf32>
    %mul3A = arith.mulf %div3A, %dot_general3A_18 : vector<128x1024xf32>
    %get3A_19 = arith.constant 0 : index
    %get3A_20 = arith.constant 0 : index
    %get3A_21 = arith.constant 0 : index
    %get3A_22 = vector.load %arg6[%get3A_19, %get3A_20, %get3A_21] : memref<1x1024x1024xf32, #tpu.memory_space<vmem>>, vector<1x1024x1024xf32>
    %get3A_23 = vector.shape_cast %get3A_22 : vector<1x1024x1024xf32> to vector<1024x1024xf32>
    %dot_general3A_24 = arith.constant dense<0.000000e+00> : vector<128x1024xf32>
    %dot_general3A_25 = tpu.matmul %mul3A, %get3A_23, %dot_general3A_24 {dimension_numbers = #tpu.dot_dimension_numbers<[1], [0], [0], [1], [0, 0, 1, 1], [], []>, transpose_lhs_hint = false} : vector<128x1024xf32>, vector<1024x1024xf32>, vector<128x1024xf32> -> vector<128x1024xf32>
    %eq3A = arith.constant 0 : i32
    %eq3A_26 = arith.cmpi eq, %arg0, %eq3A : i32
    %convert_element_type3A = arith.extui %eq3A_26 : i1 to i32
    %cond3A = arith.constant 0 : i32
    %cond3A_27 = arith.cmpi ne, %convert_element_type3A, %cond3A : i32
    scf.if %cond3A_27 {
      %swap3A = arith.index_cast %arg1 : i32 to index
      %swap3A_37 = arith.constant 0 : index
      %swap3A_38 = arith.constant 0 : index
      %swap3A_39 = vector.load %arg9[%swap3A, %swap3A_37, %swap3A_38] : memref<72x128x1024xf32, #tpu.memory_space<vmem>>, vector<1x128x1024xf32>
      %swap3A_40 = vector.shape_cast %swap3A_39 : vector<1x128x1024xf32> to vector<128x1024xf32>
      %swap3A_41 = vector.shape_cast %dot_general3A_25 : vector<128x1024xf32> to vector<1x128x1024xf32>
      tpu.vector_store %arg9[%swap3A, %swap3A_37, %swap3A_38], %swap3A_41 {strides = array<i32>} : memref<72x128x1024xf32, #tpu.memory_space<vmem>>, vector<1x128x1024xf32>,
    } else {
    }
    %gt3A = arith.constant 0 : i32
    %gt3A_28 = arith.cmpi sgt, %arg0, %gt3A : i32
    %convert_element_type3A_29 = arith.extui %gt3A_28 : i1 to i32
    %cond3A_30 = arith.constant 0 : i32
    %cond3A_31 = arith.cmpi ne, %convert_element_type3A_29, %cond3A_30 : i32
    scf.if %cond3A_31 {
      %get3A_37 = arith.index_cast %arg1 : i32 to index
      %get3A_38 = arith.constant 0 : index
      %get3A_39 = arith.constant 0 : index
      %get3A_40 = vector.load %arg9[%get3A_37, %get3A_38, %get3A_39] : memref<72x128x1024xf32, #tpu.memory_space<vmem>>, vector<1x128x1024xf32>
      %get3A_41 = vector.shape_cast %get3A_40 : vector<1x128x1024xf32> to vector<128x1024xf32>
      %add3A_42 = arith.addf %get3A_41, %dot_general3A_25 : vector<128x1024xf32>
      %swap3A = arith.index_cast %arg1 : i32 to index
      %swap3A_43 = arith.constant 0 : index
      %swap3A_44 = arith.constant 0 : index
      %swap3A_45 = vector.load %arg9[%swap3A, %swap3A_43, %swap3A_44] : memref<72x128x1024xf32, #tpu.memory_space<vmem>>, vector<1x128x1024xf32>
      %swap3A_46 = vector.shape_cast %swap3A_45 : vector<1x128x1024xf32> to vector<128x1024xf32>
      %swap3A_47 = vector.shape_cast %add3A_42 : vector<128x1024xf32> to vector<1x128x1024xf32>
      tpu.vector_store %arg9[%swap3A, %swap3A_43, %swap3A_44], %swap3A_47 {strides = array<i32>} : memref<72x128x1024xf32, #tpu.memory_space<vmem>>, vector<1x128x1024xf32>,
    } else {
    }
    %eq3A_32 = arith.constant 3 : i32
    %eq3A_33 = arith.cmpi eq, %arg0, %eq3A_32 : i32
    %convert_element_type3A_34 = arith.extui %eq3A_33 : i1 to i32
    %cond3A_35 = arith.constant 0 : i32
    %cond3A_36 = arith.cmpi ne, %convert_element_type3A_34, %cond3A_35 : i32
    scf.if %cond3A_36 {
      %get3A_37 = arith.index_cast %arg1 : i32 to index
      %get3A_38 = arith.constant 0 : index
      %get3A_39 = arith.constant 0 : index
      %get3A_40 = vector.load %arg9[%get3A_37, %get3A_38, %get3A_39] : memref<72x128x1024xf32, #tpu.memory_space<vmem>>, vector<1x128x1024xf32>
      %get3A_41 = vector.shape_cast %get3A_40 : vector<1x128x1024xf32> to vector<128x1024xf32>
      %get3A_42 = arith.constant 0 : index
      %get3A_43 = arith.constant 0 : index
      %get3A_44 = vector.load %arg7[%get3A_42, %get3A_43] : memref<128x1xf32, #tpu.memory_space<vmem>>, vector<128x1xf32>
      %mul3A_45 = vector.broadcast %get3A_44 : vector<128x1xf32> to vector<128x1024xf32>
      %mul3A_46 = arith.mulf %get3A_41, %mul3A_45 : vector<128x1024xf32>
      %swap3A = arith.index_cast %arg1 : i32 to index
      %swap3A_47 = arith.constant 0 : index
      %swap3A_48 = arith.constant 0 : index
      %swap3A_49 = vector.load %arg9[%swap3A, %swap3A_47, %swap3A_48] : memref<72x128x1024xf32, #tpu.memory_space<vmem>>, vector<1x128x1024xf32>
      %swap3A_50 = vector.shape_cast %swap3A_49 : vector<1x128x1024xf32> to vector<128x1024xf32>
      %swap3A_51 = vector.shape_cast %mul3A_46 : vector<128x1024xf32> to vector<1x128x1024xf32>
      tpu.vector_store %arg9[%swap3A, %swap3A_47, %swap3A_48], %swap3A_51 {strides = array<i32>} : memref<72x128x1024xf32, #tpu.memory_space<vmem>>, vector<1x128x1024xf32>,
      %mul3A_52 = arith.constant 128 : i32
      %mul3A_53 = arith.muli %arg1, %mul3A_52 : i32
      %dma_start3A = arith.constant 0 : i32
      %dma_start3A_54 = tpu.memref_slice %arg8[%mul3A_53, %dma_start3A] : memref<9216x1024xf32, #tpu.memory_space<any>> -> memref<128x1024xf32, #tpu.memory_space<any>>
      %dma_start3A_55 = arith.constant 0 : i32
      %dma_start3A_56 = arith.constant 0 : i32
      %dma_start3A_57 = tpu.memref_slice %arg9[%arg1, %dma_start3A_55, %dma_start3A_56] : memref<72x128x1024xf32, #tpu.memory_space<vmem>> -> memref<1x128x1024xf32, #tpu.memory_space<vmem>>
      %dma_start3A_58 = tpu.memref_squeeze %dma_start3A_57 : memref<1x128x1024xf32, #tpu.memory_space<vmem>> -> memref<128x1024xf32, #tpu.memory_space<vmem>>
      tpu.enqueue_dma source(%dma_start3A_58 : memref<128x1024xf32, #tpu.memory_space<vmem>>) target(%dma_start3A_54 : memref<128x1024xf32, #tpu.memory_space<any>>) target_semaphore(%arg10 : memref<!tpu.dma_semaphore, #tpu.memory_space<semaphore_mem>>)
      %dma_wait3A = arith.constant 0 : i32
      %dma_wait3A_59 = tpu.memref_slice %arg8[%mul3A_53, %dma_wait3A] : memref<9216x1024xf32, #tpu.memory_space<any>> -> memref<128x1024xf32, #tpu.memory_space<any>>
      %dma_wait3A_60 = arith.constant 0 : i32
      %dma_wait3A_61 = arith.constant 0 : i32
      %dma_wait3A_62 = tpu.memref_slice %arg9[%arg1, %dma_wait3A_60, %dma_wait3A_61] : memref<72x128x1024xf32, #tpu.memory_space<vmem>> -> memref<1x128x1024xf32, #tpu.memory_space<vmem>>
      %dma_wait3A_63 = tpu.memref_squeeze %dma_wait3A_62 : memref<1x128x1024xf32, #tpu.memory_space<vmem>> -> memref<128x1024xf32, #tpu.memory_space<vmem>>
      tpu.wait_dma2 semaphore(%arg10 : memref<!tpu.dma_semaphore, #tpu.memory_space<semaphore_mem>>) src(%dma_wait3A_63 : memref<128x1024xf32, #tpu.memory_space<vmem>>) dst(%dma_wait3A_59 : memref<128x1024xf32, #tpu.memory_space<any>>)
    } else {
    }
    return
  }
  func.func @transform_0(%arg0: i32, %arg1: i32, %arg2: memref<128xi32, #tpu.memory_space<smem>>) -> (i32, i32) {
    %c0_i32 = arith.constant 0 : i32
    %c0_i32_0 = arith.constant 0 : i32
    return %arg1, %c0_i32 : i32, i32
  }
  func.func @transform_1(%arg0: i32, %arg1: i32, %arg2: memref<128xi32, #tpu.memory_space<smem>>) -> (i32, i32, i32) {
    %get3A = arith.index_cast %arg1 : i32 to index
    %get3A_0 = memref.load %arg2[%get3A] : memref<128xi32, #tpu.memory_space<smem>>
    %c0_i32 = arith.constant 0 : i32
    %c0_i32_1 = arith.constant 0 : i32
    return %get3A_0, %c0_i32, %arg0 : i32, i32, i32
  }
  func.func @transform_2(%arg0: i32, %arg1: i32, %arg2: memref<128xi32, #tpu.memory_space<smem>>) -> (i32, i32, i32) {
    %get3A = arith.index_cast %arg1 : i32 to index
    %get3A_0 = memref.load %arg2[%get3A] : memref<128xi32, #tpu.memory_space<smem>>
    %c0_i32 = arith.constant 0 : i32
    %c0_i32_1 = arith.constant 0 : i32
    return %get3A_0, %c0_i32, %arg0 : i32, i32, i32
  }
  func.func @transform_3(%arg0: i32, %arg1: i32, %arg2: memref<128xi32, #tpu.memory_space<smem>>) -> (i32, i32, i32) {
    %get3A = arith.index_cast %arg1 : i32 to index
    %get3A_0 = memref.load %arg2[%get3A] : memref<128xi32, #tpu.memory_space<smem>>
    %c0_i32 = arith.constant 0 : i32
    %c0_i32_1 = arith.constant 0 : i32
    return %get3A_0, %arg0, %c0_i32 : i32, i32, i32
  }
  func.func @transform_4(%arg0: i32, %arg1: i32, %arg2: memref<128xi32, #tpu.memory_space<smem>>) -> (i32, i32) {
    %c0_i32 = arith.constant 0 : i32
    %c0_i32_0 = arith.constant 0 : i32
    return %arg1, %c0_i32 : i32, i32
  }
}

module attributes {stable_mosaic.version = 14 : i64} {
  func.func @_add_body(%arg0: i32, %arg1: memref<512x1024xf32, #tpu.memory_space<vmem>>, %arg2: memref<512x1024xf32, #tpu.memory_space<vmem>>, %arg3: memref<512x1024xf32, #tpu.memory_space<vmem>>) attributes {dimension_semantics = [#tpu.dimension_semantics<arbitrary>], iteration_bounds = array<i64: 8>, scalar_prefetch = 0 : i64, scratch_operands = 0 : i64, tpu.core_type = #tpu.core_type<tc>, window_params = [{transform_indices = @transform_0, window_bounds = array<i64: 512, 1024>}, {transform_indices = @transform_1, window_bounds = array<i64: 512, 1024>}, {transform_indices = @transform_2, window_bounds = array<i64: 512, 1024>}]} {
    %get3A = arith.constant 0 : index
    %get3A_0 = arith.constant 0 : index
    %get3A_1 = vector.load %arg1[%get3A, %get3A_0] : memref<512x1024xf32, #tpu.memory_space<vmem>>, vector<512x1024xf32>
    %get3A_2 = arith.constant 0 : index
    %get3A_3 = arith.constant 0 : index
    %get3A_4 = vector.load %arg2[%get3A_2, %get3A_3] : memref<512x1024xf32, #tpu.memory_space<vmem>>, vector<512x1024xf32>
    %add3A = arith.addf %get3A_1, %get3A_4 : vector<512x1024xf32>
    %swap3A = arith.constant 0 : index
    %swap3A_5 = arith.constant 0 : index
    %swap3A_6 = vector.load %arg3[%swap3A, %swap3A_5] : memref<512x1024xf32, #tpu.memory_space<vmem>>, vector<512x1024xf32>
    tpu.vector_store %arg3[%swap3A, %swap3A_5], %add3A {strides = array<i32>} : memref<512x1024xf32, #tpu.memory_space<vmem>>, vector<512x1024xf32>,
    return
  }
  func.func @transform_0(%arg0: i32) -> (i32, i32) {
    %c0_i32 = arith.constant 0 : i32
    %c0_i32_0 = arith.constant 0 : i32
    return %arg0, %c0_i32 : i32, i32
  }
  func.func @transform_1(%arg0: i32) -> (i32, i32) {
    %add3A = arith.constant 8 : i32
    %add3A_0 = arith.addi %arg0, %add3A : i32
    %c0_i32 = arith.constant 0 : i32
    %c0_i32_1 = arith.constant 0 : i32
    return %add3A_0, %c0_i32 : i32, i32
  }
  func.func @transform_2(%arg0: i32) -> (i32, i32) {
    %c0_i32 = arith.constant 0 : i32
    %c0_i32_0 = arith.constant 0 : i32
    return %arg0, %c0_i32 : i32, i32
  }
}

</mosaic_0001>

<sc_bundles>
// kernel: kernel.11.cloned.1.call-start
scs
__scs_entry_jumppad:
0x0: {  	(pc) =	sbr.rel $0x88, $3  }
0x1: {  	(tag) =	ssettag $0x0;
	lr =	simm.s32 $0x1  }
0x2: {  	[smem:$0x3F9C] =	sst lr;
	_ =	strace $0xD0000000  }
0x3: {  	_ = 	snop  }
0x4: {  	_ = 	snop  }
0x5: {  	_ = 	snop  }
0x6: {  	_ = 	snop  }
0x7: {  	_ = 	snop  }
__scs_overlays_trampoline_lowered:
0x8: {  	[smem:$0x3FAB] =	sst s0  }
0x9: {  	[smem:$0x3FAC] =	sst s1  }
0xa: {  	[smem:$0x3FAD] =	sst s2  }
0xb: {  	[smem:$0x3FAE] =	sst s3  }
0xc: {  	[smem:$0x3FAF] =	sst s4  }
0xd: {  	[smem:$0x3FB0] =	sst s5  }
0xe: {  	[smem:$0x3FB1] =	sst s6  }
0xf: {  	[smem:$0x3FB2] =	sst s7  }
0x10: {  	[smem:$0x3FB3] =	sst s8  }
0x11: {  	[smem:$0x3FB4] =	sst s9;
	s0 =	simm.s32 @!p0 $0x0  }
0x12: {  	s1 =	sld [smem:$0x3F9A];
	s0 =	simm.s32 @p0 $0x1  }
0x13: {  	[smem:$0x3FB5] =	sst s0;
	s0 =	simm.s32 @!p1 $0x0  }
0x14: {  	s2 =	sld [smem:$0x3F99];
	s0 =	simm.s32 @p1 $0x1  }
0x15: {  	[smem:$0x3FB6] =	sst s0;
	s0 =	simm.s32 @!p2 $0x0  }
0x16: {  	s3 =	sld [smem:$0x3FDB];
	s0 =	simm.s32 @p2 $0x1  }
0x17: {  	s4 =	simm.s32 $0x1BF5;
	[smem:$0x3FB8] =	sst s0  }
0x18: {  	s0 =	sld [smem:$0x3F9B];
	_ =	swait.ge [sflag:s4], $0x0  }
0x19: {  	s7 =	sld [smem:$0x3F9C]  }
0x1a: {  	s8 =	sadd.s32 $0xFFFFE003, lr  }
0x1b: {  	s9 =	sadd.s32 $0xFFFFFEF7, lr;
	s5 =	simm.s32 $0xFFFFFFFF;
	p2 =	slt.u32 s8, $0xFFFFF086  }
0x1c: {  	p1 =	slt.u32 s9, $0xF7A;
	s5 =	simm.s32 @!p2 $0x0  }
0x1d: {  	s5 =	simm.s32 @p1 $0x1;
	p0 =	seq.s32 s7, s2  }
0x1e: {  	s7 =	smul.u32 @!p0 $0xF7A, s2;
	p2 =	seq.s32 @!p0 s5, $0x0  }
0x1f: {  	s9 =	smul.u32 $0xF7A, s1;
	s8 =	simm.s32 @!p0 $0x1BF5;
	p2 =	por !p2, p0  }
0x20: {  	[sflag:s8] =	ssyncset.s32 @!p0 $0xFFFFF086;
	s6 =	sadd.s32 @!p0 s3, s7;
	s7 =	simm.s32 @!p0 $0x108  }
0x21: {  	s3 =	sadd.s32 s3, s9;
	s6 =	sadd.s32 @!p0 $0x88, s6;
	s7 =	simm.s32 @p2 $0x1082  }
0x22: {  	[simem:s7], [sflag:s8] =	dma.local @!p0 [hbm:s6], $0xF7A  }
0x23: {  	s9 =	sor.u32 $0xD0000000, s2;
	s6 =	simm.s32 $0x108;
	_ =	swait.ge @!p0 [sflag:s8], $0x0  }
0x24: {  	s3 =	sadd.s32 $0x88, s3;
	s6 =	simm.s32 @!p1 $0x1082;
	[sflag:s4] =	ssyncset.s32 $0xFFFFF086  }
0x25: {  	[simem:s6], [sflag:s4] =	dma.local [hbm:s3], $0xF7A  }
0x26: {  	[smem:$0x3F9C] =	sst s1;
	(tag) =	ssettag s2;
	_ =	strace s9  }
0x27: {  	s1 =	sld [smem:$0x3FAC]  }
0x28: {  	s2 =	sld [smem:$0x3FAD]  }
0x29: {  	s4 =	sld [smem:$0x3FAF]  }
0x2a: {  	p0 =	seq.s32 s5, $0x0;
	s5 =	sld [smem:$0x3FB0]  }
0x2b: {  	s6 =	sld [smem:$0x3FB1]  }
0x2c: {  	s7 =	sld [smem:$0x3FB2]  }
0x2d: {  	s3 =	simm.s32 $0x108;
	s8 =	sld [smem:$0x3FB3]  }
0x2e: {  	s3 =	simm.s32 @!p0 $0x1082;
	s9 =	sld [smem:$0x3FB4]  }
0x2f: {  	lr =	sadd.s32 s0, s3;
	s0 =	sld [smem:$0x3FAB]  }
0x30: {  	s3 =	sld [smem:$0x3FAE]  }
0x31: {  	[smem:$0x3FB7] =	sst s10  }
0x32: {  	s10 =	sld [smem:$0x3FB5];
	_ =	sdelay $0x3  }
0x33: {  	p0 =	seq.s32 s10, $0x1;
	s10 =	sld [smem:$0x3FB7];
	_ =	sdelay $0x3  }
0x34: {  	[smem:$0x3FB7] =	sst s10  }
0x35: {  	s10 =	sld [smem:$0x3FB6];
	_ =	sdelay $0x3  }
0x36: {  	p1 =	seq.s32 s10, $0x1;
	s10 =	sld [smem:$0x3FB7];
	_ =	sdelay $0x3  }
0x37: {  	[smem:$0x3FB7] =	sst s10  }
0x38: {  	s10 =	sld [smem:$0x3FB8]  }
0x39: {  	_ = 	snop;
	(pc) =	sbr.ind lr, $3  }
0x3a: {  	_ = 	snop  }
0x3b: {  	_ = 	snop  }
0x3c: {  	p2 =	seq.s32 s10, $0x1;
	s10 =	sld [smem:$0x3FB7]  }
0x3d: {  	_ =	shalt  }
0x3e: {  	_ =	shalt  }
0x3f: {  	_ =	shalt  }
0x40: {  	_ =	shalt  }
0x41: {  	_ =	shalt  }
0x42: {  	_ =	shalt  }
0x43: {  	_ =	shalt  }
0x44: {  	_ =	shalt  }
0x45: {  	_ =	shalt  }
0x46: {  	_ =	shalt  }
0x47: {  	_ =	shalt  }
0x48: {  	_ =	shalt  }
0x49: {  	_ =	shalt  }
0x4a: {  	_ =	shalt  }
0x4b: {  	_ =	shalt  }
0x4c: {  	_ =	shalt  }
0x4d: {  	_ =	shalt  }
0x4e: {  	_ =	shalt  }
0x4f: {  	_ =	shalt  }
0x50: {  	_ =	shalt  }
0x51: {  	_ =	shalt  }
0x52: {  	_ =	shalt  }
0x53: {  	_ =	shalt  }
0x54: {  	_ =	shalt  }
0x55: {  	_ =	shalt  }
0x56: {  	_ =	shalt  }
0x57: {  	_ =	shalt  }
0x58: {  	_ =	shalt  }
0x59: {  	_ =	shalt  }
0x5a: {  	_ =	shalt  }
0x5b: {  	_ =	shalt  }
0x5c: {  	_ =	shalt  }
0x5d: {  	_ =	shalt  }
0x5e: {  	_ =	shalt  }
0x5f: {  	_ =	shalt  }
0x60: {  	_ =	shalt  }
0x61: {  	_ =	shalt  }
0x62: {  	_ =	shalt  }
0x63: {  	_ =	shalt  }
0x64: {  	_ =	shalt  }
0x65: {  	_ =	shalt  }
0x66: {  	_ =	shalt  }
0x67: {  	_ =	shalt  }
0x68: {  	_ =	shalt  }
0x69: {  	_ =	shalt  }
0x6a: {  	_ =	shalt  }
0x6b: {  	_ =	shalt  }
0x6c: {  	_ =	shalt  }
0x6d: {  	_ =	shalt  }
0x6e: {  	_ =	shalt  }
0x6f: {  	_ =	shalt  }
0x70: {  	_ =	shalt  }
0x71: {  	_ =	shalt  }
0x72: {  	_ =	shalt  }
0x73: {  	_ =	shalt  }
0x74: {  	_ =	shalt  }
0x75: {  	_ =	shalt  }
0x76: {  	_ =	shalt  }
0x77: {  	_ =	shalt  }
0x78: {  	_ =	shalt  }
0x79: {  	_ =	shalt  }
0x7a: {  	_ =	shalt  }
0x7b: {  	_ =	shalt  }
0x7c: {  	_ =	shalt  }
0x7d: {  	_ =	shalt  }
0x7e: {  	_ =	shalt  }
0x7f: {  	_ =	shalt  }
0x80: {  	_ =	shalt  }
0x81: {  	_ =	shalt  }
0x82: {  	_ =	shalt  }
0x83: {  	_ =	shalt  }
0x84: {  	_ =	shalt  }
0x85: {  	_ =	shalt  }
0x86: {  	_ =	shalt  }
0x87: {  	_ =	shalt  }
.Lfunc_end0:
.L_simem_size_0:
called_computation.1_lowered:
.L_overlay_start_0:
0x88: {  	s2 =	sld [smem:$0x3FD9]  }
0x89: {  	s3 =	sld [smem:$0x3FFE];
	_ =	sdelay $0x1  }
0x8a: {  	s1 =	srdreg.scid  }
0x8b: {  	s0 =	sand.u32 $0x1, s1  }
0x8c: {  	s17 =	sshll.u32 s0, $0xA;
	s2 =	sadd.s32 s3, s2  }
0x8d: {  	s2 =	sadd.s32 s2, s17  }
0x8e: {  	[smem:$0x3FC3] =	sst s2  }
0x8f: {  	_ = 	snop  }
0x90: {  	s2 =	sld [smem:$0x3FC9];
	(tm) =	ssettm $0x1  }
0x91: {  	s18 =	sld [smem:$0x3FFB];
	_ =	sdelay $0x3  }
0x92: {  	_ =	strace s18  }
0x93: {  	s3 =	sld [smem:$0x3FFC];
	_ =	sdelay $0x3  }
0x94: {  	_ =	strace s3  }
0x95: {  	s3 =	sld [smem:$0x3FFD];
	_ =	sdelay $0x3  }
0x96: {  	_ =	strace s3  }
0x97: {  	_ =	strace $0x8FFFFFFF  }
0x98: {  	s19 =	sld [smem:$0x3FDB];
	_ =	sdelay $0x1  }
0x99: {  	s4 =	simm.s32 $_scs_section_size  }
0x9a: {  	s5 =	simm.s32 $_size__tile_overlayer_lowered;
	s6 =	simm.s32 $_tile_overlayer_lowered  }
0x9b: {  	s22 =	simm.s32 $0x1BFF;
	s21 =	sshll.u32 s6, $0x1;
	s3 =	sadd.s32 s4, s19  }
0x9c: {  	s7 =	simm.s32 $0x0;
	s20 =	sshll.u32 s5, $0x1;
	s5 =	sadd.s32 s21, s3  }
0x9d: {  	[timem:s7], [sflag:s22] =	dma.local [hbm:s5], s20  }
0x9e: {  	_ =	swait.ge [sflag:s22], s20  }
0x9f: {  	s4 =	ssub.s32 $0x0, s20;
	[sflag:s22] =	ssyncset.done $0x0  }
0xa0: {  	[sflag:s22] =	ssyncadd.s32 s4;
	_ =	sdelay $0x1  }
0xa1: {  	s23 =	simm.s32 $0x1B8B  }
0xa2: {  	_ =	swait.ge [sflag:s23], $0x1  }
0xa3: {  	[sflag:s23] =	ssyncset.done $0x0  }
0xa4: {  	s25 =	simm.s32 $0x1B8E;
	s24 =	sld [smem:$0x3FFE];
	[sflag:s23] =	ssyncadd.s32 $0xFFFFFFFF  }
0xa5: {  	s26 =	simm.s32 $execute0_lowered;
	[smem:$0x3FD2] =	sst s25  }
0xa6: {  	s5 =	sshll.u32 s26, $0x1;
	_ =	strace $0x80000049;
	[dreg:$0x1] =	wrdreg $0xFFFFFFFF  }
0xa7: {  	s28 =	simm.s32 $_size_execute0_lowered;
	s3 =	sadd.s32 s3, s5;
	[dreg:$0x0] =	wrdreg $0x0  }
0xa8: {  	s5 =	sshll.u32 s28, $0x1;
	[dreg:$0x2] =	wrdreg s3  }
0xa9: {  	[dreg:$0x3] =	wrdreg s5  }
0xaa: {  	[dreg:$0x4] =	wrdreg $0xC0  }
0xab: {  	_ =	task [dreg:s7], $0x5FFFF  }
0xac: {  	[dreg:$0x1] =	wrdreg $0xFFFFFFFF  }
0xad: {  	[dreg:$0x0] =	wrdreg $0x60  }
0xae: {  	[dreg:$0x2] =	wrdreg s2  }
0xaf: {  	[dreg:$0x3] =	wrdreg s24  }
0xb0: {  	[dreg:$0x4] =	wrdreg $0x9  }
0xb1: {  	_ =	task.clear_ibuf [dreg:s7], $0x5FFFF;
	_ =	strace $0x90000049  }
0xb2: {  	s29 =	simm.s32 $0x9;
	_ =	strace $0x8000004B  }
0xb3: {  	_ =	swait.ge [sflag:s29], $0x1  }
0xb4: {  	[sflag:s29] =	ssyncadd.s32 $0xFFFFFFFF  }
0xb5: {  	_ =	strace $0x9000004B  }
0xb6: {  	_ =	sfence  }
0xb7: {  	s30 =	sld [smem:$0x0];
	_ =	sdelay $0x2  }
0xb8: {  	s31 =	sshll.u32 s1, $0xD;
	s1 =	sshrl.u32 s1, $0x2  }
0xb9: {  	s3 =	sand.u32 $0x4000, s31;
	s1 =	sadd.s32 s1, s30  }
0xba: {  	s0 =	sor.u32 s3, s0;
	s1 =	sshll.u32 s1, $0x11  }
0xbb: {  	s0 =	sor.u32 s1, s0  }
0xbc: {  	s0 =	sadd.s32 $0x8F2B, s0  }
0xbd: {  	[sflag:s0] =	ssyncadd.remote.s32 $0x1  }
0xbe: {  	_ =	sfence.sel $0xFFFF  }
0xbf: {  	[dreg:$0x0] =	wrdreg $0xFFFFFFFF;
	(pc) =	sbr.abs _section_cstart, $3  }
0xc0: {  	[dreg:$0x1] =	wrdreg $0xFFFFFFFF  }
0xc1: {  	_ =	task.clear_ibuf [dreg:s7], $0x2FFFF;
	_ =	strace $0x9FFFFFFF  }
0xc2: {  	(tm) =	ssettm $0x7FFFFFFF  }
0xc3: {  	_ =	shalt  }
tec
execute0_lowered:
.L_overlay_start_1:
0x0: {  	(tag) =	ssettag $0x1  }
0x1: {  	s0 =	srdreg.scid  }
0x2: {  	s1 =	stileid.u32;
	s2 =	rddreg [dreg:$0x0]  }
0x3: {  	s4 =	rddreg [dreg:$0x1];
	s3 =	simm.s32 $0x0;
	s10 =	simm.s32 $0x1  }
0x4: {  	s11 =	simm.s32 $0x4;
	s12 =	simm.s32 $0x2;
	s13 =	simm.s32 $0x5  }
0x5: {  	s14 =	simm.s32 $0x3;
	s15 =	simm.s32 $0x6;
	s28 =	simm.s32 $0x4980  }
0x6: {  	s29 =	simm.s32 $0x5180;
	s0 =	sand.u32 $0x1, s0;
	s1 =	sshll.u32 s1, $0x1  }
0x7: {  	s30 =	simm.s32 $0x5980;
	s31 =	simm.s32 $0x6180;
	s1 =	sor.u32 s0, s1  }
0x8: {  	s9 =	simm.s32 $0x7180;
	s8 =	simm.s32 $0x7980;
	s5 =	smul.u32 $0x24, s1  }
0x9: {  	s17 =	simm.s32 $0x8180;
	[smem:$0x7FF] =	sst s3;
	s6 =	smul.u32 $0x48000, s1  }
0xa: {  	_ =	strace $0x8000004A;
	s1 =	smul.u32 $0x9000, s1;
	s5 =	sadd.s32 s5, s4  }
0xb: {  	s4 =	sadd.s32 $0x13400, s4;
	s6 =	sshrl.u32 s6, $0x3;
	s5 =	sadd.s32 $0x12E00, s5  }
0xc: {  	s1 =	sadd.s32 s4, s1;
	s7 =	sadd.s32 s4, s6;
	[dreg:$0x3] =	wrdreg s5  }
0xd: {  	s0 =	ssub.s32 $0x2, s0;
	[dreg:$0x4] =	wrdreg s1;
	s18 =	sadd.s32 $0x1000, s7  }
0xe: {  	s21 =	sshrl.u32 s0, $0x1;
	s19 =	sadd.s32 $0x2000, s7;
	[dreg:$0x5] =	wrdreg s18  }
0xf: {  	s0 =	ssub.s32 s0, s21;
	s20 =	sadd.s32 $0x3000, s7;
	[dreg:$0x6] =	wrdreg s19  }
0x10: {  	s21 =	simm.s32 $0x2180;
	s22 =	sadd.s32 $0x4000, s7;
	[dreg:$0x7] =	wrdreg s20  }
0x11: {  	s4 =	sadd.s32 $0x100, s2;
	s23 =	sadd.s32 $0x5000, s7;
	[dreg:$0x8] =	wrdreg s22  }
0x12: {  	s6 =	sadd.s32 $0x300, s2;
	s24 =	sadd.s32 $0x6000, s7;
	[dreg:$0x9] =	wrdreg s23  }
0x13: {  	s5 =	sadd.s32 $0x200, s2;
	s25 =	sadd.s32 $0x7000, s7;
	[dreg:$0xa] =	wrdreg s24  }
0x14: {  	s26 =	sadd.s32 $0x8000, s7;
	s7 =	smax.u32 s0, $0x1;
	[dreg:$0xb] =	wrdreg s25  }
0x15: {  	v2 =	vlaneseq.u32;
	[dreg:$0xc] =	wrdreg s26;
	s25 =	simm.s32 $0x180;
	s18 =	simm.s32 $0x980  }
0x16: {  	vm0 =	vmmov $0xffff;
	v1 =	vshrl.u32 v2, $0x3;
	s19 =	simm.s32 $0x1180;
	s20 =	simm.s32 $0x1980;
	s22 =	simm.s32 $0x2980  }
0x17: {  	v0 =	vand.u32 $0x7, v2;
	v2 =	vor.u32 $0x8, v2;
	v1 =	vmul.u32 $0x8, v1;
	s23 =	simm.s32 $0x3180;
	s24 =	simm.s32 $0x3980;
	s26 =	simm.s32 $0x4180  }
.LBB2_1:
0x18: {  	s16 =	rddreg [dreg:$0x3];
	s1 =	simm.s32 $0x7  }
0x19: {  	[tilespmem:s3], [sflag:$0x7] =	stream.linear.gather [hbm4b:s16+s3], $0x120, $0x38;
	[tilespmem:$0x18180] =	vst v63  }
0x1a: {  	_ =	swait.ge [sflag:s1], $0x120  }
0x1b: {  	[sflag:s1] =	ssyncset.done $0x0  }
0x1c: {  	[sflag:s1] =	ssyncadd.s32 $0xFFFFFEE0  }
0x1d: {  	v3 =	vld [tilespmem:$0x0];
	_ =	sdelay $0x4  }
0x1e: {  	v4 =	vshll.u32 v3, $0x3  }
0x1f: {  	v3 =	vand.u32 $0x7, v3;
	v4 =	vand.u32 $0xFFFFFFC0, v4  }
0x20: {  	v3 =	vor.u32 v3, v4  }
0x21: {  	v4 =	vperm.xlane v3, v0;
	_ =	sdelay $0x1  }
0x22: {  	v4 =	vadd.s32 v1, v4;
	_ =	sdelay $0x4  }
0x23: {  	[tilespmem:s25], [sflag:$0x1] =	stream.indirect_vreg.gather [hbm4b:s2+s3], $0x80, v4, vm0, $0xb8;
	[tilespmem:$0x18180] =	vst v63  }
0x24: {  	v3 =	vperm.xlane v3, v2  }
0x25: {  	[tilespmem:s18], [sflag:$0x1] =	stream.indirect_vreg.gather [hbm4b:s4+s3], $0x80, v4, vm0, $0xb8;
	[tilespmem:$0x18180] =	vst v63  }
0x26: {  	v3 =	vadd.s32 v1, v3  }
0x27: {  	[tilespmem:s19], [sflag:$0x1] =	stream.indirect_vreg.gather [hbm4b:s5+s3], $0x80, v4, vm0, $0xb8;
	[tilespmem:$0x18180] =	vst v63  }
0x28: {  	_ = 	snop  }
0x29: {  	[tilespmem:s20], [sflag:$0x1] =	stream.indirect_vreg.gather [hbm4b:s6+s3], $0x80, v4, vm0, $0xb8;
	[tilespmem:$0x18180] =	vst v63  }
0x2a: {  	_ = 	snop  }
0x2b: {  	[tilespmem:s21], [sflag:$0x1] =	stream.indirect_vreg.gather [hbm4b:s2+s3], $0x80, v3, vm0, $0xb8;
	[tilespmem:$0x18180] =	vst v63  }
0x2c: {  	_ = 	snop  }
0x2d: {  	[tilespmem:s22], [sflag:$0x1] =	stream.indirect_vreg.gather [hbm4b:s4+s3], $0x80, v3, vm0, $0xb8;
	[tilespmem:$0x18180] =	vst v63  }
0x2e: {  	_ = 	snop  }
0x2f: {  	[tilespmem:s23], [sflag:$0x1] =	stream.indirect_vreg.gather [hbm4b:s5+s3], $0x80, v3, vm0, $0xb8;
	[tilespmem:$0x18180] =	vst v63  }
0x30: {  	_ = 	snop  }
0x31: {  	[tilespmem:s24], [sflag:$0x1] =	stream.indirect_vreg.gather [hbm4b:s6+s3], $0x80, v3, vm0, $0xb8;
	[tilespmem:$0x18180] =	vst v63  }
0x32: {  	v3 =	vld [tilespmem:$0x10];
	_ =	sdelay $0x4  }
0x33: {  	v47 =	vshll.u32 v3, $0x3  }
0x34: {  	v3 =	vand.u32 $0x7, v3;
	v4 =	vand.u32 $0xFFFFFFC0, v47  }
0x35: {  	v3 =	vor.u32 v3, v4  }
0x36: {  	v4 =	vperm.xlane v3, v0;
	_ =	sdelay $0x1  }
0x37: {  	v4 =	vadd.s32 v1, v4;
	_ =	sdelay $0x4  }
0x38: {  	[tilespmem:s26], [sflag:$0x1] =	stream.indirect_vreg.gather [hbm4b:s2+s3], $0x80, v4, vm0, $0xb8;
	[tilespmem:$0x18180] =	vst v63  }
0x39: {  	v3 =	vperm.xlane v3, v2  }
0x3a: {  	[tilespmem:s28], [sflag:$0x1] =	stream.indirect_vreg.gather [hbm4b:s4+s3], $0x80, v4, vm0, $0xb8;
	[tilespmem:$0x18180] =	vst v63  }
0x3b: {  	v3 =	vadd.s32 v1, v3  }
0x3c: {  	[tilespmem:s29], [sflag:$0x1] =	stream.indirect_vreg.gather [hbm4b:s5+s3], $0x80, v4, vm0, $0xb8;
	[tilespmem:$0x18180] =	vst v63  }
0x3d: {  	_ = 	snop  }
0x3e: {  	[tilespmem:s30], [sflag:$0x1] =	stream.indirect_vreg.gather [hbm4b:s6+s3], $0x80, v4, vm0, $0xb8;
	[tilespmem:$0x18180] =	vst v63  }
0x3f: {  	_ = 	snop  }
0x40: {  	[tilespmem:s31], [sflag:$0x1] =	stream.indirect_vreg.gather [hbm4b:s2+s3], $0x80, v3, vm0, $0xb8;
	[tilespmem:$0x18180] =	vst v63  }
0x41: {  	s1 =	simm.s32 $0x6980  }
0x42: {  	[tilespmem:s1], [sflag:$0x1] =	stream.indirect_vreg.gather [hbm4b:s4+s3], $0x80, v3, vm0, $0xb8;
	[tilespmem:$0x18180] =	vst v63  }
0x43: {  	_ = 	snop  }
0x44: {  	[tilespmem:s9], [sflag:$0x1] =	stream.indirect_vreg.gather [hbm4b:s5+s3], $0x80, v3, vm0, $0xb8;
	[tilespmem:$0x18180] =	vst v63  }
0x45: {  	_ = 	snop  }
0x46: {  	[tilespmem:s8], [sflag:$0x1] =	stream.indirect_vreg.gather [hbm4b:s6+s3], $0x80, v3, vm0, $0xb8;
	[tilespmem:$0x18180] =	vst v63  }
0x47: {  	v3 =	vld [tilespmem:$0x20];
	_ =	sdelay $0x4  }
0x48: {  	v48 =	vshll.u32 v3, $0x3  }
0x49: {  	v3 =	vand.u32 $0x7, v3;
	v4 =	vand.u32 $0xFFFFFFC0, v48  }
0x4a: {  	v3 =	vor.u32 v3, v4  }
0x4b: {  	v4 =	vperm.xlane v3, v0;
	_ =	sdelay $0x1  }
0x4c: {  	v4 =	vadd.s32 v1, v4;
	_ =	sdelay $0x4  }
0x4d: {  	[tilespmem:s17], [sflag:$0x2] =	stream.indirect_vreg.gather [hbm4b:s2+s3], $0x80, v4, vm0, $0xb8;
	[tilespmem:$0x18180] =	vst v63  }
0x4e: {  	s0 =	simm.s32 $0x8980;
	v3 =	vperm.xlane v3, v2  }
0x4f: {  	[tilespmem:s0], [sflag:$0x2] =	stream.indirect_vreg.gather [hbm4b:s4+s3], $0x80, v4, vm0, $0xb8;
	[tilespmem:$0x18180] =	vst v63  }
0x50: {  	s16 =	simm.s32 $0x9180;
	v3 =	vadd.s32 v1, v3  }
0x51: {  	[tilespmem:s16], [sflag:$0x2] =	stream.indirect_vreg.gather [hbm4b:s5+s3], $0x80, v4, vm0, $0xb8;
	[tilespmem:$0x18180] =	vst v63  }
0x52: {  	s16 =	simm.s32 $0x9980  }
0x53: {  	[tilespmem:s16], [sflag:$0x2] =	stream.indirect_vreg.gather [hbm4b:s6+s3], $0x80, v4, vm0, $0xb8;
	[tilespmem:$0x18180] =	vst v63  }
0x54: {  	s16 =	simm.s32 $0xA180  }
0x55: {  	[tilespmem:s16], [sflag:$0x2] =	stream.indirect_vreg.gather [hbm4b:s2+s3], $0x80, v3, vm0, $0xb8;
	[tilespmem:$0x18180] =	vst v63  }
0x56: {  	s16 =	simm.s32 $0xA980  }
0x57: {  	[tilespmem:s16], [sflag:$0x2] =	stream.indirect_vreg.gather [hbm4b:s4+s3], $0x80, v3, vm0, $0xb8;
	[tilespmem:$0x18180] =	vst v63  }
0x58: {  	s16 =	simm.s32 $0xB180  }
0x59: {  	[tilespmem:s16], [sflag:$0x2] =	stream.indirect_vreg.gather [hbm4b:s5+s3], $0x80, v3, vm0, $0xb8;
	[tilespmem:$0x18180] =	vst v63  }
0x5a: {  	s16 =	simm.s32 $0xB980  }
0x5b: {  	[tilespmem:s16], [sflag:$0x2] =	stream.indirect_vreg.gather [hbm4b:s6+s3], $0x80, v3, vm0, $0xb8;
	[tilespmem:$0x18180] =	vst v63  }
0x5c: {  	v3 =	vld [tilespmem:$0x30];
	_ =	sdelay $0x4  }
0x5d: {  	v49 =	vshll.u32 v3, $0x3  }
0x5e: {  	v3 =	vand.u32 $0x7, v3;
	v4 =	vand.u32 $0xFFFFFFC0, v49  }
0x5f: {  	v3 =	vor.u32 v3, v4  }
0x60: {  	v4 =	vperm.xlane v3, v0;
	_ =	sdelay $0x1  }
0x61: {  	v4 =	vadd.s32 v1, v4;
	_ =	sdelay $0x3  }
0x62: {  	s16 =	simm.s32 $0xC180  }
0x63: {  	[tilespmem:s16], [sflag:$0x2] =	stream.indirect_vreg.gather [hbm4b:s2+s3], $0x80, v4, vm0, $0xb8;
	[tilespmem:$0x18180] =	vst v63  }
0x64: {  	v3 =	vperm.xlane v3, v2;
	s16 =	simm.s32 $0xC980  }
0x65: {  	[tilespmem:s16], [sflag:$0x2] =	stream.indirect_vreg.gather [hbm4b:s4+s3], $0x80, v4, vm0, $0xb8;
	[tilespmem:$0x18180] =	vst v63  }
0x66: {  	v3 =	vadd.s32 v1, v3;
	s16 =	simm.s32 $0xD180  }
0x67: {  	[tilespmem:s16], [sflag:$0x2] =	stream.indirect_vreg.gather [hbm4b:s5+s3], $0x80, v4, vm0, $0xb8;
	[tilespmem:$0x18180] =	vst v63  }
0x68: {  	s16 =	simm.s32 $0xD980  }
0x69: {  	[tilespmem:s16], [sflag:$0x2] =	stream.indirect_vreg.gather [hbm4b:s6+s3], $0x80, v4, vm0, $0xb8;
	[tilespmem:$0x18180] =	vst v63  }
0x6a: {  	s16 =	simm.s32 $0xE180  }
0x6b: {  	[tilespmem:s16], [sflag:$0x2] =	stream.indirect_vreg.gather [hbm4b:s2+s3], $0x80, v3, vm0, $0xb8;
	[tilespmem:$0x18180] =	vst v63  }
0x6c: {  	s16 =	simm.s32 $0xE980  }
0x6d: {  	[tilespmem:s16], [sflag:$0x2] =	stream.indirect_vreg.gather [hbm4b:s4+s3], $0x80, v3, vm0, $0xb8;
	[tilespmem:$0x18180] =	vst v63  }
0x6e: {  	s16 =	simm.s32 $0xF180  }
0x6f: {  	[tilespmem:s16], [sflag:$0x2] =	stream.indirect_vreg.gather [hbm4b:s5+s3], $0x80, v3, vm0, $0xb8;
	[tilespmem:$0x18180] =	vst v63  }
0x70: {  	s16 =	simm.s32 $0xF980  }
0x71: {  	[tilespmem:s16], [sflag:$0x2] =	stream.indirect_vreg.gather [hbm4b:s6+s3], $0x80, v3, vm0, $0xb8;
	[tilespmem:$0x18180] =	vst v63  }
0x72: {  	v3 =	vld [tilespmem:$0x40];
	_ =	sdelay $0x4  }
0x73: {  	v50 =	vshll.u32 v3, $0x3  }
0x74: {  	v3 =	vand.u32 $0x7, v3;
	v4 =	vand.u32 $0xFFFFFFC0, v50  }
0x75: {  	v3 =	vor.u32 v3, v4  }
0x76: {  	v4 =	vperm.xlane v3, v0;
	_ =	sdelay $0x1  }
0x77: {  	v4 =	vadd.s32 v1, v4;
	_ =	sdelay $0x3  }
0x78: {  	s0 =	simm.s32 $0x10180  }
0x79: {  	[tilespmem:s0], [sflag:$0x3] =	stream.indirect_vreg.gather [hbm4b:s2+s3], $0x80, v4, vm0, $0xb8;
	[tilespmem:$0x18180] =	vst v63  }
0x7a: {  	s16 =	simm.s32 $0x10980;
	v3 =	vperm.xlane v3, v2  }
0x7b: {  	[tilespmem:s16], [sflag:$0x3] =	stream.indirect_vreg.gather [hbm4b:s4+s3], $0x80, v4, vm0, $0xb8;
	[tilespmem:$0x18180] =	vst v63  }
0x7c: {  	v3 =	vadd.s32 v1, v3;
	s16 =	simm.s32 $0x11180  }
0x7d: {  	[tilespmem:s16], [sflag:$0x3] =	stream.indirect_vreg.gather [hbm4b:s5+s3], $0x80, v4, vm0, $0xb8;
	[tilespmem:$0x18180] =	vst v63  }
0x7e: {  	s16 =	simm.s32 $0x11980  }
0x7f: {  	[tilespmem:s16], [sflag:$0x3] =	stream.indirect_vreg.gather [hbm4b:s6+s3], $0x80, v4, vm0, $0xb8;
	[tilespmem:$0x18180] =	vst v63  }
0x80: {  	s16 =	simm.s32 $0x12180  }
0x81: {  	[tilespmem:s16], [sflag:$0x3] =	stream.indirect_vreg.gather [hbm4b:s2+s3], $0x80, v3, vm0, $0xb8;
	[tilespmem:$0x18180] =	vst v63  }
0x82: {  	s16 =	simm.s32 $0x12980  }
0x83: {  	[tilespmem:s16], [sflag:$0x3] =	stream.indirect_vreg.gather [hbm4b:s4+s3], $0x80, v3, vm0, $0xb8;
	[tilespmem:$0x18180] =	vst v63  }
0x84: {  	s16 =	simm.s32 $0x13180  }
0x85: {  	[tilespmem:s16], [sflag:$0x3] =	stream.indirect_vreg.gather [hbm4b:s5+s3], $0x80, v3, vm0, $0xb8;
	[tilespmem:$0x18180] =	vst v63  }
0x86: {  	s16 =	simm.s32 $0x13980  }
0x87: {  	[tilespmem:s16], [sflag:$0x3] =	stream.indirect_vreg.gather [hbm4b:s6+s3], $0x80, v3, vm0, $0xb8;
	[tilespmem:$0x18180] =	vst v63  }
0x88: {  	v3 =	vld [tilespmem:$0x50];
	_ =	sdelay $0x4  }
0x89: {  	v51 =	vshll.u32 v3, $0x3  }
0x8a: {  	v3 =	vand.u32 $0x7, v3;
	v4 =	vand.u32 $0xFFFFFFC0, v51  }
0x8b: {  	v3 =	vor.u32 v3, v4  }
0x8c: {  	v4 =	vperm.xlane v3, v0;
	_ =	sdelay $0x1  }
0x8d: {  	v4 =	vadd.s32 v1, v4;
	_ =	sdelay $0x3  }
0x8e: {  	s16 =	simm.s32 $0x14180  }
0x8f: {  	[tilespmem:s16], [sflag:$0x3] =	stream.indirect_vreg.gather [hbm4b:s2+s3], $0x80, v4, vm0, $0xb8;
	[tilespmem:$0x18180] =	vst v63  }
0x90: {  	v3 =	vperm.xlane v3, v2;
	s16 =	simm.s32 $0x14980  }
0x91: {  	[tilespmem:s16], [sflag:$0x3] =	stream.indirect_vreg.gather [hbm4b:s4+s3], $0x80, v4, vm0, $0xb8;
	[tilespmem:$0x18180] =	vst v63  }
0x92: {  	v3 =	vadd.s32 v1, v3;
	s16 =	simm.s32 $0x15180  }
0x93: {  	[tilespmem:s16], [sflag:$0x3] =	stream.indirect_vreg.gather [hbm4b:s5+s3], $0x80, v4, vm0, $0xb8;
	[tilespmem:$0x18180] =	vst v63  }
0x94: {  	s16 =	simm.s32 $0x15980  }
0x95: {  	[tilespmem:s16], [sflag:$0x3] =	stream.indirect_vreg.gather [hbm4b:s6+s3], $0x80, v4, vm0, $0xb8;
	[tilespmem:$0x18180] =	vst v63  }
0x96: {  	s16 =	simm.s32 $0x16180  }
0x97: {  	[tilespmem:s16], [sflag:$0x3] =	stream.indirect_vreg.gather [hbm4b:s2+s3], $0x80, v3, vm0, $0xb8;
	[tilespmem:$0x18180] =	vst v63  }
0x98: {  	s16 =	simm.s32 $0x16980  }
0x99: {  	[tilespmem:s16], [sflag:$0x3] =	stream.indirect_vreg.gather [hbm4b:s4+s3], $0x80, v3, vm0, $0xb8;
	[tilespmem:$0x18180] =	vst v63  }
0x9a: {  	s16 =	simm.s32 $0x17180  }
0x9b: {  	[tilespmem:s16], [sflag:$0x3] =	stream.indirect_vreg.gather [hbm4b:s5+s3], $0x80, v3, vm0, $0xb8;
	[tilespmem:$0x18180] =	vst v63  }
0x9c: {  	s16 =	simm.s32 $0x17980  }
0x9d: {  	[tilespmem:s16], [sflag:$0x3] =	stream.indirect_vreg.gather [hbm4b:s6+s3], $0x80, v3, vm0, $0xb8;
	[tilespmem:$0x18180] =	vst v63  }
0x9e: {  	_ =	swait.ge [sflag:s10], $0x8000  }
0x9f: {  	[sflag:s10] =	ssyncset.done $0x0  }
0xa0: {  	s16 =	rddreg [dreg:$0x4];
	[sflag:s10] =	ssyncadd.s32 $0xFFFF8000  }
0xa1: {  	[hbm4b:s16+s3] =	stream.linear.scatter [tilespmem:s25], [sflag:$0x4], $0x8000, $0x38;
	[tilespmem:$0x18180] =	vst v63  }
0xa2: {  	_ =	swait.ge [sflag:s11], $0x8000  }
0xa3: {  	[sflag:s11] =	ssyncset.done $0x0  }
0xa4: {  	[sflag:s11] =	ssyncadd.s32 $0xFFFF8000  }
0xa5: {  	v3 =	vld [tilespmem:$0x60];
	_ =	sdelay $0x4  }
0xa6: {  	v52 =	vshll.u32 v3, $0x3  }
0xa7: {  	v3 =	vand.u32 $0x7, v3;
	v4 =	vand.u32 $0xFFFFFFC0, v52  }
0xa8: {  	v3 =	vor.u32 v3, v4  }
0xa9: {  	v4 =	vperm.xlane v3, v0;
	_ =	sdelay $0x1  }
0xaa: {  	v4 =	vadd.s32 v1, v4;
	_ =	sdelay $0x4  }
0xab: {  	[tilespmem:s25], [sflag:$0x1] =	stream.indirect_vreg.gather [hbm4b:s2+s3], $0x80, v4, vm0, $0xb8;
	[tilespmem:$0x18180] =	vst v63  }
0xac: {  	v3 =	vperm.xlane v3, v2  }
0xad: {  	[tilespmem:s18], [sflag:$0x1] =	stream.indirect_vreg.gather [hbm4b:s4+s3], $0x80, v4, vm0, $0xb8;
	[tilespmem:$0x18180] =	vst v63  }
0xae: {  	v3 =	vadd.s32 v1, v3  }
0xaf: {  	[tilespmem:s19], [sflag:$0x1] =	stream.indirect_vreg.gather [hbm4b:s5+s3], $0x80, v4, vm0, $0xb8;
	[tilespmem:$0x18180] =	vst v63  }
0xb0: {  	_ = 	snop  }
0xb1: {  	[tilespmem:s20], [sflag:$0x1] =	stream.indirect_vreg.gather [hbm4b:s6+s3], $0x80, v4, vm0, $0xb8;
	[tilespmem:$0x18180] =	vst v63  }
0xb2: {  	_ = 	snop  }
0xb3: {  	[tilespmem:s21], [sflag:$0x1] =	stream.indirect_vreg.gather [hbm4b:s2+s3], $0x80, v3, vm0, $0xb8;
	[tilespmem:$0x18180] =	vst v63  }
0xb4: {  	_ = 	snop  }
0xb5: {  	[tilespmem:s22], [sflag:$0x1] =	stream.indirect_vreg.gather [hbm4b:s4+s3], $0x80, v3, vm0, $0xb8;
	[tilespmem:$0x18180] =	vst v63  }
0xb6: {  	_ = 	snop  }
0xb7: {  	[tilespmem:s23], [sflag:$0x1] =	stream.indirect_vreg.gather [hbm4b:s5+s3], $0x80, v3, vm0, $0xb8;
	[tilespmem:$0x18180] =	vst v63  }
0xb8: {  	_ = 	snop  }
0xb9: {  	[tilespmem:s24], [sflag:$0x1] =	stream.indirect_vreg.gather [hbm4b:s6+s3], $0x80, v3, vm0, $0xb8;
	[tilespmem:$0x18180] =	vst v63  }
0xba: {  	v3 =	vld [tilespmem:$0x70];
	_ =	sdelay $0x4  }
0xbb: {  	v53 =	vshll.u32 v3, $0x3  }
0xbc: {  	v3 =	vand.u32 $0x7, v3;
	v4 =	vand.u32 $0xFFFFFFC0, v53  }
0xbd: {  	v3 =	vor.u32 v3, v4  }
0xbe: {  	v4 =	vperm.xlane v3, v0;
	_ =	sdelay $0x1  }
0xbf: {  	v4 =	vadd.s32 v1, v4;
	_ =	sdelay $0x4  }
0xc0: {  	[tilespmem:s26], [sflag:$0x1] =	stream.indirect_vreg.gather [hbm4b:s2+s3], $0x80, v4, vm0, $0xb8;
	[tilespmem:$0x18180] =	vst v63  }
0xc1: {  	v3 =	vperm.xlane v3, v2  }
0xc2: {  	[tilespmem:s28], [sflag:$0x1] =	stream.indirect_vreg.gather [hbm4b:s4+s3], $0x80, v4, vm0, $0xb8;
	[tilespmem:$0x18180] =	vst v63  }
0xc3: {  	v3 =	vadd.s32 v1, v3  }
0xc4: {  	[tilespmem:s29], [sflag:$0x1] =	stream.indirect_vreg.gather [hbm4b:s5+s3], $0x80, v4, vm0, $0xb8;
	[tilespmem:$0x18180] =	vst v63  }
0xc5: {  	_ = 	snop  }
0xc6: {  	[tilespmem:s30], [sflag:$0x1] =	stream.indirect_vreg.gather [hbm4b:s6+s3], $0x80, v4, vm0, $0xb8;
	[tilespmem:$0x18180] =	vst v63  }
0xc7: {  	_ = 	snop  }
0xc8: {  	[tilespmem:s31], [sflag:$0x1] =	stream.indirect_vreg.gather [hbm4b:s2+s3], $0x80, v3, vm0, $0xb8;
	[tilespmem:$0x18180] =	vst v63  }
0xc9: {  	_ = 	snop  }
0xca: {  	[tilespmem:s1], [sflag:$0x1] =	stream.indirect_vreg.gather [hbm4b:s4+s3], $0x80, v3, vm0, $0xb8;
	[tilespmem:$0x18180] =	vst v63  }
0xcb: {  	_ = 	snop  }
0xcc: {  	[tilespmem:s9], [sflag:$0x1] =	stream.indirect_vreg.gather [hbm4b:s5+s3], $0x80, v3, vm0, $0xb8;
	[tilespmem:$0x18180] =	vst v63  }
0xcd: {  	_ = 	snop  }
0xce: {  	[tilespmem:s8], [sflag:$0x1] =	stream.indirect_vreg.gather [hbm4b:s6+s3], $0x80, v3, vm0, $0xb8;
	[tilespmem:$0x18180] =	vst v63  }
0xcf: {  	_ =	swait.ge [sflag:s12], $0x8000  }
0xd0: {  	[sflag:s12] =	ssyncset.done $0x0  }
0xd1: {  	s16 =	rddreg [dreg:$0x5];
	[sflag:s12] =	ssyncadd.s32 $0xFFFF8000  }
0xd2: {  	[hbm4b:s16+s3] =	stream.linear.scatter [tilespmem:s17], [sflag:$0x5], $0x8000, $0x38;
	[tilespmem:$0x18180] =	vst v63  }
0xd3: {  	_ =	swait.ge [sflag:s13], $0x8000  }
0xd4: {  	[sflag:s13] =	ssyncset.done $0x0  }
0xd5: {  	[sflag:s13] =	ssyncadd.s32 $0xFFFF8000  }
0xd6: {  	v3 =	vld [tilespmem:$0x80];
	_ =	sdelay $0x4  }
0xd7: {  	v54 =	vshll.u32 v3, $0x3  }
0xd8: {  	v3 =	vand.u32 $0x7, v3;
	v4 =	vand.u32 $0xFFFFFFC0, v54  }
0xd9: {  	v3 =	vor.u32 v3, v4  }
0xda: {  	v4 =	vperm.xlane v3, v0;
	_ =	sdelay $0x1  }
0xdb: {  	v4 =	vadd.s32 v1, v4;
	_ =	sdelay $0x4  }
0xdc: {  	[tilespmem:s17], [sflag:$0x2] =	stream.indirect_vreg.gather [hbm4b:s2+s3], $0x80, v4, vm0, $0xb8;
	[tilespmem:$0x18180] =	vst v63  }
0xdd: {  	s16 =	simm.s32 $0x8980;
	v3 =	vperm.xlane v3, v2  }
0xde: {  	[tilespmem:s16], [sflag:$0x2] =	stream.indirect_vreg.gather [hbm4b:s4+s3], $0x80, v4, vm0, $0xb8;
	[tilespmem:$0x18180] =	vst v63  }
0xdf: {  	v3 =	vadd.s32 v1, v3;
	s16 =	simm.s32 $0x9180  }
0xe0: {  	[tilespmem:s16], [sflag:$0x2] =	stream.indirect_vreg.gather [hbm4b:s5+s3], $0x80, v4, vm0, $0xb8;
	[tilespmem:$0x18180] =	vst v63  }
0xe1: {  	s16 =	simm.s32 $0x9980  }
0xe2: {  	[tilespmem:s16], [sflag:$0x2] =	stream.indirect_vreg.gather [hbm4b:s6+s3], $0x80, v4, vm0, $0xb8;
	[tilespmem:$0x18180] =	vst v63  }
0xe3: {  	s16 =	simm.s32 $0xA180  }
0xe4: {  	[tilespmem:s16], [sflag:$0x2] =	stream.indirect_vreg.gather [hbm4b:s2+s3], $0x80, v3, vm0, $0xb8;
	[tilespmem:$0x18180] =	vst v63  }
0xe5: {  	s16 =	simm.s32 $0xA980  }
0xe6: {  	[tilespmem:s16], [sflag:$0x2] =	stream.indirect_vreg.gather [hbm4b:s4+s3], $0x80, v3, vm0, $0xb8;
	[tilespmem:$0x18180] =	vst v63  }
0xe7: {  	s16 =	simm.s32 $0xB180  }
0xe8: {  	[tilespmem:s16], [sflag:$0x2] =	stream.indirect_vreg.gather [hbm4b:s5+s3], $0x80, v3, vm0, $0xb8;
	[tilespmem:$0x18180] =	vst v63  }
0xe9: {  	s16 =	simm.s32 $0xB980  }
0xea: {  	[tilespmem:s16], [sflag:$0x2] =	stream.indirect_vreg.gather [hbm4b:s6+s3], $0x80, v3, vm0, $0xb8;
	[tilespmem:$0x18180] =	vst v63  }
0xeb: {  	v3 =	vld [tilespmem:$0x90];
	_ =	sdelay $0x4  }
0xec: {  	v55 =	vshll.u32 v3, $0x3  }
0xed: {  	v3 =	vand.u32 $0x7, v3;
	v4 =	vand.u32 $0xFFFFFFC0, v55  }
0xee: {  	v3 =	vor.u32 v3, v4  }
0xef: {  	v4 =	vperm.xlane v3, v0;
	_ =	sdelay $0x1  }
0xf0: {  	v4 =	vadd.s32 v1, v4;
	_ =	sdelay $0x3  }
0xf1: {  	s16 =	simm.s32 $0xC180  }
0xf2: {  	[tilespmem:s16], [sflag:$0x2] =	stream.indirect_vreg.gather [hbm4b:s2+s3], $0x80, v4, vm0, $0xb8;
	[tilespmem:$0x18180] =	vst v63  }
0xf3: {  	v3 =	vperm.xlane v3, v2;
	s16 =	simm.s32 $0xC980  }
0xf4: {  	[tilespmem:s16], [sflag:$0x2] =	stream.indirect_vreg.gather [hbm4b:s4+s3], $0x80, v4, vm0, $0xb8;
	[tilespmem:$0x18180] =	vst v63  }
0xf5: {  	v3 =	vadd.s32 v1, v3;
	s16 =	simm.s32 $0xD180  }
0xf6: {  	[tilespmem:s16], [sflag:$0x2] =	stream.indirect_vreg.gather [hbm4b:s5+s3], $0x80, v4, vm0, $0xb8;
	[tilespmem:$0x18180] =	vst v63  }
0xf7: {  	s16 =	simm.s32 $0xD980  }
0xf8: {  	[tilespmem:s16], [sflag:$0x2] =	stream.indirect_vreg.gather [hbm4b:s6+s3], $0x80, v4, vm0, $0xb8;
	[tilespmem:$0x18180] =	vst v63  }
0xf9: {  	s16 =	simm.s32 $0xE180  }
0xfa: {  	[tilespmem:s16], [sflag:$0x2] =	stream.indirect_vreg.gather [hbm4b:s2+s3], $0x80, v3, vm0, $0xb8;
	[tilespmem:$0x18180] =	vst v63  }
0xfb: {  	s16 =	simm.s32 $0xE980  }
0xfc: {  	[tilespmem:s16], [sflag:$0x2] =	stream.indirect_vreg.gather [hbm4b:s4+s3], $0x80, v3, vm0, $0xb8;
	[tilespmem:$0x18180] =	vst v63  }
0xfd: {  	s16 =	simm.s32 $0xF180  }
0xfe: {  	[tilespmem:s16], [sflag:$0x2] =	stream.indirect_vreg.gather [hbm4b:s5+s3], $0x80, v3, vm0, $0xb8;
	[tilespmem:$0x18180] =	vst v63  }
0xff: {  	s16 =	simm.s32 $0xF980  }
0x100: {  	[tilespmem:s16], [sflag:$0x2] =	stream.indirect_vreg.gather [hbm4b:s6+s3], $0x80, v3, vm0, $0xb8;
	[tilespmem:$0x18180] =	vst v63  }
0x101: {  	_ =	swait.ge [sflag:s14], $0x8000  }
0x102: {  	[sflag:s14] =	ssyncset.done $0x0  }
0x103: {  	s16 =	rddreg [dreg:$0x6];
	[sflag:s14] =	ssyncadd.s32 $0xFFFF8000  }
0x104: {  	[hbm4b:s16+s3] =	stream.linear.scatter [tilespmem:s0], [sflag:$0x6], $0x8000, $0x38;
	[tilespmem:$0x18180] =	vst v63  }
0x105: {  	_ =	swait.ge [sflag:s15], $0x8000  }
0x106: {  	[sflag:s15] =	ssyncset.done $0x0  }
0x107: {  	[sflag:s15] =	ssyncadd.s32 $0xFFFF8000  }
0x108: {  	v3 =	vld [tilespmem:$0xA0];
	_ =	sdelay $0x4  }
0x109: {  	v56 =	vshll.u32 v3, $0x3  }
0x10a: {  	v3 =	vand.u32 $0x7, v3;
	v4 =	vand.u32 $0xFFFFFFC0, v56  }
0x10b: {  	v3 =	vor.u32 v3, v4  }
0x10c: {  	v4 =	vperm.xlane v3, v0;
	_ =	sdelay $0x1  }
0x10d: {  	v4 =	vadd.s32 v1, v4;
	_ =	sdelay $0x4  }
0x10e: {  	[tilespmem:s0], [sflag:$0x3] =	stream.indirect_vreg.gather [hbm4b:s2+s3], $0x80, v4, vm0, $0xb8;
	[tilespmem:$0x18180] =	vst v63  }
0x10f: {  	s16 =	simm.s32 $0x10980;
	v3 =	vperm.xlane v3, v2  }
0x110: {  	[tilespmem:s16], [sflag:$0x3] =	stream.indirect_vreg.gather [hbm4b:s4+s3], $0x80, v4, vm0, $0xb8;
	[tilespmem:$0x18180] =	vst v63  }
0x111: {  	v3 =	vadd.s32 v1, v3;
	s16 =	simm.s32 $0x11180  }
0x112: {  	[tilespmem:s16], [sflag:$0x3] =	stream.indirect_vreg.gather [hbm4b:s5+s3], $0x80, v4, vm0, $0xb8;
	[tilespmem:$0x18180] =	vst v63  }
0x113: {  	s16 =	simm.s32 $0x11980  }
0x114: {  	[tilespmem:s16], [sflag:$0x3] =	stream.indirect_vreg.gather [hbm4b:s6+s3], $0x80, v4, vm0, $0xb8;
	[tilespmem:$0x18180] =	vst v63  }
0x115: {  	s16 =	simm.s32 $0x12180  }
0x116: {  	[tilespmem:s16], [sflag:$0x3] =	stream.indirect_vreg.gather [hbm4b:s2+s3], $0x80, v3, vm0, $0xb8;
	[tilespmem:$0x18180] =	vst v63  }
0x117: {  	s16 =	simm.s32 $0x12980  }
0x118: {  	[tilespmem:s16], [sflag:$0x3] =	stream.indirect_vreg.gather [hbm4b:s4+s3], $0x80, v3, vm0, $0xb8;
	[tilespmem:$0x18180] =	vst v63  }
0x119: {  	s16 =	simm.s32 $0x13180  }
0x11a: {  	[tilespmem:s16], [sflag:$0x3] =	stream.indirect_vreg.gather [hbm4b:s5+s3], $0x80, v3, vm0, $0xb8;
	[tilespmem:$0x18180] =	vst v63  }
0x11b: {  	s16 =	simm.s32 $0x13980  }
0x11c: {  	[tilespmem:s16], [sflag:$0x3] =	stream.indirect_vreg.gather [hbm4b:s6+s3], $0x80, v3, vm0, $0xb8;
	[tilespmem:$0x18180] =	vst v63  }
0x11d: {  	v3 =	vld [tilespmem:$0xB0];
	_ =	sdelay $0x4  }
0x11e: {  	v57 =	vshll.u32 v3, $0x3  }
0x11f: {  	v3 =	vand.u32 $0x7, v3;
	v4 =	vand.u32 $0xFFFFFFC0, v57  }
0x120: {  	v3 =	vor.u32 v3, v4  }
0x121: {  	v4 =	vperm.xlane v3, v0;
	_ =	sdelay $0x1  }
0x122: {  	v4 =	vadd.s32 v1, v4;
	_ =	sdelay $0x3  }
0x123: {  	s16 =	simm.s32 $0x14180  }
0x124: {  	[tilespmem:s16], [sflag:$0x3] =	stream.indirect_vreg.gather [hbm4b:s2+s3], $0x80, v4, vm0, $0xb8;
	[tilespmem:$0x18180] =	vst v63  }
0x125: {  	v3 =	vperm.xlane v3, v2;
	s16 =	simm.s32 $0x14980  }
0x126: {  	[tilespmem:s16], [sflag:$0x3] =	stream.indirect_vreg.gather [hbm4b:s4+s3], $0x80, v4, vm0, $0xb8;
	[tilespmem:$0x18180] =	vst v63  }
0x127: {  	v3 =	vadd.s32 v1, v3;
	s16 =	simm.s32 $0x15180  }
0x128: {  	[tilespmem:s16], [sflag:$0x3] =	stream.indirect_vreg.gather [hbm4b:s5+s3], $0x80, v4, vm0, $0xb8;
	[tilespmem:$0x18180] =	vst v63  }
0x129: {  	s16 =	simm.s32 $0x15980  }
0x12a: {  	[tilespmem:s16], [sflag:$0x3] =	stream.indirect_vreg.gather [hbm4b:s6+s3], $0x80, v4, vm0, $0xb8;
	[tilespmem:$0x18180] =	vst v63  }
0x12b: {  	s16 =	simm.s32 $0x16180  }
0x12c: {  	[tilespmem:s16], [sflag:$0x3] =	stream.indirect_vreg.gather [hbm4b:s2+s3], $0x80, v3, vm0, $0xb8;
	[tilespmem:$0x18180] =	vst v63  }
0x12d: {  	s16 =	simm.s32 $0x16980  }
0x12e: {  	[tilespmem:s16], [sflag:$0x3] =	stream.indirect_vreg.gather [hbm4b:s4+s3], $0x80, v3, vm0, $0xb8;
	[tilespmem:$0x18180] =	vst v63  }
0x12f: {  	s16 =	simm.s32 $0x17180  }
0x130: {  	[tilespmem:s16], [sflag:$0x3] =	stream.indirect_vreg.gather [hbm4b:s5+s3], $0x80, v3, vm0, $0xb8;
	[tilespmem:$0x18180] =	vst v63  }
0x131: {  	s16 =	simm.s32 $0x17980  }
0x132: {  	[tilespmem:s16], [sflag:$0x3] =	stream.indirect_vreg.gather [hbm4b:s6+s3], $0x80, v3, vm0, $0xb8;
	[tilespmem:$0x18180] =	vst v63  }
0x133: {  	_ =	swait.ge [sflag:s10], $0x8000  }
0x134: {  	[sflag:s10] =	ssyncset.done $0x0  }
0x135: {  	s16 =	rddreg [dreg:$0x7];
	[sflag:s10] =	ssyncadd.s32 $0xFFFF8000  }
0x136: {  	[hbm4b:s16+s3] =	stream.linear.scatter [tilespmem:s25], [sflag:$0x4], $0x8000, $0x38;
	[tilespmem:$0x18180] =	vst v63  }
0x137: {  	_ =	swait.ge [sflag:s11], $0x8000  }
0x138: {  	[sflag:s11] =	ssyncset.done $0x0  }
0x139: {  	[sflag:s11] =	ssyncadd.s32 $0xFFFF8000  }
0x13a: {  	v3 =	vld [tilespmem:$0xC0];
	_ =	sdelay $0x4  }
0x13b: {  	v58 =	vshll.u32 v3, $0x3  }
0x13c: {  	v3 =	vand.u32 $0x7, v3;
	v4 =	vand.u32 $0xFFFFFFC0, v58  }
0x13d: {  	v3 =	vor.u32 v3, v4  }
0x13e: {  	v4 =	vperm.xlane v3, v0;
	_ =	sdelay $0x1  }
0x13f: {  	v4 =	vadd.s32 v1, v4;
	_ =	sdelay $0x4  }
0x140: {  	[tilespmem:s25], [sflag:$0x1] =	stream.indirect_vreg.gather [hbm4b:s2+s3], $0x80, v4, vm0, $0xb8;
	[tilespmem:$0x18180] =	vst v63  }
0x141: {  	v3 =	vperm.xlane v3, v2  }
0x142: {  	[tilespmem:s18], [sflag:$0x1] =	stream.indirect_vreg.gather [hbm4b:s4+s3], $0x80, v4, vm0, $0xb8;
	[tilespmem:$0x18180] =	vst v63  }
0x143: {  	v3 =	vadd.s32 v1, v3  }
0x144: {  	[tilespmem:s19], [sflag:$0x1] =	stream.indirect_vreg.gather [hbm4b:s5+s3], $0x80, v4, vm0, $0xb8;
	[tilespmem:$0x18180] =	vst v63  }
0x145: {  	_ = 	snop  }
0x146: {  	[tilespmem:s20], [sflag:$0x1] =	stream.indirect_vreg.gather [hbm4b:s6+s3], $0x80, v4, vm0, $0xb8;
	[tilespmem:$0x18180] =	vst v63  }
0x147: {  	_ = 	snop  }
0x148: {  	[tilespmem:s21], [sflag:$0x1] =	stream.indirect_vreg.gather [hbm4b:s2+s3], $0x80, v3, vm0, $0xb8;
	[tilespmem:$0x18180] =	vst v63  }
0x149: {  	_ = 	snop  }
0x14a: {  	[tilespmem:s22], [sflag:$0x1] =	stream.indirect_vreg.gather [hbm4b:s4+s3], $0x80, v3, vm0, $0xb8;
	[tilespmem:$0x18180] =	vst v63  }
0x14b: {  	_ = 	snop  }
0x14c: {  	[tilespmem:s23], [sflag:$0x1] =	stream.indirect_vreg.gather [hbm4b:s5+s3], $0x80, v3, vm0, $0xb8;
	[tilespmem:$0x18180] =	vst v63  }
0x14d: {  	_ = 	snop  }
0x14e: {  	[tilespmem:s24], [sflag:$0x1] =	stream.indirect_vreg.gather [hbm4b:s6+s3], $0x80, v3, vm0, $0xb8;
	[tilespmem:$0x18180] =	vst v63  }
0x14f: {  	v3 =	vld [tilespmem:$0xD0];
	_ =	sdelay $0x4  }
0x150: {  	v59 =	vshll.u32 v3, $0x3  }
0x151: {  	v3 =	vand.u32 $0x7, v3;
	v4 =	vand.u32 $0xFFFFFFC0, v59  }
0x152: {  	v3 =	vor.u32 v3, v4  }
0x153: {  	v4 =	vperm.xlane v3, v0;
	_ =	sdelay $0x1  }
0x154: {  	v4 =	vadd.s32 v1, v4;
	_ =	sdelay $0x4  }
0x155: {  	[tilespmem:s26], [sflag:$0x1] =	stream.indirect_vreg.gather [hbm4b:s2+s3], $0x80, v4, vm0, $0xb8;
	[tilespmem:$0x18180] =	vst v63  }
0x156: {  	v3 =	vperm.xlane v3, v2  }
0x157: {  	[tilespmem:s28], [sflag:$0x1] =	stream.indirect_vreg.gather [hbm4b:s4+s3], $0x80, v4, vm0, $0xb8;
	[tilespmem:$0x18180] =	vst v63  }
0x158: {  	v3 =	vadd.s32 v1, v3  }
0x159: {  	[tilespmem:s29], [sflag:$0x1] =	stream.indirect_vreg.gather [hbm4b:s5+s3], $0x80, v4, vm0, $0xb8;
	[tilespmem:$0x18180] =	vst v63  }
0x15a: {  	_ = 	snop  }
0x15b: {  	[tilespmem:s30], [sflag:$0x1] =	stream.indirect_vreg.gather [hbm4b:s6+s3], $0x80, v4, vm0, $0xb8;
	[tilespmem:$0x18180] =	vst v63  }
0x15c: {  	_ = 	snop  }
0x15d: {  	[tilespmem:s31], [sflag:$0x1] =	stream.indirect_vreg.gather [hbm4b:s2+s3], $0x80, v3, vm0, $0xb8;
	[tilespmem:$0x18180] =	vst v63  }
0x15e: {  	_ = 	snop  }
0x15f: {  	[tilespmem:s1], [sflag:$0x1] =	stream.indirect_vreg.gather [hbm4b:s4+s3], $0x80, v3, vm0, $0xb8;
	[tilespmem:$0x18180] =	vst v63  }
0x160: {  	_ = 	snop  }
0x161: {  	[tilespmem:s9], [sflag:$0x1] =	stream.indirect_vreg.gather [hbm4b:s5+s3], $0x80, v3, vm0, $0xb8;
	[tilespmem:$0x18180] =	vst v63  }
0x162: {  	_ = 	snop  }
0x163: {  	[tilespmem:s8], [sflag:$0x1] =	stream.indirect_vreg.gather [hbm4b:s6+s3], $0x80, v3, vm0, $0xb8;
	[tilespmem:$0x18180] =	vst v63  }
0x164: {  	_ =	swait.ge [sflag:s12], $0x8000  }
0x165: {  	[sflag:s12] =	ssyncset.done $0x0  }
0x166: {  	s1 =	rddreg [dreg:$0x8];
	[sflag:s12] =	ssyncadd.s32 $0xFFFF8000  }
0x167: {  	[hbm4b:s1+s3] =	stream.linear.scatter [tilespmem:s17], [sflag:$0x5], $0x8000, $0x38;
	[tilespmem:$0x18180] =	vst v63  }
0x168: {  	_ =	swait.ge [sflag:s13], $0x8000  }
0x169: {  	[sflag:s13] =	ssyncset.done $0x0  }
0x16a: {  	[sflag:s13] =	ssyncadd.s32 $0xFFFF8000  }
0x16b: {  	v3 =	vld [tilespmem:$0xE0];
	_ =	sdelay $0x4  }
0x16c: {  	v60 =	vshll.u32 v3, $0x3  }
0x16d: {  	v3 =	vand.u32 $0x7, v3;
	v4 =	vand.u32 $0xFFFFFFC0, v60  }
0x16e: {  	v3 =	vor.u32 v3, v4  }
0x16f: {  	v4 =	vperm.xlane v3, v0;
	_ =	sdelay $0x1  }
0x170: {  	v4 =	vadd.s32 v1, v4;
	_ =	sdelay $0x4  }
0x171: {  	[tilespmem:s17], [sflag:$0x2] =	stream.indirect_vreg.gather [hbm4b:s2+s3], $0x80, v4, vm0, $0xb8;
	[tilespmem:$0x18180] =	vst v63  }
0x172: {  	s16 =	simm.s32 $0x8980;
	v3 =	vperm.xlane v3, v2  }
0x173: {  	[tilespmem:s16], [sflag:$0x2] =	stream.indirect_vreg.gather [hbm4b:s4+s3], $0x80, v4, vm0, $0xb8;
	[tilespmem:$0x18180] =	vst v63  }
0x174: {  	v3 =	vadd.s32 v1, v3;
	s16 =	simm.s32 $0x9180  }
0x175: {  	[tilespmem:s16], [sflag:$0x2] =	stream.indirect_vreg.gather [hbm4b:s5+s3], $0x80, v4, vm0, $0xb8;
	[tilespmem:$0x18180] =	vst v63  }
0x176: {  	s16 =	simm.s32 $0x9980  }
0x177: {  	[tilespmem:s16], [sflag:$0x2] =	stream.indirect_vreg.gather [hbm4b:s6+s3], $0x80, v4, vm0, $0xb8;
	[tilespmem:$0x18180] =	vst v63  }
0x178: {  	s16 =	simm.s32 $0xA180  }
0x179: {  	[tilespmem:s16], [sflag:$0x2] =	stream.indirect_vreg.gather [hbm4b:s2+s3], $0x80, v3, vm0, $0xb8;
	[tilespmem:$0x18180] =	vst v63  }
0x17a: {  	s16 =	simm.s32 $0xA980  }
0x17b: {  	[tilespmem:s16], [sflag:$0x2] =	stream.indirect_vreg.gather [hbm4b:s4+s3], $0x80, v3, vm0, $0xb8;
	[tilespmem:$0x18180] =	vst v63  }
0x17c: {  	s16 =	simm.s32 $0xB180  }
0x17d: {  	[tilespmem:s16], [sflag:$0x2] =	stream.indirect_vreg.gather [hbm4b:s5+s3], $0x80, v3, vm0, $0xb8;
	[tilespmem:$0x18180] =	vst v63  }
0x17e: {  	s16 =	simm.s32 $0xB980  }
0x17f: {  	[tilespmem:s16], [sflag:$0x2] =	stream.indirect_vreg.gather [hbm4b:s6+s3], $0x80, v3, vm0, $0xb8;
	[tilespmem:$0x18180] =	vst v63  }
0x180: {  	v3 =	vld [tilespmem:$0xF0];
	_ =	sdelay $0x4  }
0x181: {  	v61 =	vshll.u32 v3, $0x3  }
0x182: {  	v3 =	vand.u32 $0x7, v3;
	v4 =	vand.u32 $0xFFFFFFC0, v61  }
0x183: {  	v3 =	vor.u32 v3, v4  }
0x184: {  	v4 =	vperm.xlane v3, v0;
	_ =	sdelay $0x1  }
0x185: {  	v4 =	vadd.s32 v1, v4;
	_ =	sdelay $0x3  }
0x186: {  	s16 =	simm.s32 $0xC180  }
0x187: {  	[tilespmem:s16], [sflag:$0x2] =	stream.indirect_vreg.gather [hbm4b:s2+s3], $0x80, v4, vm0, $0xb8;
	[tilespmem:$0x18180] =	vst v63  }
0x188: {  	v3 =	vperm.xlane v3, v2;
	s16 =	simm.s32 $0xC980  }
0x189: {  	[tilespmem:s16], [sflag:$0x2] =	stream.indirect_vreg.gather [hbm4b:s4+s3], $0x80, v4, vm0, $0xb8;
	[tilespmem:$0x18180] =	vst v63  }
0x18a: {  	v3 =	vadd.s32 v1, v3;
	s16 =	simm.s32 $0xD180  }
0x18b: {  	[tilespmem:s16], [sflag:$0x2] =	stream.indirect_vreg.gather [hbm4b:s5+s3], $0x80, v4, vm0, $0xb8;
	[tilespmem:$0x18180] =	vst v63  }
0x18c: {  	s16 =	simm.s32 $0xD980  }
0x18d: {  	[tilespmem:s16], [sflag:$0x2] =	stream.indirect_vreg.gather [hbm4b:s6+s3], $0x80, v4, vm0, $0xb8;
	[tilespmem:$0x18180] =	vst v63  }
0x18e: {  	s16 =	simm.s32 $0xE180  }
0x18f: {  	[tilespmem:s16], [sflag:$0x2] =	stream.indirect_vreg.gather [hbm4b:s2+s3], $0x80, v3, vm0, $0xb8;
	[tilespmem:$0x18180] =	vst v63  }
0x190: {  	s16 =	simm.s32 $0xE980  }
0x191: {  	[tilespmem:s16], [sflag:$0x2] =	stream.indirect_vreg.gather [hbm4b:s4+s3], $0x80, v3, vm0, $0xb8;
	[tilespmem:$0x18180] =	vst v63  }
0x192: {  	s16 =	simm.s32 $0xF180  }
0x193: {  	[tilespmem:s16], [sflag:$0x2] =	stream.indirect_vreg.gather [hbm4b:s5+s3], $0x80, v3, vm0, $0xb8;
	[tilespmem:$0x18180] =	vst v63  }
0x194: {  	s16 =	simm.s32 $0xF980  }
0x195: {  	[tilespmem:s16], [sflag:$0x2] =	stream.indirect_vreg.gather [hbm4b:s6+s3], $0x80, v3, vm0, $0xb8;
	[tilespmem:$0x18180] =	vst v63  }
0x196: {  	_ =	swait.ge [sflag:s14], $0x8000  }
0x197: {  	[sflag:s14] =	ssyncset.done $0x0  }
0x198: {  	s1 =	rddreg [dreg:$0x9];
	[sflag:s14] =	ssyncadd.s32 $0xFFFF8000  }
0x199: {  	[hbm4b:s1+s3] =	stream.linear.scatter [tilespmem:s0], [sflag:$0x6], $0x8000, $0x38;
	[tilespmem:$0x18180] =	vst v63  }
0x19a: {  	_ =	swait.ge [sflag:s15], $0x8000  }
0x19b: {  	[sflag:s15] =	ssyncset.done $0x0  }
0x19c: {  	[sflag:s15] =	ssyncadd.s32 $0xFFFF8000  }
0x19d: {  	v3 =	vld [tilespmem:$0x100];
	_ =	sdelay $0x4  }
0x19e: {  	v62 =	vshll.u32 v3, $0x3  }
0x19f: {  	v3 =	vand.u32 $0x7, v3;
	v4 =	vand.u32 $0xFFFFFFC0, v62  }
0x1a0: {  	v3 =	vor.u32 v3, v4  }
0x1a1: {  	v4 =	vperm.xlane v3, v0;
	_ =	sdelay $0x1  }
0x1a2: {  	v4 =	vadd.s32 v1, v4;
	_ =	sdelay $0x4  }
0x1a3: {  	[tilespmem:s0], [sflag:$0x3] =	stream.indirect_vreg.gather [hbm4b:s2+s3], $0x80, v4, vm0, $0xb8;
	[tilespmem:$0x18180] =	vst v63  }
0x1a4: {  	s16 =	simm.s32 $0x10980;
	v3 =	vperm.xlane v3, v2  }
0x1a5: {  	[tilespmem:s16], [sflag:$0x3] =	stream.indirect_vreg.gather [hbm4b:s4+s3], $0x80, v4, vm0, $0xb8;
	[tilespmem:$0x18180] =	vst v63  }
0x1a6: {  	v3 =	vadd.s32 v1, v3;
	s16 =	simm.s32 $0x11180  }
0x1a7: {  	[tilespmem:s16], [sflag:$0x3] =	stream.indirect_vreg.gather [hbm4b:s5+s3], $0x80, v4, vm0, $0xb8;
	[tilespmem:$0x18180] =	vst v63  }
0x1a8: {  	s16 =	simm.s32 $0x11980  }
0x1a9: {  	[tilespmem:s16], [sflag:$0x3] =	stream.indirect_vreg.gather [hbm4b:s6+s3], $0x80, v4, vm0, $0xb8;
	[tilespmem:$0x18180] =	vst v63  }
0x1aa: {  	s16 =	simm.s32 $0x12180  }
0x1ab: {  	[tilespmem:s16], [sflag:$0x3] =	stream.indirect_vreg.gather [hbm4b:s2+s3], $0x80, v3, vm0, $0xb8;
	[tilespmem:$0x18180] =	vst v63  }
0x1ac: {  	s16 =	simm.s32 $0x12980  }
0x1ad: {  	[tilespmem:s16], [sflag:$0x3] =	stream.indirect_vreg.gather [hbm4b:s4+s3], $0x80, v3, vm0, $0xb8;
	[tilespmem:$0x18180] =	vst v63  }
0x1ae: {  	s16 =	simm.s32 $0x13180  }
0x1af: {  	[tilespmem:s16], [sflag:$0x3] =	stream.indirect_vreg.gather [hbm4b:s5+s3], $0x80, v3, vm0, $0xb8;
	[tilespmem:$0x18180] =	vst v63  }
0x1b0: {  	s16 =	simm.s32 $0x13980  }
0x1b1: {  	[tilespmem:s16], [sflag:$0x3] =	stream.indirect_vreg.gather [hbm4b:s6+s3], $0x80, v3, vm0, $0xb8;
	[tilespmem:$0x18180] =	vst v63  }
0x1b2: {  	v3 =	vld [tilespmem:$0x110];
	_ =	sdelay $0x4  }
0x1b3: {  	v63 =	vshll.u32 v3, $0x3  }
0x1b4: {  	v3 =	vand.u32 $0x7, v3;
	v4 =	vand.u32 $0xFFFFFFC0, v63  }
0x1b5: {  	v3 =	vor.u32 v3, v4  }
0x1b6: {  	v4 =	vperm.xlane v3, v0;
	_ =	sdelay $0x1  }
0x1b7: {  	v4 =	vadd.s32 v1, v4;
	_ =	sdelay $0x3  }
0x1b8: {  	s16 =	simm.s32 $0x14180  }
0x1b9: {  	[tilespmem:s16], [sflag:$0x3] =	stream.indirect_vreg.gather [hbm4b:s2+s3], $0x80, v4, vm0, $0xb8;
	[tilespmem:$0x18180] =	vst v63  }
0x1ba: {  	v3 =	vperm.xlane v3, v2;
	s16 =	simm.s32 $0x14980  }
0x1bb: {  	[tilespmem:s16], [sflag:$0x3] =	stream.indirect_vreg.gather [hbm4b:s4+s3], $0x80, v4, vm0, $0xb8;
	[tilespmem:$0x18180] =	vst v63  }
0x1bc: {  	v3 =	vadd.s32 v1, v3;
	s16 =	simm.s32 $0x15180  }
0x1bd: {  	[tilespmem:s16], [sflag:$0x3] =	stream.indirect_vreg.gather [hbm4b:s5+s3], $0x80, v4, vm0, $0xb8;
	[tilespmem:$0x18180] =	vst v63  }
0x1be: {  	s16 =	simm.s32 $0x15980  }
0x1bf: {  	[tilespmem:s16], [sflag:$0x3] =	stream.indirect_vreg.gather [hbm4b:s6+s3], $0x80, v4, vm0, $0xb8;
	[tilespmem:$0x18180] =	vst v63  }
0x1c0: {  	s16 =	simm.s32 $0x16180  }
0x1c1: {  	[tilespmem:s16], [sflag:$0x3] =	stream.indirect_vreg.gather [hbm4b:s2+s3], $0x80, v3, vm0, $0xb8;
	[tilespmem:$0x18180] =	vst v63  }
0x1c2: {  	s16 =	simm.s32 $0x16980  }
0x1c3: {  	[tilespmem:s16], [sflag:$0x3] =	stream.indirect_vreg.gather [hbm4b:s4+s3], $0x80, v3, vm0, $0xb8;
	[tilespmem:$0x18180] =	vst v63  }
0x1c4: {  	s16 =	simm.s32 $0x17180  }
0x1c5: {  	[tilespmem:s16], [sflag:$0x3] =	stream.indirect_vreg.gather [hbm4b:s5+s3], $0x80, v3, vm0, $0xb8;
	[tilespmem:$0x18180] =	vst v63  }
0x1c6: {  	s16 =	simm.s32 $0x17980  }
0x1c7: {  	[tilespmem:s16], [sflag:$0x3] =	stream.indirect_vreg.gather [hbm4b:s6+s3], $0x80, v3, vm0, $0xb8;
	[tilespmem:$0x18180] =	vst v63  }
0x1c8: {  	_ =	swait.ge [sflag:s10], $0x8000  }
0x1c9: {  	[sflag:s10] =	ssyncset.done $0x0  }
0x1ca: {  	s1 =	rddreg [dreg:$0xa];
	[sflag:s10] =	ssyncadd.s32 $0xFFFF8000  }
0x1cb: {  	[hbm4b:s1+s3] =	stream.linear.scatter [tilespmem:s25], [sflag:$0x4], $0x8000, $0x38;
	[tilespmem:$0x18180] =	vst v63  }
0x1cc: {  	_ =	swait.ge [sflag:s12], $0x8000  }
0x1cd: {  	[sflag:s12] =	ssyncset.done $0x0  }
0x1ce: {  	s1 =	rddreg [dreg:$0xb];
	[sflag:s12] =	ssyncadd.s32 $0xFFFF8000  }
0x1cf: {  	[hbm4b:s1+s3] =	stream.linear.scatter [tilespmem:s17], [sflag:$0x5], $0x8000, $0x38;
	[tilespmem:$0x18180] =	vst v63  }
0x1d0: {  	_ =	swait.ge [sflag:s14], $0x8000  }
0x1d1: {  	[sflag:s14] =	ssyncset.done $0x0  }
0x1d2: {  	s1 =	rddreg [dreg:$0xc];
	[sflag:s14] =	ssyncadd.s32 $0xFFFF8000  }
0x1d3: {  	[hbm4b:s1+s3] =	stream.linear.scatter [tilespmem:s0], [sflag:$0x6], $0x8000, $0x38;
	[tilespmem:$0x18180] =	vst v63  }
0x1d4: {  	_ =	swait.ge [sflag:s11], $0x8000  }
0x1d5: {  	[sflag:s11] =	ssyncset.done $0x0  }
0x1d6: {  	[sflag:s11] =	ssyncadd.s32 $0xFFFF8000  }
0x1d7: {  	p0 =	sne.s32 s7, $0x1;
	_ =	swait.ge [sflag:s13], $0x8000  }
.Ltmp0:
0x1d8: {  	[sflag:s13] =	ssyncset.done $0x0;
	(pc) =	sbr.rel @p0 .LBB2_1-.Ltmp0, $4  }
0x1d9: {  	[sflag:s13] =	ssyncadd.s32 $0xFFFF8000  }
0x1da: {  	_ =	swait.ge [sflag:s15], $0x8000  }
0x1db: {  	[sflag:s15] =	ssyncset.done $0x0  }
0x1dc: {  	s7 =	sadd.s32 $0xFFFFFFFF, s7;
	[sflag:s15] =	ssyncadd.s32 $0xFFFF8000  }
0x1dd: {  	_ =	sfence.sel $0x180000  }
0x1de: {  	[bflag:$0x0] =	sbarrier.arrive $0xFFFF  }
0x1df: {  	_ =	strace $0x9000004A  }
0x1e0: {  	s0 =	stileid.u32;
	[bflag:$0x2] =	sbarrier.arrive $0xFFFF  }
0x1e1: {  	p0 =	sne.s32 s0, $0x0;
	s0 =	rddreg [dreg:$0x2]  }
0x1e2: {  	s0 =	sadd.s32 @!p0 $0x100000, s0  }
0x1e3: {  	[sflag:s0] =	ssyncadd.tile.s32 @!p0 $0x1;
	_ =	shalt  }
.Lfunc_end2:
_tile_overlayer_lowered:
.L_overlay_start_2:
0x1e4: {  	(tag) =	ssettag $0x2  }
0x1e5: {  	s0 =	rddreg [dreg:$0x0];
	s2 =	stileid.u32  }
0x1e6: {  	s1 =	rddreg [dreg:$0x1];
	p0 =	sne.s32 s2, $0x0  }
0x1e7: {  	s3 =	rddreg [dreg:$0x2];
	[bflag:$0x3] =	sbarrier.arrive $0xFFFF;
	s2 =	simm.s32 @!p0 $0x1C07  }
0x1e8: {  	[timem:s3], [sflag:s2] =	dma.local @!p0 [hbm:s0], s1  }
0x1e9: {  	s0 =	simm.s32 @!p0 $0x7  }
0x1ea: {  	_ =	swait.ge @!p0 [sflag:s0], s1  }
0x1eb: {  	s1 =	ssub.s32 @!p0 $0x0, s1;
	[sflag:s0] =	ssyncset.done @!p0 $0x0  }
0x1ec: {  	[sflag:s0] =	ssyncadd.s32 @!p0 s1  }
0x1ed: {  	[bflag:$0x3] =	sbarrier.arrive $0xFFFF  }
0x1ee: {  	_ =	shalt  }

// kernel: kernel.14.cloned.1.call-start
scs
__scs_entry_jumppad:
0x0: {  	(pc) =	sbr.rel $0x88, $3  }
0x1: {  	(tag) =	ssettag $0x0;
	lr =	simm.s32 $0x1  }
0x2: {  	[smem:$0x3F9C] =	sst lr;
	_ =	strace $0xD0000000  }
0x3: {  	_ = 	snop  }
0x4: {  	_ = 	snop  }
0x5: {  	_ = 	snop  }
0x6: {  	_ = 	snop  }
0x7: {  	_ = 	snop  }
__scs_overlays_trampoline_lowered:
0x8: {  	[smem:$0x3FAB] =	sst s0  }
0x9: {  	[smem:$0x3FAC] =	sst s1  }
0xa: {  	[smem:$0x3FAD] =	sst s2  }
0xb: {  	[smem:$0x3FAE] =	sst s3  }
0xc: {  	[smem:$0x3FAF] =	sst s4  }
0xd: {  	[smem:$0x3FB0] =	sst s5  }
0xe: {  	[smem:$0x3FB1] =	sst s6  }
0xf: {  	[smem:$0x3FB2] =	sst s7  }
0x10: {  	[smem:$0x3FB3] =	sst s8  }
0x11: {  	[smem:$0x3FB4] =	sst s9;
	s0 =	simm.s32 @!p0 $0x0  }
0x12: {  	s1 =	sld [smem:$0x3F9A];
	s0 =	simm.s32 @p0 $0x1  }
0x13: {  	[smem:$0x3FB5] =	sst s0;
	s0 =	simm.s32 @!p1 $0x0  }
0x14: {  	s2 =	sld [smem:$0x3F99];
	s0 =	simm.s32 @p1 $0x1  }
0x15: {  	[smem:$0x3FB6] =	sst s0;
	s0 =	simm.s32 @!p2 $0x0  }
0x16: {  	s3 =	sld [smem:$0x3FDB];
	s0 =	simm.s32 @p2 $0x1  }
0x17: {  	s4 =	simm.s32 $0x1BF5;
	[smem:$0x3FB8] =	sst s0  }
0x18: {  	s0 =	sld [smem:$0x3F9B];
	_ =	swait.ge [sflag:s4], $0x0  }
0x19: {  	s7 =	sld [smem:$0x3F9C]  }
0x1a: {  	s8 =	sadd.s32 $0xFFFFE003, lr  }
0x1b: {  	s9 =	sadd.s32 $0xFFFFFEF7, lr;
	s5 =	simm.s32 $0xFFFFFFFF;
	p2 =	slt.u32 s8, $0xFFFFF086  }
0x1c: {  	p1 =	slt.u32 s9, $0xF7A;
	s5 =	simm.s32 @!p2 $0x0  }
0x1d: {  	s5 =	simm.s32 @p1 $0x1;
	p0 =	seq.s32 s7, s2  }
0x1e: {  	s7 =	smul.u32 @!p0 $0xF7A, s2;
	p2 =	seq.s32 @!p0 s5, $0x0  }
0x1f: {  	s9 =	smul.u32 $0xF7A, s1;
	s8 =	simm.s32 @!p0 $0x1BF5;
	p2 =	por !p2, p0  }
0x20: {  	[sflag:s8] =	ssyncset.s32 @!p0 $0xFFFFF086;
	s6 =	sadd.s32 @!p0 s3, s7;
	s7 =	simm.s32 @!p0 $0x108  }
0x21: {  	s3 =	sadd.s32 s3, s9;
	s6 =	sadd.s32 @!p0 $0x88, s6;
	s7 =	simm.s32 @p2 $0x1082  }
0x22: {  	[simem:s7], [sflag:s8] =	dma.local @!p0 [hbm:s6], $0xF7A  }
0x23: {  	s9 =	sor.u32 $0xD0000000, s2;
	s6 =	simm.s32 $0x108;
	_ =	swait.ge @!p0 [sflag:s8], $0x0  }
0x24: {  	s3 =	sadd.s32 $0x88, s3;
	s6 =	simm.s32 @!p1 $0x1082;
	[sflag:s4] =	ssyncset.s32 $0xFFFFF086  }
0x25: {  	[simem:s6], [sflag:s4] =	dma.local [hbm:s3], $0xF7A  }
0x26: {  	[smem:$0x3F9C] =	sst s1;
	(tag) =	ssettag s2;
	_ =	strace s9  }
0x27: {  	s1 =	sld [smem:$0x3FAC]  }
0x28: {  	s2 =	sld [smem:$0x3FAD]  }
0x29: {  	s4 =	sld [smem:$0x3FAF]  }
0x2a: {  	p0 =	seq.s32 s5, $0x0;
	s5 =	sld [smem:$0x3FB0]  }
0x2b: {  	s6 =	sld [smem:$0x3FB1]  }
0x2c: {  	s7 =	sld [smem:$0x3FB2]  }
0x2d: {  	s3 =	simm.s32 $0x108;
	s8 =	sld [smem:$0x3FB3]  }
0x2e: {  	s3 =	simm.s32 @!p0 $0x1082;
	s9 =	sld [smem:$0x3FB4]  }
0x2f: {  	lr =	sadd.s32 s0, s3;
	s0 =	sld [smem:$0x3FAB]  }
0x30: {  	s3 =	sld [smem:$0x3FAE]  }
0x31: {  	[smem:$0x3FB7] =	sst s10  }
0x32: {  	s10 =	sld [smem:$0x3FB5];
	_ =	sdelay $0x3  }
0x33: {  	p0 =	seq.s32 s10, $0x1;
	s10 =	sld [smem:$0x3FB7];
	_ =	sdelay $0x3  }
0x34: {  	[smem:$0x3FB7] =	sst s10  }
0x35: {  	s10 =	sld [smem:$0x3FB6];
	_ =	sdelay $0x3  }
0x36: {  	p1 =	seq.s32 s10, $0x1;
	s10 =	sld [smem:$0x3FB7];
	_ =	sdelay $0x3  }
0x37: {  	[smem:$0x3FB7] =	sst s10  }
0x38: {  	s10 =	sld [smem:$0x3FB8]  }
0x39: {  	_ = 	snop;
	(pc) =	sbr.ind lr, $3  }
0x3a: {  	_ = 	snop  }
0x3b: {  	_ = 	snop  }
0x3c: {  	p2 =	seq.s32 s10, $0x1;
	s10 =	sld [smem:$0x3FB7]  }
0x3d: {  	_ =	shalt  }
0x3e: {  	_ =	shalt  }
0x3f: {  	_ =	shalt  }
0x40: {  	_ =	shalt  }
0x41: {  	_ =	shalt  }
0x42: {  	_ =	shalt  }
0x43: {  	_ =	shalt  }
0x44: {  	_ =	shalt  }
0x45: {  	_ =	shalt  }
0x46: {  	_ =	shalt  }
0x47: {  	_ =	shalt  }
0x48: {  	_ =	shalt  }
0x49: {  	_ =	shalt  }
0x4a: {  	_ =	shalt  }
0x4b: {  	_ =	shalt  }
0x4c: {  	_ =	shalt  }
0x4d: {  	_ =	shalt  }
0x4e: {  	_ =	shalt  }
0x4f: {  	_ =	shalt  }
0x50: {  	_ =	shalt  }
0x51: {  	_ =	shalt  }
0x52: {  	_ =	shalt  }
0x53: {  	_ =	shalt  }
0x54: {  	_ =	shalt  }
0x55: {  	_ =	shalt  }
0x56: {  	_ =	shalt  }
0x57: {  	_ =	shalt  }
0x58: {  	_ =	shalt  }
0x59: {  	_ =	shalt  }
0x5a: {  	_ =	shalt  }
0x5b: {  	_ =	shalt  }
0x5c: {  	_ =	shalt  }
0x5d: {  	_ =	shalt  }
0x5e: {  	_ =	shalt  }
0x5f: {  	_ =	shalt  }
0x60: {  	_ =	shalt  }
0x61: {  	_ =	shalt  }
0x62: {  	_ =	shalt  }
0x63: {  	_ =	shalt  }
0x64: {  	_ =	shalt  }
0x65: {  	_ =	shalt  }
0x66: {  	_ =	shalt  }
0x67: {  	_ =	shalt  }
0x68: {  	_ =	shalt  }
0x69: {  	_ =	shalt  }
0x6a: {  	_ =	shalt  }
0x6b: {  	_ =	shalt  }
0x6c: {  	_ =	shalt  }
0x6d: {  	_ =	shalt  }
0x6e: {  	_ =	shalt  }
0x6f: {  	_ =	shalt  }
0x70: {  	_ =	shalt  }
0x71: {  	_ =	shalt  }
0x72: {  	_ =	shalt  }
0x73: {  	_ =	shalt  }
0x74: {  	_ =	shalt  }
0x75: {  	_ =	shalt  }
0x76: {  	_ =	shalt  }
0x77: {  	_ =	shalt  }
0x78: {  	_ =	shalt  }
0x79: {  	_ =	shalt  }
0x7a: {  	_ =	shalt  }
0x7b: {  	_ =	shalt  }
0x7c: {  	_ =	shalt  }
0x7d: {  	_ =	shalt  }
0x7e: {  	_ =	shalt  }
0x7f: {  	_ =	shalt  }
0x80: {  	_ =	shalt  }
0x81: {  	_ =	shalt  }
0x82: {  	_ =	shalt  }
0x83: {  	_ =	shalt  }
0x84: {  	_ =	shalt  }
0x85: {  	_ =	shalt  }
0x86: {  	_ =	shalt  }
0x87: {  	_ =	shalt  }
.Lfunc_end0:
.L_simem_size_0:
called_computation.2_lowered:
.L_overlay_start_0:
0x88: {  	s2 =	sld [smem:$0x3FD9]  }
0x89: {  	s3 =	sld [smem:$0x3FFE];
	_ =	sdelay $0x1  }
0x8a: {  	s1 =	srdreg.scid  }
0x8b: {  	s0 =	sand.u32 $0x1, s1  }
0x8c: {  	s16 =	sshll.u32 s0, $0xA;
	s2 =	sadd.s32 s3, s2  }
0x8d: {  	s2 =	sadd.s32 s2, s16  }
0x8e: {  	[smem:$0x3FC3] =	sst s2  }
0x8f: {  	_ = 	snop  }
0x90: {  	(tm) =	ssettm $0x1  }
0x91: {  	s17 =	sld [smem:$0x3FFB];
	_ =	sdelay $0x3  }
0x92: {  	_ =	strace s17  }
0x93: {  	s2 =	sld [smem:$0x3FFC];
	_ =	sdelay $0x3  }
0x94: {  	_ =	strace s2  }
0x95: {  	s2 =	sld [smem:$0x3FFD];
	_ =	sdelay $0x3  }
0x96: {  	_ =	strace s2  }
0x97: {  	_ =	strace $0x8FFFFFFF  }
0x98: {  	s18 =	sld [smem:$0x3FDB];
	_ =	sdelay $0x1  }
0x99: {  	s19 =	simm.s32 $_scs_section_size  }
0x9a: {  	s4 =	simm.s32 $_size__tile_overlayer_lowered;
	s5 =	simm.s32 $_tile_overlayer_lowered  }
0x9b: {  	s22 =	simm.s32 $0x1BFF;
	s21 =	sshll.u32 s5, $0x1;
	s2 =	sadd.s32 s19, s18  }
0x9c: {  	s6 =	simm.s32 $0x0;
	s20 =	sshll.u32 s4, $0x1;
	s4 =	sadd.s32 s21, s2  }
0x9d: {  	[timem:s6], [sflag:s22] =	dma.local [hbm:s4], s20  }
0x9e: {  	_ =	swait.ge [sflag:s22], s20  }
0x9f: {  	s3 =	ssub.s32 $0x0, s20;
	[sflag:s22] =	ssyncset.done $0x0  }
0xa0: {  	[sflag:s22] =	ssyncadd.s32 s3;
	_ =	sdelay $0x1  }
0xa1: {  	s23 =	simm.s32 $0x1B8B  }
0xa2: {  	_ =	swait.ge [sflag:s23], $0x1  }
0xa3: {  	[sflag:s23] =	ssyncset.done $0x0  }
0xa4: {  	s25 =	simm.s32 $0x1B8E;
	s24 =	sld [smem:$0x3FFE];
	[sflag:s23] =	ssyncadd.s32 $0xFFFFFFFF  }
0xa5: {  	s26 =	simm.s32 $execute0_lowered;
	[smem:$0x3FD2] =	sst s25  }
0xa6: {  	s4 =	sshll.u32 s26, $0x1;
	_ =	strace $0x8000004C;
	[dreg:$0x1] =	wrdreg $0xFFFFFFFF  }
0xa7: {  	s28 =	simm.s32 $_size_execute0_lowered;
	s2 =	sadd.s32 s2, s4;
	[dreg:$0x0] =	wrdreg $0x0  }
0xa8: {  	s4 =	sshll.u32 s28, $0x1;
	[dreg:$0x2] =	wrdreg s2  }
0xa9: {  	[dreg:$0x3] =	wrdreg s4  }
0xaa: {  	[dreg:$0x4] =	wrdreg $0xC0  }
0xab: {  	_ =	task [dreg:s6], $0x5FFFF  }
0xac: {  	[dreg:$0x1] =	wrdreg $0xFFFFFFFF  }
0xad: {  	[dreg:$0x0] =	wrdreg $0x60  }
0xae: {  	[dreg:$0x2] =	wrdreg s24  }
0xaf: {  	[dreg:$0x3] =	wrdreg $0x9  }
0xb0: {  	_ =	task.clear_ibuf [dreg:s6], $0x4FFFF;
	_ =	strace $0x9000004C  }
0xb1: {  	s29 =	simm.s32 $0x9;
	_ =	strace $0x8000004E  }
0xb2: {  	_ =	swait.ge [sflag:s29], $0x1  }
0xb3: {  	[sflag:s29] =	ssyncadd.s32 $0xFFFFFFFF  }
0xb4: {  	_ =	strace $0x9000004E  }
0xb5: {  	_ =	sfence  }
0xb6: {  	s30 =	sld [smem:$0x0];
	_ =	sdelay $0x2  }
0xb7: {  	s31 =	sshll.u32 s1, $0xD;
	s1 =	sshrl.u32 s1, $0x2  }
0xb8: {  	s3 =	sand.u32 $0x4000, s31;
	s1 =	sadd.s32 s1, s30  }
0xb9: {  	s0 =	sor.u32 s3, s0;
	s1 =	sshll.u32 s1, $0x11  }
0xba: {  	s0 =	sor.u32 s1, s0  }
0xbb: {  	s0 =	sadd.s32 $0x8F2B, s0  }
0xbc: {  	[sflag:s0] =	ssyncadd.remote.s32 $0x1  }
0xbd: {  	_ =	sfence.sel $0xFFFF  }
0xbe: {  	[dreg:$0x0] =	wrdreg $0xFFFFFFFF;
	(pc) =	sbr.abs _section_cstart, $3  }
0xbf: {  	[dreg:$0x1] =	wrdreg $0xFFFFFFFF  }
0xc0: {  	_ =	task.clear_ibuf [dreg:s6], $0x2FFFF;
	_ =	strace $0x9FFFFFFF  }
0xc1: {  	(tm) =	ssettm $0x7FFFFFFF  }
tec
execute0_lowered:
.L_overlay_start_1:
0x0: {  	(tag) =	ssettag $0x1  }
0x1: {  	s0 =	srdreg.scid  }
0x2: {  	s1 =	stileid.u32;
	s6 =	rddreg [dreg:$0x0];
	s18 =	simm.s32 $0x1  }
0x3: {  	s19 =	simm.s32 $0x4;
	s20 =	simm.s32 $0x2;
	s21 =	simm.s32 $0x5  }
0x4: {  	s31 =	simm.s32 $0x3;
	s9 =	simm.s32 $0x11900;
	s10 =	simm.s32 $0x12100  }
0x5: {  	s11 =	simm.s32 $0x12900;
	s12 =	simm.s32 $0x13100;
	s13 =	simm.s32 $0x13900  }
0x6: {  	s14 =	simm.s32 $0x14100;
	s15 =	simm.s32 $0x14900;
	s0 =	sand.u32 $0x1, s0  }
0x7: {  	s16 =	simm.s32 $0x15100;
	s1 =	sshll.u32 s1, $0x9;
	s2 =	sshll.u32 s0, $0x8  }
0x8: {  	s17 =	simm.s32 $0x15900;
	s28 =	simm.s32 $0x16900;
	s1 =	sor.u32 s2, s1  }
0x9: {  	s29 =	simm.s32 $0x17100;
	s30 =	simm.s32 $0x17900;
	s3 =	sshrl.u32 s1, $0x3  }
0xa: {  	s2 =	simm.s32 $0x0;
	s1 =	sshll.u32 s1, $0x7;
	s3 =	sadd.s32 s3, s6  }
0xb: {  	[smem:$0x7FF] =	sst s2;
	s1 =	sadd.s32 s1, s6;
	s3 =	sadd.s32 $0x12000, s3  }
0xc: {  	_ =	strace $0x8000004D;
	s4 =	sadd.s32 $0x12400, s1;
	[dreg:$0x2] =	wrdreg s3  }
0xd: {  	s0 =	ssub.s32 $0x2, s0;
	s22 =	sadd.s32 $0x13400, s1;
	[dreg:$0x3] =	wrdreg s4  }
0xe: {  	s5 =	sshrl.u32 s0, $0x1;
	s23 =	sadd.s32 $0x14400, s1;
	[dreg:$0x4] =	wrdreg s22  }
0xf: {  	s0 =	ssub.s32 s0, s5;
	s24 =	sadd.s32 $0x15400, s1;
	[dreg:$0x5] =	wrdreg s23  }
0x10: {  	s5 =	sadd.s32 $0x133600, s6;
	s25 =	sadd.s32 $0x16400, s1;
	[dreg:$0x6] =	wrdreg s24  }
0x11: {  	s7 =	sadd.s32 $0x17400, s1;
	s26 =	sadd.s32 $0x18400, s1;
	[dreg:$0x7] =	wrdreg s25  }
0x12: {  	s1 =	sadd.s32 $0x19400, s1;
	s3 =	sadd.s32 $0x133400, s6;
	[dreg:$0x8] =	wrdreg s7  }
0x13: {  	v2 =	vlaneseq.u32;
	s4 =	sadd.s32 $0x133500, s6;
	s6 =	sadd.s32 $0x133700, s6;
	[dreg:$0x9] =	wrdreg s26  }
0x14: {  	vm0 =	vmmov $0xffff;
	v1 =	vshrl.u32 v2, $0x3;
	[dreg:$0xa] =	wrdreg s1;
	s7 =	smax.u32 s0, $0x1;
	s23 =	simm.s32 $0x6  }
0x15: {  	v0 =	vand.u32 $0x7, v2;
	v2 =	vor.u32 $0x8, v2;
	v1 =	vmul.u32 $0x8, v1;
	s25 =	simm.s32 $0x100;
	s22 =	simm.s32 $0x10900;
	s26 =	simm.s32 $0x16100  }
.LBB2_1:
0x16: {  	s24 =	rddreg [dreg:$0x2];
	s8 =	simm.s32 $0x7  }
0x17: {  	[tilespmem:s2], [sflag:$0x7] =	stream.linear.gather [hbm4b:s24+s2], $0x100, $0x38;
	[tilespmem:$0x18100] =	vst v63  }
0x18: {  	_ =	swait.ge [sflag:s8], $0x100  }
0x19: {  	[sflag:s8] =	ssyncset.done $0x0  }
0x1a: {  	[sflag:s8] =	ssyncadd.s32 $0xFFFFFF00  }
0x1b: {  	v3 =	vld [tilespmem:$0x0];
	_ =	sdelay $0x4  }
0x1c: {  	v4 =	vshll.u32 v3, $0x3  }
0x1d: {  	v3 =	vand.u32 $0x7, v3;
	v4 =	vand.u32 $0xFFFFFFC0, v4  }
0x1e: {  	v3 =	vor.u32 v3, v4  }
0x1f: {  	v4 =	vperm.xlane v3, v0;
	_ =	sdelay $0x1  }
0x20: {  	v4 =	vadd.s32 v1, v4;
	_ =	sdelay $0x4  }
0x21: {  	[tilespmem:s25], [sflag:$0x1] =	stream.indirect_vreg.gather [hbm4b:s3+s2], $0x80, v4, vm0, $0xb8;
	[tilespmem:$0x18100] =	vst v63  }
0x22: {  	s0 =	simm.s32 $0x900;
	v3 =	vperm.xlane v3, v2  }
0x23: {  	[tilespmem:s0], [sflag:$0x1] =	stream.indirect_vreg.gather [hbm4b:s4+s2], $0x80, v4, vm0, $0xb8;
	[tilespmem:$0x18100] =	vst v63  }
0x24: {  	s24 =	simm.s32 $0x1100;
	v3 =	vadd.s32 v1, v3  }
0x25: {  	[tilespmem:s24], [sflag:$0x1] =	stream.indirect_vreg.gather [hbm4b:s5+s2], $0x80, v4, vm0, $0xb8;
	[tilespmem:$0x18100] =	vst v63  }
0x26: {  	s1 =	simm.s32 $0x1900  }
0x27: {  	[tilespmem:s1], [sflag:$0x1] =	stream.indirect_vreg.gather [hbm4b:s6+s2], $0x80, v4, vm0, $0xb8;
	[tilespmem:$0x18100] =	vst v63  }
0x28: {  	s8 =	simm.s32 $0x2100  }
0x29: {  	[tilespmem:s8], [sflag:$0x1] =	stream.indirect_vreg.gather [hbm4b:s3+s2], $0x80, v3, vm0, $0xb8;
	[tilespmem:$0x18100] =	vst v63  }
0x2a: {  	s24 =	simm.s32 $0x2900  }
0x2b: {  	[tilespmem:s24], [sflag:$0x1] =	stream.indirect_vreg.gather [hbm4b:s4+s2], $0x80, v3, vm0, $0xb8;
	[tilespmem:$0x18100] =	vst v63  }
0x2c: {  	s1 =	simm.s32 $0x3100  }
0x2d: {  	[tilespmem:s1], [sflag:$0x1] =	stream.indirect_vreg.gather [hbm4b:s5+s2], $0x80, v3, vm0, $0xb8;
	[tilespmem:$0x18100] =	vst v63  }
0x2e: {  	s8 =	simm.s32 $0x3900  }
0x2f: {  	[tilespmem:s8], [sflag:$0x1] =	stream.indirect_vreg.gather [hbm4b:s6+s2], $0x80, v3, vm0, $0xb8;
	[tilespmem:$0x18100] =	vst v63  }
0x30: {  	v3 =	vld [tilespmem:$0x10];
	_ =	sdelay $0x4  }
0x31: {  	v49 =	vshll.u32 v3, $0x3  }
0x32: {  	v3 =	vand.u32 $0x7, v3;
	v4 =	vand.u32 $0xFFFFFFC0, v49  }
0x33: {  	v3 =	vor.u32 v3, v4  }
0x34: {  	v4 =	vperm.xlane v3, v0;
	_ =	sdelay $0x1  }
0x35: {  	v4 =	vadd.s32 v1, v4;
	_ =	sdelay $0x3  }
0x36: {  	s24 =	simm.s32 $0x4100  }
0x37: {  	[tilespmem:s24], [sflag:$0x1] =	stream.indirect_vreg.gather [hbm4b:s3+s2], $0x80, v4, vm0, $0xb8;
	[tilespmem:$0x18100] =	vst v63  }
0x38: {  	s1 =	simm.s32 $0x4900;
	v3 =	vperm.xlane v3, v2  }
0x39: {  	[tilespmem:s1], [sflag:$0x1] =	stream.indirect_vreg.gather [hbm4b:s4+s2], $0x80, v4, vm0, $0xb8;
	[tilespmem:$0x18100] =	vst v63  }
0x3a: {  	s8 =	simm.s32 $0x5100;
	v3 =	vadd.s32 v1, v3  }
0x3b: {  	[tilespmem:s8], [sflag:$0x1] =	stream.indirect_vreg.gather [hbm4b:s5+s2], $0x80, v4, vm0, $0xb8;
	[tilespmem:$0x18100] =	vst v63  }
0x3c: {  	s24 =	simm.s32 $0x5900  }
0x3d: {  	[tilespmem:s24], [sflag:$0x1] =	stream.indirect_vreg.gather [hbm4b:s6+s2], $0x80, v4, vm0, $0xb8;
	[tilespmem:$0x18100] =	vst v63  }
0x3e: {  	s1 =	simm.s32 $0x6100  }
0x3f: {  	[tilespmem:s1], [sflag:$0x1] =	stream.indirect_vreg.gather [hbm4b:s3+s2], $0x80, v3, vm0, $0xb8;
	[tilespmem:$0x18100] =	vst v63  }
0x40: {  	s8 =	simm.s32 $0x6900  }
0x41: {  	[tilespmem:s8], [sflag:$0x1] =	stream.indirect_vreg.gather [hbm4b:s4+s2], $0x80, v3, vm0, $0xb8;
	[tilespmem:$0x18100] =	vst v63  }
0x42: {  	s24 =	simm.s32 $0x7100  }
0x43: {  	[tilespmem:s24], [sflag:$0x1] =	stream.indirect_vreg.gather [hbm4b:s5+s2], $0x80, v3, vm0, $0xb8;
	[tilespmem:$0x18100] =	vst v63  }
0x44: {  	s1 =	simm.s32 $0x7900  }
0x45: {  	[tilespmem:s1], [sflag:$0x1] =	stream.indirect_vreg.gather [hbm4b:s6+s2], $0x80, v3, vm0, $0xb8;
	[tilespmem:$0x18100] =	vst v63  }
0x46: {  	v3 =	vld [tilespmem:$0x20];
	_ =	sdelay $0x4  }
0x47: {  	v50 =	vshll.u32 v3, $0x3  }
0x48: {  	v3 =	vand.u32 $0x7, v3;
	v4 =	vand.u32 $0xFFFFFFC0, v50  }
0x49: {  	v3 =	vor.u32 v3, v4  }
0x4a: {  	v4 =	vperm.xlane v3, v0;
	_ =	sdelay $0x1  }
0x4b: {  	v4 =	vadd.s32 v1, v4;
	_ =	sdelay $0x3  }
0x4c: {  	s0 =	simm.s32 $0x8100  }
0x4d: {  	[tilespmem:s0], [sflag:$0x2] =	stream.indirect_vreg.gather [hbm4b:s3+s2], $0x80, v4, vm0, $0xb8;
	[tilespmem:$0x18100] =	vst v63  }
0x4e: {  	s1 =	simm.s32 $0x8900;
	v3 =	vperm.xlane v3, v2  }
0x4f: {  	[tilespmem:s1], [sflag:$0x2] =	stream.indirect_vreg.gather [hbm4b:s4+s2], $0x80, v4, vm0, $0xb8;
	[tilespmem:$0x18100] =	vst v63  }
0x50: {  	s8 =	simm.s32 $0x9100;
	v3 =	vadd.s32 v1, v3  }
0x51: {  	[tilespmem:s8], [sflag:$0x2] =	stream.indirect_vreg.gather [hbm4b:s5+s2], $0x80, v4, vm0, $0xb8;
	[tilespmem:$0x18100] =	vst v63  }
0x52: {  	s24 =	simm.s32 $0x9900  }
0x53: {  	[tilespmem:s24], [sflag:$0x2] =	stream.indirect_vreg.gather [hbm4b:s6+s2], $0x80, v4, vm0, $0xb8;
	[tilespmem:$0x18100] =	vst v63  }
0x54: {  	s8 =	simm.s32 $0xA100  }
0x55: {  	[tilespmem:s8], [sflag:$0x2] =	stream.indirect_vreg.gather [hbm4b:s3+s2], $0x80, v3, vm0, $0xb8;
	[tilespmem:$0x18100] =	vst v63  }
0x56: {  	s24 =	simm.s32 $0xA900  }
0x57: {  	[tilespmem:s24], [sflag:$0x2] =	stream.indirect_vreg.gather [hbm4b:s4+s2], $0x80, v3, vm0, $0xb8;
	[tilespmem:$0x18100] =	vst v63  }
0x58: {  	s8 =	simm.s32 $0xB100  }
0x59: {  	[tilespmem:s8], [sflag:$0x2] =	stream.indirect_vreg.gather [hbm4b:s5+s2], $0x80, v3, vm0, $0xb8;
	[tilespmem:$0x18100] =	vst v63  }
0x5a: {  	s24 =	simm.s32 $0xB900  }
0x5b: {  	[tilespmem:s24], [sflag:$0x2] =	stream.indirect_vreg.gather [hbm4b:s6+s2], $0x80, v3, vm0, $0xb8;
	[tilespmem:$0x18100] =	vst v63  }
0x5c: {  	v3 =	vld [tilespmem:$0x30];
	_ =	sdelay $0x4  }
0x5d: {  	v51 =	vshll.u32 v3, $0x3  }
0x5e: {  	v3 =	vand.u32 $0x7, v3;
	v4 =	vand.u32 $0xFFFFFFC0, v51  }
0x5f: {  	v3 =	vor.u32 v3, v4  }
0x60: {  	v4 =	vperm.xlane v3, v0;
	_ =	sdelay $0x1  }
0x61: {  	v4 =	vadd.s32 v1, v4;
	_ =	sdelay $0x3  }
0x62: {  	s8 =	simm.s32 $0xC100  }
0x63: {  	[tilespmem:s8], [sflag:$0x2] =	stream.indirect_vreg.gather [hbm4b:s3+s2], $0x80, v4, vm0, $0xb8;
	[tilespmem:$0x18100] =	vst v63  }
0x64: {  	s24 =	simm.s32 $0xC900;
	v3 =	vperm.xlane v3, v2  }
0x65: {  	[tilespmem:s24], [sflag:$0x2] =	stream.indirect_vreg.gather [hbm4b:s4+s2], $0x80, v4, vm0, $0xb8;
	[tilespmem:$0x18100] =	vst v63  }
0x66: {  	v3 =	vadd.s32 v1, v3;
	s8 =	simm.s32 $0xD100  }
0x67: {  	[tilespmem:s8], [sflag:$0x2] =	stream.indirect_vreg.gather [hbm4b:s5+s2], $0x80, v4, vm0, $0xb8;
	[tilespmem:$0x18100] =	vst v63  }
0x68: {  	s24 =	simm.s32 $0xD900  }
0x69: {  	[tilespmem:s24], [sflag:$0x2] =	stream.indirect_vreg.gather [hbm4b:s6+s2], $0x80, v4, vm0, $0xb8;
	[tilespmem:$0x18100] =	vst v63  }
0x6a: {  	s8 =	simm.s32 $0xE100  }
0x6b: {  	[tilespmem:s8], [sflag:$0x2] =	stream.indirect_vreg.gather [hbm4b:s3+s2], $0x80, v3, vm0, $0xb8;
	[tilespmem:$0x18100] =	vst v63  }
0x6c: {  	s24 =	simm.s32 $0xE900  }
0x6d: {  	[tilespmem:s24], [sflag:$0x2] =	stream.indirect_vreg.gather [hbm4b:s4+s2], $0x80, v3, vm0, $0xb8;
	[tilespmem:$0x18100] =	vst v63  }
0x6e: {  	s8 =	simm.s32 $0xF100  }
0x6f: {  	[tilespmem:s8], [sflag:$0x2] =	stream.indirect_vreg.gather [hbm4b:s5+s2], $0x80, v3, vm0, $0xb8;
	[tilespmem:$0x18100] =	vst v63  }
0x70: {  	s24 =	simm.s32 $0xF900  }
0x71: {  	[tilespmem:s24], [sflag:$0x2] =	stream.indirect_vreg.gather [hbm4b:s6+s2], $0x80, v3, vm0, $0xb8;
	[tilespmem:$0x18100] =	vst v63  }
0x72: {  	v3 =	vld [tilespmem:$0x40];
	_ =	sdelay $0x4  }
0x73: {  	v52 =	vshll.u32 v3, $0x3  }
0x74: {  	v3 =	vand.u32 $0x7, v3;
	v4 =	vand.u32 $0xFFFFFFC0, v52  }
0x75: {  	v3 =	vor.u32 v3, v4  }
0x76: {  	v4 =	vperm.xlane v3, v0;
	_ =	sdelay $0x1  }
0x77: {  	v4 =	vadd.s32 v1, v4;
	_ =	sdelay $0x3  }
0x78: {  	s1 =	simm.s32 $0x10100  }
0x79: {  	[tilespmem:s1], [sflag:$0x3] =	stream.indirect_vreg.gather [hbm4b:s3+s2], $0x80, v4, vm0, $0xb8;
	[tilespmem:$0x18100] =	vst v63  }
0x7a: {  	v3 =	vperm.xlane v3, v2  }
0x7b: {  	[tilespmem:s22], [sflag:$0x3] =	stream.indirect_vreg.gather [hbm4b:s4+s2], $0x80, v4, vm0, $0xb8;
	[tilespmem:$0x18100] =	vst v63  }
0x7c: {  	s8 =	simm.s32 $0x11100;
	v3 =	vadd.s32 v1, v3  }
0x7d: {  	[tilespmem:s8], [sflag:$0x3] =	stream.indirect_vreg.gather [hbm4b:s5+s2], $0x80, v4, vm0, $0xb8;
	[tilespmem:$0x18100] =	vst v63  }
0x7e: {  	_ = 	snop  }
0x7f: {  	[tilespmem:s9], [sflag:$0x3] =	stream.indirect_vreg.gather [hbm4b:s6+s2], $0x80, v4, vm0, $0xb8;
	[tilespmem:$0x18100] =	vst v63  }
0x80: {  	_ = 	snop  }
0x81: {  	[tilespmem:s10], [sflag:$0x3] =	stream.indirect_vreg.gather [hbm4b:s3+s2], $0x80, v3, vm0, $0xb8;
	[tilespmem:$0x18100] =	vst v63  }
0x82: {  	_ = 	snop  }
0x83: {  	[tilespmem:s11], [sflag:$0x3] =	stream.indirect_vreg.gather [hbm4b:s4+s2], $0x80, v3, vm0, $0xb8;
	[tilespmem:$0x18100] =	vst v63  }
0x84: {  	_ = 	snop  }
0x85: {  	[tilespmem:s12], [sflag:$0x3] =	stream.indirect_vreg.gather [hbm4b:s5+s2], $0x80, v3, vm0, $0xb8;
	[tilespmem:$0x18100] =	vst v63  }
0x86: {  	_ = 	snop  }
0x87: {  	[tilespmem:s13], [sflag:$0x3] =	stream.indirect_vreg.gather [hbm4b:s6+s2], $0x80, v3, vm0, $0xb8;
	[tilespmem:$0x18100] =	vst v63  }
0x88: {  	v3 =	vld [tilespmem:$0x50];
	_ =	sdelay $0x4  }
0x89: {  	v53 =	vshll.u32 v3, $0x3  }
0x8a: {  	v3 =	vand.u32 $0x7, v3;
	v4 =	vand.u32 $0xFFFFFFC0, v53  }
0x8b: {  	v3 =	vor.u32 v3, v4  }
0x8c: {  	v4 =	vperm.xlane v3, v0;
	_ =	sdelay $0x1  }
0x8d: {  	v4 =	vadd.s32 v1, v4;
	_ =	sdelay $0x4  }
0x8e: {  	[tilespmem:s14], [sflag:$0x3] =	stream.indirect_vreg.gather [hbm4b:s3+s2], $0x80, v4, vm0, $0xb8;
	[tilespmem:$0x18100] =	vst v63  }
0x8f: {  	v3 =	vperm.xlane v3, v2  }
0x90: {  	[tilespmem:s15], [sflag:$0x3] =	stream.indirect_vreg.gather [hbm4b:s4+s2], $0x80, v4, vm0, $0xb8;
	[tilespmem:$0x18100] =	vst v63  }
0x91: {  	v3 =	vadd.s32 v1, v3  }
0x92: {  	[tilespmem:s16], [sflag:$0x3] =	stream.indirect_vreg.gather [hbm4b:s5+s2], $0x80, v4, vm0, $0xb8;
	[tilespmem:$0x18100] =	vst v63  }
0x93: {  	_ = 	snop  }
0x94: {  	[tilespmem:s17], [sflag:$0x3] =	stream.indirect_vreg.gather [hbm4b:s6+s2], $0x80, v4, vm0, $0xb8;
	[tilespmem:$0x18100] =	vst v63  }
0x95: {  	_ = 	snop  }
0x96: {  	[tilespmem:s26], [sflag:$0x3] =	stream.indirect_vreg.gather [hbm4b:s3+s2], $0x80, v3, vm0, $0xb8;
	[tilespmem:$0x18100] =	vst v63  }
0x97: {  	_ = 	snop  }
0x98: {  	[tilespmem:s28], [sflag:$0x3] =	stream.indirect_vreg.gather [hbm4b:s4+s2], $0x80, v3, vm0, $0xb8;
	[tilespmem:$0x18100] =	vst v63  }
0x99: {  	_ = 	snop  }
0x9a: {  	[tilespmem:s29], [sflag:$0x3] =	stream.indirect_vreg.gather [hbm4b:s5+s2], $0x80, v3, vm0, $0xb8;
	[tilespmem:$0x18100] =	vst v63  }
0x9b: {  	_ = 	snop  }
0x9c: {  	[tilespmem:s30], [sflag:$0x3] =	stream.indirect_vreg.gather [hbm4b:s6+s2], $0x80, v3, vm0, $0xb8;
	[tilespmem:$0x18100] =	vst v63  }
0x9d: {  	_ =	swait.ge [sflag:s18], $0x8000  }
0x9e: {  	[sflag:s18] =	ssyncset.done $0x0  }
0x9f: {  	s24 =	rddreg [dreg:$0x3];
	[sflag:s18] =	ssyncadd.s32 $0xFFFF8000  }
0xa0: {  	[hbm4b:s24+s2] =	stream.linear.scatter [tilespmem:s25], [sflag:$0x4], $0x8000, $0x38;
	[tilespmem:$0x18100] =	vst v63  }
0xa1: {  	_ =	swait.ge [sflag:s19], $0x8000  }
0xa2: {  	[sflag:s19] =	ssyncset.done $0x0  }
0xa3: {  	[sflag:s19] =	ssyncadd.s32 $0xFFFF8000  }
0xa4: {  	v3 =	vld [tilespmem:$0x60];
	_ =	sdelay $0x4  }
0xa5: {  	v54 =	vshll.u32 v3, $0x3  }
0xa6: {  	v3 =	vand.u32 $0x7, v3;
	v4 =	vand.u32 $0xFFFFFFC0, v54  }
0xa7: {  	v3 =	vor.u32 v3, v4  }
0xa8: {  	v4 =	vperm.xlane v3, v0;
	_ =	sdelay $0x1  }
0xa9: {  	v4 =	vadd.s32 v1, v4;
	_ =	sdelay $0x4  }
0xaa: {  	[tilespmem:s25], [sflag:$0x1] =	stream.indirect_vreg.gather [hbm4b:s3+s2], $0x80, v4, vm0, $0xb8;
	[tilespmem:$0x18100] =	vst v63  }
0xab: {  	s24 =	simm.s32 $0x900;
	v3 =	vperm.xlane v3, v2  }
0xac: {  	[tilespmem:s24], [sflag:$0x1] =	stream.indirect_vreg.gather [hbm4b:s4+s2], $0x80, v4, vm0, $0xb8;
	[tilespmem:$0x18100] =	vst v63  }
0xad: {  	v3 =	vadd.s32 v1, v3;
	s24 =	simm.s32 $0x1100  }
0xae: {  	[tilespmem:s24], [sflag:$0x1] =	stream.indirect_vreg.gather [hbm4b:s5+s2], $0x80, v4, vm0, $0xb8;
	[tilespmem:$0x18100] =	vst v63  }
0xaf: {  	s24 =	simm.s32 $0x1900  }
0xb0: {  	[tilespmem:s24], [sflag:$0x1] =	stream.indirect_vreg.gather [hbm4b:s6+s2], $0x80, v4, vm0, $0xb8;
	[tilespmem:$0x18100] =	vst v63  }
0xb1: {  	s24 =	simm.s32 $0x2100  }
0xb2: {  	[tilespmem:s24], [sflag:$0x1] =	stream.indirect_vreg.gather [hbm4b:s3+s2], $0x80, v3, vm0, $0xb8;
	[tilespmem:$0x18100] =	vst v63  }
0xb3: {  	s24 =	simm.s32 $0x2900  }
0xb4: {  	[tilespmem:s24], [sflag:$0x1] =	stream.indirect_vreg.gather [hbm4b:s4+s2], $0x80, v3, vm0, $0xb8;
	[tilespmem:$0x18100] =	vst v63  }
0xb5: {  	s24 =	simm.s32 $0x3100  }
0xb6: {  	[tilespmem:s24], [sflag:$0x1] =	stream.indirect_vreg.gather [hbm4b:s5+s2], $0x80, v3, vm0, $0xb8;
	[tilespmem:$0x18100] =	vst v63  }
0xb7: {  	s24 =	simm.s32 $0x3900  }
0xb8: {  	[tilespmem:s24], [sflag:$0x1] =	stream.indirect_vreg.gather [hbm4b:s6+s2], $0x80, v3, vm0, $0xb8;
	[tilespmem:$0x18100] =	vst v63  }
0xb9: {  	v3 =	vld [tilespmem:$0x70];
	_ =	sdelay $0x4  }
0xba: {  	v55 =	vshll.u32 v3, $0x3  }
0xbb: {  	v3 =	vand.u32 $0x7, v3;
	v4 =	vand.u32 $0xFFFFFFC0, v55  }
0xbc: {  	v3 =	vor.u32 v3, v4  }
0xbd: {  	v4 =	vperm.xlane v3, v0;
	_ =	sdelay $0x1  }
0xbe: {  	v4 =	vadd.s32 v1, v4;
	_ =	sdelay $0x3  }
0xbf: {  	s24 =	simm.s32 $0x4100  }
0xc0: {  	[tilespmem:s24], [sflag:$0x1] =	stream.indirect_vreg.gather [hbm4b:s3+s2], $0x80, v4, vm0, $0xb8;
	[tilespmem:$0x18100] =	vst v63  }
0xc1: {  	v3 =	vperm.xlane v3, v2;
	s24 =	simm.s32 $0x4900  }
0xc2: {  	[tilespmem:s24], [sflag:$0x1] =	stream.indirect_vreg.gather [hbm4b:s4+s2], $0x80, v4, vm0, $0xb8;
	[tilespmem:$0x18100] =	vst v63  }
0xc3: {  	v3 =	vadd.s32 v1, v3;
	s24 =	simm.s32 $0x5100  }
0xc4: {  	[tilespmem:s24], [sflag:$0x1] =	stream.indirect_vreg.gather [hbm4b:s5+s2], $0x80, v4, vm0, $0xb8;
	[tilespmem:$0x18100] =	vst v63  }
0xc5: {  	s24 =	simm.s32 $0x5900  }
0xc6: {  	[tilespmem:s24], [sflag:$0x1] =	stream.indirect_vreg.gather [hbm4b:s6+s2], $0x80, v4, vm0, $0xb8;
	[tilespmem:$0x18100] =	vst v63  }
0xc7: {  	s24 =	simm.s32 $0x6100  }
0xc8: {  	[tilespmem:s24], [sflag:$0x1] =	stream.indirect_vreg.gather [hbm4b:s3+s2], $0x80, v3, vm0, $0xb8;
	[tilespmem:$0x18100] =	vst v63  }
0xc9: {  	s24 =	simm.s32 $0x6900  }
0xca: {  	[tilespmem:s24], [sflag:$0x1] =	stream.indirect_vreg.gather [hbm4b:s4+s2], $0x80, v3, vm0, $0xb8;
	[tilespmem:$0x18100] =	vst v63  }
0xcb: {  	s24 =	simm.s32 $0x7100  }
0xcc: {  	[tilespmem:s24], [sflag:$0x1] =	stream.indirect_vreg.gather [hbm4b:s5+s2], $0x80, v3, vm0, $0xb8;
	[tilespmem:$0x18100] =	vst v63  }
0xcd: {  	s24 =	simm.s32 $0x7900  }
0xce: {  	[tilespmem:s24], [sflag:$0x1] =	stream.indirect_vreg.gather [hbm4b:s6+s2], $0x80, v3, vm0, $0xb8;
	[tilespmem:$0x18100] =	vst v63  }
0xcf: {  	_ =	swait.ge [sflag:s20], $0x8000  }
0xd0: {  	[sflag:s20] =	ssyncset.done $0x0  }
0xd1: {  	s24 =	rddreg [dreg:$0x4];
	[sflag:s20] =	ssyncadd.s32 $0xFFFF8000  }
0xd2: {  	[hbm4b:s24+s2] =	stream.linear.scatter [tilespmem:s0], [sflag:$0x5], $0x8000, $0x38;
	[tilespmem:$0x18100] =	vst v63  }
0xd3: {  	_ =	swait.ge [sflag:s21], $0x8000  }
0xd4: {  	[sflag:s21] =	ssyncset.done $0x0  }
0xd5: {  	[sflag:s21] =	ssyncadd.s32 $0xFFFF8000  }
0xd6: {  	v3 =	vld [tilespmem:$0x80];
	_ =	sdelay $0x4  }
0xd7: {  	v56 =	vshll.u32 v3, $0x3  }
0xd8: {  	v3 =	vand.u32 $0x7, v3;
	v4 =	vand.u32 $0xFFFFFFC0, v56  }
0xd9: {  	v3 =	vor.u32 v3, v4  }
0xda: {  	v4 =	vperm.xlane v3, v0;
	_ =	sdelay $0x1  }
0xdb: {  	v4 =	vadd.s32 v1, v4;
	_ =	sdelay $0x4  }
0xdc: {  	[tilespmem:s0], [sflag:$0x2] =	stream.indirect_vreg.gather [hbm4b:s3+s2], $0x80, v4, vm0, $0xb8;
	[tilespmem:$0x18100] =	vst v63  }
0xdd: {  	s24 =	simm.s32 $0x8900;
	v3 =	vperm.xlane v3, v2  }
0xde: {  	[tilespmem:s24], [sflag:$0x2] =	stream.indirect_vreg.gather [hbm4b:s4+s2], $0x80, v4, vm0, $0xb8;
	[tilespmem:$0x18100] =	vst v63  }
0xdf: {  	v3 =	vadd.s32 v1, v3;
	s24 =	simm.s32 $0x9100  }
0xe0: {  	[tilespmem:s24], [sflag:$0x2] =	stream.indirect_vreg.gather [hbm4b:s5+s2], $0x80, v4, vm0, $0xb8;
	[tilespmem:$0x18100] =	vst v63  }
0xe1: {  	s24 =	simm.s32 $0x9900  }
0xe2: {  	[tilespmem:s24], [sflag:$0x2] =	stream.indirect_vreg.gather [hbm4b:s6+s2], $0x80, v4, vm0, $0xb8;
	[tilespmem:$0x18100] =	vst v63  }
0xe3: {  	s24 =	simm.s32 $0xA100  }
0xe4: {  	[tilespmem:s24], [sflag:$0x2] =	stream.indirect_vreg.gather [hbm4b:s3+s2], $0x80, v3, vm0, $0xb8;
	[tilespmem:$0x18100] =	vst v63  }
0xe5: {  	s24 =	simm.s32 $0xA900  }
0xe6: {  	[tilespmem:s24], [sflag:$0x2] =	stream.indirect_vreg.gather [hbm4b:s4+s2], $0x80, v3, vm0, $0xb8;
	[tilespmem:$0x18100] =	vst v63  }
0xe7: {  	s24 =	simm.s32 $0xB100  }
0xe8: {  	[tilespmem:s24], [sflag:$0x2] =	stream.indirect_vreg.gather [hbm4b:s5+s2], $0x80, v3, vm0, $0xb8;
	[tilespmem:$0x18100] =	vst v63  }
0xe9: {  	s24 =	simm.s32 $0xB900  }
0xea: {  	[tilespmem:s24], [sflag:$0x2] =	stream.indirect_vreg.gather [hbm4b:s6+s2], $0x80, v3, vm0, $0xb8;
	[tilespmem:$0x18100] =	vst v63  }
0xeb: {  	v3 =	vld [tilespmem:$0x90];
	_ =	sdelay $0x4  }
0xec: {  	v57 =	vshll.u32 v3, $0x3  }
0xed: {  	v3 =	vand.u32 $0x7, v3;
	v4 =	vand.u32 $0xFFFFFFC0, v57  }
0xee: {  	v3 =	vor.u32 v3, v4  }
0xef: {  	v4 =	vperm.xlane v3, v0;
	_ =	sdelay $0x1  }
0xf0: {  	v4 =	vadd.s32 v1, v4;
	_ =	sdelay $0x3  }
0xf1: {  	s24 =	simm.s32 $0xC100  }
0xf2: {  	[tilespmem:s24], [sflag:$0x2] =	stream.indirect_vreg.gather [hbm4b:s3+s2], $0x80, v4, vm0, $0xb8;
	[tilespmem:$0x18100] =	vst v63  }
0xf3: {  	v3 =	vperm.xlane v3, v2;
	s24 =	simm.s32 $0xC900  }
0xf4: {  	[tilespmem:s24], [sflag:$0x2] =	stream.indirect_vreg.gather [hbm4b:s4+s2], $0x80, v4, vm0, $0xb8;
	[tilespmem:$0x18100] =	vst v63  }
0xf5: {  	v3 =	vadd.s32 v1, v3;
	s24 =	simm.s32 $0xD100  }
0xf6: {  	[tilespmem:s24], [sflag:$0x2] =	stream.indirect_vreg.gather [hbm4b:s5+s2], $0x80, v4, vm0, $0xb8;
	[tilespmem:$0x18100] =	vst v63  }
0xf7: {  	s24 =	simm.s32 $0xD900  }
0xf8: {  	[tilespmem:s24], [sflag:$0x2] =	stream.indirect_vreg.gather [hbm4b:s6+s2], $0x80, v4, vm0, $0xb8;
	[tilespmem:$0x18100] =	vst v63  }
0xf9: {  	s24 =	simm.s32 $0xE100  }
0xfa: {  	[tilespmem:s24], [sflag:$0x2] =	stream.indirect_vreg.gather [hbm4b:s3+s2], $0x80, v3, vm0, $0xb8;
	[tilespmem:$0x18100] =	vst v63  }
0xfb: {  	s24 =	simm.s32 $0xE900  }
0xfc: {  	[tilespmem:s24], [sflag:$0x2] =	stream.indirect_vreg.gather [hbm4b:s4+s2], $0x80, v3, vm0, $0xb8;
	[tilespmem:$0x18100] =	vst v63  }
0xfd: {  	s24 =	simm.s32 $0xF100  }
0xfe: {  	[tilespmem:s24], [sflag:$0x2] =	stream.indirect_vreg.gather [hbm4b:s5+s2], $0x80, v3, vm0, $0xb8;
	[tilespmem:$0x18100] =	vst v63  }
0xff: {  	s24 =	simm.s32 $0xF900  }
0x100: {  	[tilespmem:s24], [sflag:$0x2] =	stream.indirect_vreg.gather [hbm4b:s6+s2], $0x80, v3, vm0, $0xb8;
	[tilespmem:$0x18100] =	vst v63  }
0x101: {  	_ =	swait.ge [sflag:s31], $0x8000  }
0x102: {  	[sflag:s31] =	ssyncset.done $0x0  }
0x103: {  	s24 =	rddreg [dreg:$0x5];
	[sflag:s31] =	ssyncadd.s32 $0xFFFF8000  }
0x104: {  	[hbm4b:s24+s2] =	stream.linear.scatter [tilespmem:s1], [sflag:$0x6], $0x8000, $0x38;
	[tilespmem:$0x18100] =	vst v63  }
0x105: {  	_ =	swait.ge [sflag:s23], $0x8000  }
0x106: {  	[sflag:s23] =	ssyncset.done $0x0  }
0x107: {  	[sflag:s23] =	ssyncadd.s32 $0xFFFF8000  }
0x108: {  	v3 =	vld [tilespmem:$0xA0];
	_ =	sdelay $0x4  }
0x109: {  	v58 =	vshll.u32 v3, $0x3  }
0x10a: {  	v3 =	vand.u32 $0x7, v3;
	v4 =	vand.u32 $0xFFFFFFC0, v58  }
0x10b: {  	v3 =	vor.u32 v3, v4  }
0x10c: {  	v4 =	vperm.xlane v3, v0;
	_ =	sdelay $0x1  }
0x10d: {  	v4 =	vadd.s32 v1, v4;
	_ =	sdelay $0x4  }
0x10e: {  	[tilespmem:s1], [sflag:$0x3] =	stream.indirect_vreg.gather [hbm4b:s3+s2], $0x80, v4, vm0, $0xb8;
	[tilespmem:$0x18100] =	vst v63  }
0x10f: {  	v3 =	vperm.xlane v3, v2  }
0x110: {  	[tilespmem:s22], [sflag:$0x3] =	stream.indirect_vreg.gather [hbm4b:s4+s2], $0x80, v4, vm0, $0xb8;
	[tilespmem:$0x18100] =	vst v63  }
0x111: {  	v3 =	vadd.s32 v1, v3  }
0x112: {  	[tilespmem:s8], [sflag:$0x3] =	stream.indirect_vreg.gather [hbm4b:s5+s2], $0x80, v4, vm0, $0xb8;
	[tilespmem:$0x18100] =	vst v63  }
0x113: {  	_ = 	snop  }
0x114: {  	[tilespmem:s9], [sflag:$0x3] =	stream.indirect_vreg.gather [hbm4b:s6+s2], $0x80, v4, vm0, $0xb8;
	[tilespmem:$0x18100] =	vst v63  }
0x115: {  	_ = 	snop  }
0x116: {  	[tilespmem:s10], [sflag:$0x3] =	stream.indirect_vreg.gather [hbm4b:s3+s2], $0x80, v3, vm0, $0xb8;
	[tilespmem:$0x18100] =	vst v63  }
0x117: {  	_ = 	snop  }
0x118: {  	[tilespmem:s11], [sflag:$0x3] =	stream.indirect_vreg.gather [hbm4b:s4+s2], $0x80, v3, vm0, $0xb8;
	[tilespmem:$0x18100] =	vst v63  }
0x119: {  	_ = 	snop  }
0x11a: {  	[tilespmem:s12], [sflag:$0x3] =	stream.indirect_vreg.gather [hbm4b:s5+s2], $0x80, v3, vm0, $0xb8;
	[tilespmem:$0x18100] =	vst v63  }
0x11b: {  	_ = 	snop  }
0x11c: {  	[tilespmem:s13], [sflag:$0x3] =	stream.indirect_vreg.gather [hbm4b:s6+s2], $0x80, v3, vm0, $0xb8;
	[tilespmem:$0x18100] =	vst v63  }
0x11d: {  	v3 =	vld [tilespmem:$0xB0];
	_ =	sdelay $0x4  }
0x11e: {  	v59 =	vshll.u32 v3, $0x3  }
0x11f: {  	v3 =	vand.u32 $0x7, v3;
	v4 =	vand.u32 $0xFFFFFFC0, v59  }
0x120: {  	v3 =	vor.u32 v3, v4  }
0x121: {  	v4 =	vperm.xlane v3, v0;
	_ =	sdelay $0x1  }
0x122: {  	v4 =	vadd.s32 v1, v4;
	_ =	sdelay $0x4  }
0x123: {  	[tilespmem:s14], [sflag:$0x3] =	stream.indirect_vreg.gather [hbm4b:s3+s2], $0x80, v4, vm0, $0xb8;
	[tilespmem:$0x18100] =	vst v63  }
0x124: {  	v3 =	vperm.xlane v3, v2  }
0x125: {  	[tilespmem:s15], [sflag:$0x3] =	stream.indirect_vreg.gather [hbm4b:s4+s2], $0x80, v4, vm0, $0xb8;
	[tilespmem:$0x18100] =	vst v63  }
0x126: {  	v3 =	vadd.s32 v1, v3  }
0x127: {  	[tilespmem:s16], [sflag:$0x3] =	stream.indirect_vreg.gather [hbm4b:s5+s2], $0x80, v4, vm0, $0xb8;
	[tilespmem:$0x18100] =	vst v63  }
0x128: {  	_ = 	snop  }
0x129: {  	[tilespmem:s17], [sflag:$0x3] =	stream.indirect_vreg.gather [hbm4b:s6+s2], $0x80, v4, vm0, $0xb8;
	[tilespmem:$0x18100] =	vst v63  }
0x12a: {  	_ = 	snop  }
0x12b: {  	[tilespmem:s26], [sflag:$0x3] =	stream.indirect_vreg.gather [hbm4b:s3+s2], $0x80, v3, vm0, $0xb8;
	[tilespmem:$0x18100] =	vst v63  }
0x12c: {  	_ = 	snop  }
0x12d: {  	[tilespmem:s28], [sflag:$0x3] =	stream.indirect_vreg.gather [hbm4b:s4+s2], $0x80, v3, vm0, $0xb8;
	[tilespmem:$0x18100] =	vst v63  }
0x12e: {  	_ = 	snop  }
0x12f: {  	[tilespmem:s29], [sflag:$0x3] =	stream.indirect_vreg.gather [hbm4b:s5+s2], $0x80, v3, vm0, $0xb8;
	[tilespmem:$0x18100] =	vst v63  }
0x130: {  	_ = 	snop  }
0x131: {  	[tilespmem:s30], [sflag:$0x3] =	stream.indirect_vreg.gather [hbm4b:s6+s2], $0x80, v3, vm0, $0xb8;
	[tilespmem:$0x18100] =	vst v63  }
0x132: {  	_ =	swait.ge [sflag:s18], $0x8000  }
0x133: {  	[sflag:s18] =	ssyncset.done $0x0  }
0x134: {  	s8 =	rddreg [dreg:$0x6];
	[sflag:s18] =	ssyncadd.s32 $0xFFFF8000  }
0x135: {  	[hbm4b:s8+s2] =	stream.linear.scatter [tilespmem:s25], [sflag:$0x4], $0x8000, $0x38;
	[tilespmem:$0x18100] =	vst v63  }
0x136: {  	_ =	swait.ge [sflag:s19], $0x8000  }
0x137: {  	[sflag:s19] =	ssyncset.done $0x0  }
0x138: {  	[sflag:s19] =	ssyncadd.s32 $0xFFFF8000  }
0x139: {  	v3 =	vld [tilespmem:$0xC0];
	_ =	sdelay $0x4  }
0x13a: {  	v60 =	vshll.u32 v3, $0x3  }
0x13b: {  	v3 =	vand.u32 $0x7, v3;
	v4 =	vand.u32 $0xFFFFFFC0, v60  }
0x13c: {  	v3 =	vor.u32 v3, v4  }
0x13d: {  	v4 =	vperm.xlane v3, v0;
	_ =	sdelay $0x1  }
0x13e: {  	v4 =	vadd.s32 v1, v4;
	_ =	sdelay $0x4  }
0x13f: {  	[tilespmem:s25], [sflag:$0x1] =	stream.indirect_vreg.gather [hbm4b:s3+s2], $0x80, v4, vm0, $0xb8;
	[tilespmem:$0x18100] =	vst v63  }
0x140: {  	s24 =	simm.s32 $0x900;
	v3 =	vperm.xlane v3, v2  }
0x141: {  	[tilespmem:s24], [sflag:$0x1] =	stream.indirect_vreg.gather [hbm4b:s4+s2], $0x80, v4, vm0, $0xb8;
	[tilespmem:$0x18100] =	vst v63  }
0x142: {  	v3 =	vadd.s32 v1, v3;
	s24 =	simm.s32 $0x1100  }
0x143: {  	[tilespmem:s24], [sflag:$0x1] =	stream.indirect_vreg.gather [hbm4b:s5+s2], $0x80, v4, vm0, $0xb8;
	[tilespmem:$0x18100] =	vst v63  }
0x144: {  	s24 =	simm.s32 $0x1900  }
0x145: {  	[tilespmem:s24], [sflag:$0x1] =	stream.indirect_vreg.gather [hbm4b:s6+s2], $0x80, v4, vm0, $0xb8;
	[tilespmem:$0x18100] =	vst v63  }
0x146: {  	s24 =	simm.s32 $0x2100  }
0x147: {  	[tilespmem:s24], [sflag:$0x1] =	stream.indirect_vreg.gather [hbm4b:s3+s2], $0x80, v3, vm0, $0xb8;
	[tilespmem:$0x18100] =	vst v63  }
0x148: {  	s24 =	simm.s32 $0x2900  }
0x149: {  	[tilespmem:s24], [sflag:$0x1] =	stream.indirect_vreg.gather [hbm4b:s4+s2], $0x80, v3, vm0, $0xb8;
	[tilespmem:$0x18100] =	vst v63  }
0x14a: {  	s24 =	simm.s32 $0x3100  }
0x14b: {  	[tilespmem:s24], [sflag:$0x1] =	stream.indirect_vreg.gather [hbm4b:s5+s2], $0x80, v3, vm0, $0xb8;
	[tilespmem:$0x18100] =	vst v63  }
0x14c: {  	s24 =	simm.s32 $0x3900  }
0x14d: {  	[tilespmem:s24], [sflag:$0x1] =	stream.indirect_vreg.gather [hbm4b:s6+s2], $0x80, v3, vm0, $0xb8;
	[tilespmem:$0x18100] =	vst v63  }
0x14e: {  	v3 =	vld [tilespmem:$0xD0];
	_ =	sdelay $0x4  }
0x14f: {  	v61 =	vshll.u32 v3, $0x3  }
0x150: {  	v3 =	vand.u32 $0x7, v3;
	v4 =	vand.u32 $0xFFFFFFC0, v61  }
0x151: {  	v3 =	vor.u32 v3, v4  }
0x152: {  	v4 =	vperm.xlane v3, v0;
	_ =	sdelay $0x1  }
0x153: {  	v4 =	vadd.s32 v1, v4;
	_ =	sdelay $0x3  }
0x154: {  	s24 =	simm.s32 $0x4100  }
0x155: {  	[tilespmem:s24], [sflag:$0x1] =	stream.indirect_vreg.gather [hbm4b:s3+s2], $0x80, v4, vm0, $0xb8;
	[tilespmem:$0x18100] =	vst v63  }
0x156: {  	v3 =	vperm.xlane v3, v2;
	s24 =	simm.s32 $0x4900  }
0x157: {  	[tilespmem:s24], [sflag:$0x1] =	stream.indirect_vreg.gather [hbm4b:s4+s2], $0x80, v4, vm0, $0xb8;
	[tilespmem:$0x18100] =	vst v63  }
0x158: {  	v3 =	vadd.s32 v1, v3;
	s24 =	simm.s32 $0x5100  }
0x159: {  	[tilespmem:s24], [sflag:$0x1] =	stream.indirect_vreg.gather [hbm4b:s5+s2], $0x80, v4, vm0, $0xb8;
	[tilespmem:$0x18100] =	vst v63  }
0x15a: {  	s24 =	simm.s32 $0x5900  }
0x15b: {  	[tilespmem:s24], [sflag:$0x1] =	stream.indirect_vreg.gather [hbm4b:s6+s2], $0x80, v4, vm0, $0xb8;
	[tilespmem:$0x18100] =	vst v63  }
0x15c: {  	s24 =	simm.s32 $0x6100  }
0x15d: {  	[tilespmem:s24], [sflag:$0x1] =	stream.indirect_vreg.gather [hbm4b:s3+s2], $0x80, v3, vm0, $0xb8;
	[tilespmem:$0x18100] =	vst v63  }
0x15e: {  	s24 =	simm.s32 $0x6900  }
0x15f: {  	[tilespmem:s24], [sflag:$0x1] =	stream.indirect_vreg.gather [hbm4b:s4+s2], $0x80, v3, vm0, $0xb8;
	[tilespmem:$0x18100] =	vst v63  }
0x160: {  	s24 =	simm.s32 $0x7100  }
0x161: {  	[tilespmem:s24], [sflag:$0x1] =	stream.indirect_vreg.gather [hbm4b:s5+s2], $0x80, v3, vm0, $0xb8;
	[tilespmem:$0x18100] =	vst v63  }
0x162: {  	s24 =	simm.s32 $0x7900  }
0x163: {  	[tilespmem:s24], [sflag:$0x1] =	stream.indirect_vreg.gather [hbm4b:s6+s2], $0x80, v3, vm0, $0xb8;
	[tilespmem:$0x18100] =	vst v63  }
0x164: {  	_ =	swait.ge [sflag:s20], $0x8000  }
0x165: {  	[sflag:s20] =	ssyncset.done $0x0  }
0x166: {  	s8 =	rddreg [dreg:$0x7];
	[sflag:s20] =	ssyncadd.s32 $0xFFFF8000  }
0x167: {  	[hbm4b:s8+s2] =	stream.linear.scatter [tilespmem:s0], [sflag:$0x5], $0x8000, $0x38;
	[tilespmem:$0x18100] =	vst v63  }
0x168: {  	_ =	swait.ge [sflag:s21], $0x8000  }
0x169: {  	[sflag:s21] =	ssyncset.done $0x0  }
0x16a: {  	[sflag:s21] =	ssyncadd.s32 $0xFFFF8000  }
0x16b: {  	v3 =	vld [tilespmem:$0xE0];
	_ =	sdelay $0x4  }
0x16c: {  	v62 =	vshll.u32 v3, $0x3  }
0x16d: {  	v3 =	vand.u32 $0x7, v3;
	v4 =	vand.u32 $0xFFFFFFC0, v62  }
0x16e: {  	v3 =	vor.u32 v3, v4  }
0x16f: {  	v4 =	vperm.xlane v3, v0;
	_ =	sdelay $0x1  }
0x170: {  	v4 =	vadd.s32 v1, v4;
	_ =	sdelay $0x4  }
0x171: {  	[tilespmem:s0], [sflag:$0x2] =	stream.indirect_vreg.gather [hbm4b:s3+s2], $0x80, v4, vm0, $0xb8;
	[tilespmem:$0x18100] =	vst v63  }
0x172: {  	s24 =	simm.s32 $0x8900;
	v3 =	vperm.xlane v3, v2  }
0x173: {  	[tilespmem:s24], [sflag:$0x2] =	stream.indirect_vreg.gather [hbm4b:s4+s2], $0x80, v4, vm0, $0xb8;
	[tilespmem:$0x18100] =	vst v63  }
0x174: {  	v3 =	vadd.s32 v1, v3;
	s24 =	simm.s32 $0x9100  }
0x175: {  	[tilespmem:s24], [sflag:$0x2] =	stream.indirect_vreg.gather [hbm4b:s5+s2], $0x80, v4, vm0, $0xb8;
	[tilespmem:$0x18100] =	vst v63  }
0x176: {  	s24 =	simm.s32 $0x9900  }
0x177: {  	[tilespmem:s24], [sflag:$0x2] =	stream.indirect_vreg.gather [hbm4b:s6+s2], $0x80, v4, vm0, $0xb8;
	[tilespmem:$0x18100] =	vst v63  }
0x178: {  	s24 =	simm.s32 $0xA100  }
0x179: {  	[tilespmem:s24], [sflag:$0x2] =	stream.indirect_vreg.gather [hbm4b:s3+s2], $0x80, v3, vm0, $0xb8;
	[tilespmem:$0x18100] =	vst v63  }
0x17a: {  	s24 =	simm.s32 $0xA900  }
0x17b: {  	[tilespmem:s24], [sflag:$0x2] =	stream.indirect_vreg.gather [hbm4b:s4+s2], $0x80, v3, vm0, $0xb8;
	[tilespmem:$0x18100] =	vst v63  }
0x17c: {  	s24 =	simm.s32 $0xB100  }
0x17d: {  	[tilespmem:s24], [sflag:$0x2] =	stream.indirect_vreg.gather [hbm4b:s5+s2], $0x80, v3, vm0, $0xb8;
	[tilespmem:$0x18100] =	vst v63  }
0x17e: {  	s24 =	simm.s32 $0xB900  }
0x17f: {  	[tilespmem:s24], [sflag:$0x2] =	stream.indirect_vreg.gather [hbm4b:s6+s2], $0x80, v3, vm0, $0xb8;
	[tilespmem:$0x18100] =	vst v63  }
0x180: {  	v3 =	vld [tilespmem:$0xF0];
	_ =	sdelay $0x4  }
0x181: {  	v63 =	vshll.u32 v3, $0x3  }
0x182: {  	v3 =	vand.u32 $0x7, v3;
	v4 =	vand.u32 $0xFFFFFFC0, v63  }
0x183: {  	v3 =	vor.u32 v3, v4  }
0x184: {  	v4 =	vperm.xlane v3, v0;
	_ =	sdelay $0x1  }
0x185: {  	v4 =	vadd.s32 v1, v4;
	_ =	sdelay $0x3  }
0x186: {  	s24 =	simm.s32 $0xC100  }
0x187: {  	[tilespmem:s24], [sflag:$0x2] =	stream.indirect_vreg.gather [hbm4b:s3+s2], $0x80, v4, vm0, $0xb8;
	[tilespmem:$0x18100] =	vst v63  }
0x188: {  	v3 =	vperm.xlane v3, v2;
	s24 =	simm.s32 $0xC900  }
0x189: {  	[tilespmem:s24], [sflag:$0x2] =	stream.indirect_vreg.gather [hbm4b:s4+s2], $0x80, v4, vm0, $0xb8;
	[tilespmem:$0x18100] =	vst v63  }
0x18a: {  	v3 =	vadd.s32 v1, v3;
	s24 =	simm.s32 $0xD100  }
0x18b: {  	[tilespmem:s24], [sflag:$0x2] =	stream.indirect_vreg.gather [hbm4b:s5+s2], $0x80, v4, vm0, $0xb8;
	[tilespmem:$0x18100] =	vst v63  }
0x18c: {  	s24 =	simm.s32 $0xD900  }
0x18d: {  	[tilespmem:s24], [sflag:$0x2] =	stream.indirect_vreg.gather [hbm4b:s6+s2], $0x80, v4, vm0, $0xb8;
	[tilespmem:$0x18100] =	vst v63  }
0x18e: {  	s24 =	simm.s32 $0xE100  }
0x18f: {  	[tilespmem:s24], [sflag:$0x2] =	stream.indirect_vreg.gather [hbm4b:s3+s2], $0x80, v3, vm0, $0xb8;
	[tilespmem:$0x18100] =	vst v63  }
0x190: {  	s24 =	simm.s32 $0xE900  }
0x191: {  	[tilespmem:s24], [sflag:$0x2] =	stream.indirect_vreg.gather [hbm4b:s4+s2], $0x80, v3, vm0, $0xb8;
	[tilespmem:$0x18100] =	vst v63  }
0x192: {  	s24 =	simm.s32 $0xF100  }
0x193: {  	[tilespmem:s24], [sflag:$0x2] =	stream.indirect_vreg.gather [hbm4b:s5+s2], $0x80, v3, vm0, $0xb8;
	[tilespmem:$0x18100] =	vst v63  }
0x194: {  	s24 =	simm.s32 $0xF900  }
0x195: {  	[tilespmem:s24], [sflag:$0x2] =	stream.indirect_vreg.gather [hbm4b:s6+s2], $0x80, v3, vm0, $0xb8;
	[tilespmem:$0x18100] =	vst v63  }
0x196: {  	_ =	swait.ge [sflag:s31], $0x8000  }
0x197: {  	[sflag:s31] =	ssyncset.done $0x0  }
0x198: {  	s8 =	rddreg [dreg:$0x8];
	[sflag:s31] =	ssyncadd.s32 $0xFFFF8000  }
0x199: {  	[hbm4b:s8+s2] =	stream.linear.scatter [tilespmem:s1], [sflag:$0x6], $0x8000, $0x38;
	[tilespmem:$0x18100] =	vst v63  }
0x19a: {  	_ =	swait.ge [sflag:s18], $0x8000  }
0x19b: {  	[sflag:s18] =	ssyncset.done $0x0  }
0x19c: {  	s1 =	rddreg [dreg:$0x9];
	[sflag:s18] =	ssyncadd.s32 $0xFFFF8000  }
0x19d: {  	[hbm4b:s1+s2] =	stream.linear.scatter [tilespmem:s25], [sflag:$0x4], $0x8000, $0x38;
	[tilespmem:$0x18100] =	vst v63  }
0x19e: {  	_ =	swait.ge [sflag:s20], $0x8000  }
0x19f: {  	[sflag:s20] =	ssyncset.done $0x0  }
0x1a0: {  	s8 =	rddreg [dreg:$0xa];
	[sflag:s20] =	ssyncadd.s32 $0xFFFF8000  }
0x1a1: {  	[hbm4b:s8+s2] =	stream.linear.scatter [tilespmem:s0], [sflag:$0x5], $0x8000, $0x38;
	[tilespmem:$0x18100] =	vst v63  }
0x1a2: {  	_ =	swait.ge [sflag:s19], $0x8000  }
0x1a3: {  	[sflag:s19] =	ssyncset.done $0x0  }
0x1a4: {  	[sflag:s19] =	ssyncadd.s32 $0xFFFF8000  }
0x1a5: {  	p0 =	sne.s32 s7, $0x1;
	_ =	swait.ge [sflag:s21], $0x8000  }
.Ltmp0:
0x1a6: {  	[sflag:s21] =	ssyncset.done $0x0;
	(pc) =	sbr.rel @p0 .LBB2_1-.Ltmp0, $4  }
0x1a7: {  	[sflag:s21] =	ssyncadd.s32 $0xFFFF8000  }
0x1a8: {  	_ =	swait.ge [sflag:s23], $0x8000  }
0x1a9: {  	[sflag:s23] =	ssyncset.done $0x0  }
0x1aa: {  	s7 =	sadd.s32 $0xFFFFFFFF, s7;
	[sflag:s23] =	ssyncadd.s32 $0xFFFF8000  }
0x1ab: {  	_ =	sfence.sel $0x180000  }
0x1ac: {  	[bflag:$0x0] =	sbarrier.arrive $0xFFFF  }
0x1ad: {  	_ =	strace $0x9000004D  }
0x1ae: {  	s0 =	stileid.u32;
	[bflag:$0x2] =	sbarrier.arrive $0xFFFF  }
0x1af: {  	p0 =	sne.s32 s0, $0x0;
	s0 =	rddreg [dreg:$0x1]  }
0x1b0: {  	s0 =	sadd.s32 @!p0 $0x100000, s0  }
0x1b1: {  	[sflag:s0] =	ssyncadd.tile.s32 @!p0 $0x1;
	_ =	shalt  }
.Lfunc_end2:
_tile_overlayer_lowered:
.L_overlay_start_2:
0x1b2: {  	(tag) =	ssettag $0x2  }
0x1b3: {  	s0 =	rddreg [dreg:$0x0];
	s2 =	stileid.u32  }
0x1b4: {  	s1 =	rddreg [dreg:$0x1];
	p0 =	sne.s32 s2, $0x0  }
0x1b5: {  	s3 =	rddreg [dreg:$0x2];
	[bflag:$0x3] =	sbarrier.arrive $0xFFFF;
	s2 =	simm.s32 @!p0 $0x1C07  }
0x1b6: {  	[timem:s3], [sflag:s2] =	dma.local @!p0 [hbm:s0], s1  }
0x1b7: {  	s0 =	simm.s32 @!p0 $0x7  }
0x1b8: {  	_ =	swait.ge @!p0 [sflag:s0], s1  }
0x1b9: {  	s1 =	ssub.s32 @!p0 $0x0, s1;
	[sflag:s0] =	ssyncset.done @!p0 $0x0  }
0x1ba: {  	[sflag:s0] =	ssyncadd.s32 @!p0 s1  }
0x1bb: {  	[bflag:$0x3] =	sbarrier.arrive $0xFFFF  }
0x1bc: {  	_ =	shalt  }

// kernel: kernel.8.cloned.1.call-start
scs
__scs_entry_jumppad:
0x0: {  	(pc) =	sbr.rel $0x88, $3  }
0x1: {  	(tag) =	ssettag $0x0;
	lr =	simm.s32 $0x1  }
0x2: {  	[smem:$0x3F9C] =	sst lr;
	_ =	strace $0xD0000000  }
0x3: {  	_ = 	snop  }
0x4: {  	_ = 	snop  }
0x5: {  	_ = 	snop  }
0x6: {  	_ = 	snop  }
0x7: {  	_ = 	snop  }
__scs_overlays_trampoline_lowered:
0x8: {  	[smem:$0x3FAB] =	sst s0  }
0x9: {  	[smem:$0x3FAC] =	sst s1  }
0xa: {  	[smem:$0x3FAD] =	sst s2  }
0xb: {  	[smem:$0x3FAE] =	sst s3  }
0xc: {  	[smem:$0x3FAF] =	sst s4  }
0xd: {  	[smem:$0x3FB0] =	sst s5  }
0xe: {  	[smem:$0x3FB1] =	sst s6  }
0xf: {  	[smem:$0x3FB2] =	sst s7  }
0x10: {  	[smem:$0x3FB3] =	sst s8  }
0x11: {  	[smem:$0x3FB4] =	sst s9;
	s0 =	simm.s32 @!p0 $0x0  }
0x12: {  	s1 =	sld [smem:$0x3F9A];
	s0 =	simm.s32 @p0 $0x1  }
0x13: {  	[smem:$0x3FB5] =	sst s0;
	s0 =	simm.s32 @!p1 $0x0  }
0x14: {  	s2 =	sld [smem:$0x3F99];
	s0 =	simm.s32 @p1 $0x1  }
0x15: {  	[smem:$0x3FB6] =	sst s0;
	s0 =	simm.s32 @!p2 $0x0  }
0x16: {  	s3 =	sld [smem:$0x3FDB];
	s0 =	simm.s32 @p2 $0x1  }
0x17: {  	s4 =	simm.s32 $0x1BF5;
	[smem:$0x3FB8] =	sst s0  }
0x18: {  	s0 =	sld [smem:$0x3F9B];
	_ =	swait.ge [sflag:s4], $0x0  }
0x19: {  	s7 =	sld [smem:$0x3F9C]  }
0x1a: {  	s8 =	sadd.s32 $0xFFFFE003, lr  }
0x1b: {  	s9 =	sadd.s32 $0xFFFFFEF7, lr;
	s5 =	simm.s32 $0xFFFFFFFF;
	p2 =	slt.u32 s8, $0xFFFFF086  }
0x1c: {  	p1 =	slt.u32 s9, $0xF7A;
	s5 =	simm.s32 @!p2 $0x0  }
0x1d: {  	s5 =	simm.s32 @p1 $0x1;
	p0 =	seq.s32 s7, s2  }
0x1e: {  	s7 =	smul.u32 @!p0 $0xF7A, s2;
	p2 =	seq.s32 @!p0 s5, $0x0  }
0x1f: {  	s9 =	smul.u32 $0xF7A, s1;
	s8 =	simm.s32 @!p0 $0x1BF5;
	p2 =	por !p2, p0  }
0x20: {  	[sflag:s8] =	ssyncset.s32 @!p0 $0xFFFFF086;
	s6 =	sadd.s32 @!p0 s3, s7;
	s7 =	simm.s32 @!p0 $0x108  }
0x21: {  	s3 =	sadd.s32 s3, s9;
	s6 =	sadd.s32 @!p0 $0x88, s6;
	s7 =	simm.s32 @p2 $0x1082  }
0x22: {  	[simem:s7], [sflag:s8] =	dma.local @!p0 [hbm:s6], $0xF7A  }
0x23: {  	s9 =	sor.u32 $0xD0000000, s2;
	s6 =	simm.s32 $0x108;
	_ =	swait.ge @!p0 [sflag:s8], $0x0  }
0x24: {  	s3 =	sadd.s32 $0x88, s3;
	s6 =	simm.s32 @!p1 $0x1082;
	[sflag:s4] =	ssyncset.s32 $0xFFFFF086  }
0x25: {  	[simem:s6], [sflag:s4] =	dma.local [hbm:s3], $0xF7A  }
0x26: {  	[smem:$0x3F9C] =	sst s1;
	(tag) =	ssettag s2;
	_ =	strace s9  }
0x27: {  	s1 =	sld [smem:$0x3FAC]  }
0x28: {  	s2 =	sld [smem:$0x3FAD]  }
0x29: {  	s4 =	sld [smem:$0x3FAF]  }
0x2a: {  	p0 =	seq.s32 s5, $0x0;
	s5 =	sld [smem:$0x3FB0]  }
0x2b: {  	s6 =	sld [smem:$0x3FB1]  }
0x2c: {  	s7 =	sld [smem:$0x3FB2]  }
0x2d: {  	s3 =	simm.s32 $0x108;
	s8 =	sld [smem:$0x3FB3]  }
0x2e: {  	s3 =	simm.s32 @!p0 $0x1082;
	s9 =	sld [smem:$0x3FB4]  }
0x2f: {  	lr =	sadd.s32 s0, s3;
	s0 =	sld [smem:$0x3FAB]  }
0x30: {  	s3 =	sld [smem:$0x3FAE]  }
0x31: {  	[smem:$0x3FB7] =	sst s10  }
0x32: {  	s10 =	sld [smem:$0x3FB5];
	_ =	sdelay $0x3  }
0x33: {  	p0 =	seq.s32 s10, $0x1;
	s10 =	sld [smem:$0x3FB7];
	_ =	sdelay $0x3  }
0x34: {  	[smem:$0x3FB7] =	sst s10  }
0x35: {  	s10 =	sld [smem:$0x3FB6];
	_ =	sdelay $0x3  }
0x36: {  	p1 =	seq.s32 s10, $0x1;
	s10 =	sld [smem:$0x3FB7];
	_ =	sdelay $0x3  }
0x37: {  	[smem:$0x3FB7] =	sst s10  }
0x38: {  	s10 =	sld [smem:$0x3FB8]  }
0x39: {  	_ = 	snop;
	(pc) =	sbr.ind lr, $3  }
0x3a: {  	_ = 	snop  }
0x3b: {  	_ = 	snop  }
0x3c: {  	p2 =	seq.s32 s10, $0x1;
	s10 =	sld [smem:$0x3FB7]  }
0x3d: {  	_ =	shalt  }
0x3e: {  	_ =	shalt  }
0x3f: {  	_ =	shalt  }
0x40: {  	_ =	shalt  }
0x41: {  	_ =	shalt  }
0x42: {  	_ =	shalt  }
0x43: {  	_ =	shalt  }
0x44: {  	_ =	shalt  }
0x45: {  	_ =	shalt  }
0x46: {  	_ =	shalt  }
0x47: {  	_ =	shalt  }
0x48: {  	_ =	shalt  }
0x49: {  	_ =	shalt  }
0x4a: {  	_ =	shalt  }
0x4b: {  	_ =	shalt  }
0x4c: {  	_ =	shalt  }
0x4d: {  	_ =	shalt  }
0x4e: {  	_ =	shalt  }
0x4f: {  	_ =	shalt  }
0x50: {  	_ =	shalt  }
0x51: {  	_ =	shalt  }
0x52: {  	_ =	shalt  }
0x53: {  	_ =	shalt  }
0x54: {  	_ =	shalt  }
0x55: {  	_ =	shalt  }
0x56: {  	_ =	shalt  }
0x57: {  	_ =	shalt  }
0x58: {  	_ =	shalt  }
0x59: {  	_ =	shalt  }
0x5a: {  	_ =	shalt  }
0x5b: {  	_ =	shalt  }
0x5c: {  	_ =	shalt  }
0x5d: {  	_ =	shalt  }
0x5e: {  	_ =	shalt  }
0x5f: {  	_ =	shalt  }
0x60: {  	_ =	shalt  }
0x61: {  	_ =	shalt  }
0x62: {  	_ =	shalt  }
0x63: {  	_ =	shalt  }
0x64: {  	_ =	shalt  }
0x65: {  	_ =	shalt  }
0x66: {  	_ =	shalt  }
0x67: {  	_ =	shalt  }
0x68: {  	_ =	shalt  }
0x69: {  	_ =	shalt  }
0x6a: {  	_ =	shalt  }
0x6b: {  	_ =	shalt  }
0x6c: {  	_ =	shalt  }
0x6d: {  	_ =	shalt  }
0x6e: {  	_ =	shalt  }
0x6f: {  	_ =	shalt  }
0x70: {  	_ =	shalt  }
0x71: {  	_ =	shalt  }
0x72: {  	_ =	shalt  }
0x73: {  	_ =	shalt  }
0x74: {  	_ =	shalt  }
0x75: {  	_ =	shalt  }
0x76: {  	_ =	shalt  }
0x77: {  	_ =	shalt  }
0x78: {  	_ =	shalt  }
0x79: {  	_ =	shalt  }
0x7a: {  	_ =	shalt  }
0x7b: {  	_ =	shalt  }
0x7c: {  	_ =	shalt  }
0x7d: {  	_ =	shalt  }
0x7e: {  	_ =	shalt  }
0x7f: {  	_ =	shalt  }
0x80: {  	_ =	shalt  }
0x81: {  	_ =	shalt  }
0x82: {  	_ =	shalt  }
0x83: {  	_ =	shalt  }
0x84: {  	_ =	shalt  }
0x85: {  	_ =	shalt  }
0x86: {  	_ =	shalt  }
0x87: {  	_ =	shalt  }
.Lfunc_end0:
.L_simem_size_0:
called_computation_lowered:
.L_overlay_start_0:
0x88: {  	s2 =	sld [smem:$0x3FD9]  }
0x89: {  	s3 =	sld [smem:$0x3FFE];
	_ =	sdelay $0x1  }
0x8a: {  	s1 =	srdreg.scid  }
0x8b: {  	s0 =	sand.u32 $0x1, s1  }
0x8c: {  	s14 =	sshll.u32 s0, $0xA;
	s2 =	sadd.s32 s3, s2  }
0x8d: {  	s2 =	sadd.s32 s2, s14  }
0x8e: {  	[smem:$0x3FC3] =	sst s2  }
0x8f: {  	_ = 	snop  }
0x90: {  	s2 =	sld [smem:$0x3FD0];
	_ =	sdelay $0x2  }
0x91: {  	s15 =	simm.s32 $0xA;
	s4 =	simm.s32 $0x10  }
0x92: {  	[smem:s4], [sflag:s15] =	dma.local [hbm:s2], $0x1  }
0x93: {  	_ =	swait.eq [sflag:s15], $0x1  }
0x94: {  	[sflag:s15] =	ssyncset.done $0x0  }
0x95: {  	s16 =	sld [smem:$0x10];
	[sflag:s15] =	ssyncadd.s32 $0xFFFFFFFF  }
0x96: {  	s17 =	sld [smem:$0x11];
	(tm) =	ssettm $0x1  }
0x97: {  	s18 =	sld [smem:$0x3FFB];
	_ =	sdelay $0x3  }
0x98: {  	_ =	strace s18  }
0x99: {  	s4 =	sld [smem:$0x3FFC];
	_ =	sdelay $0x3  }
0x9a: {  	_ =	strace s4  }
0x9b: {  	s4 =	sld [smem:$0x3FFD];
	_ =	sdelay $0x3  }
0x9c: {  	_ =	strace s4  }
0x9d: {  	_ =	strace $0x8FFFFFFF  }
0x9e: {  	s19 =	sld [smem:$0x3FDB];
	_ =	sdelay $0x1  }
0x9f: {  	s5 =	simm.s32 $_scs_section_size  }
0xa0: {  	s6 =	simm.s32 $_size__tile_overlayer_lowered;
	s7 =	simm.s32 $_tile_overlayer_lowered  }
0xa1: {  	s22 =	simm.s32 $0x1BFF;
	s21 =	sshll.u32 s7, $0x1;
	s4 =	sadd.s32 s5, s19  }
0xa2: {  	s8 =	simm.s32 $0x0;
	s20 =	sshll.u32 s6, $0x1;
	s6 =	sadd.s32 s21, s4  }
0xa3: {  	[timem:s8], [sflag:s22] =	dma.local [hbm:s6], s20  }
0xa4: {  	_ =	swait.ge [sflag:s22], s20  }
0xa5: {  	s5 =	ssub.s32 $0x0, s20;
	[sflag:s22] =	ssyncset.done $0x0  }
0xa6: {  	[sflag:s22] =	ssyncadd.s32 s5;
	_ =	sdelay $0x1  }
0xa7: {  	s23 =	simm.s32 $0x1B8B  }
0xa8: {  	_ =	swait.ge [sflag:s23], $0x1  }
0xa9: {  	[sflag:s23] =	ssyncset.done $0x0  }
0xaa: {  	s25 =	simm.s32 $0x1B8E;
	s24 =	sld [smem:$0x3FFE];
	[sflag:s23] =	ssyncadd.s32 $0xFFFFFFFF  }
0xab: {  	s26 =	simm.s32 $execute0_lowered;
	[smem:$0x3FD2] =	sst s25  }
0xac: {  	s6 =	sshll.u32 s26, $0x1;
	_ =	strace $0x80000046;
	[dreg:$0x1] =	wrdreg $0xFFFFFFFF  }
0xad: {  	s28 =	simm.s32 $_size_execute0_lowered;
	s4 =	sadd.s32 s4, s6;
	[dreg:$0x0] =	wrdreg $0x0  }
0xae: {  	s6 =	sshll.u32 s28, $0x1;
	[dreg:$0x2] =	wrdreg s4  }
0xaf: {  	[dreg:$0x3] =	wrdreg s6  }
0xb0: {  	[dreg:$0x4] =	wrdreg $0xC0  }
0xb1: {  	_ =	task [dreg:s8], $0x5FFFF  }
0xb2: {  	[dreg:$0x1] =	wrdreg $0xFFFFFFFF  }
0xb3: {  	[dreg:$0x0] =	wrdreg $0x60  }
0xb4: {  	[dreg:$0x2] =	wrdreg s24  }
0xb5: {  	[dreg:$0x3] =	wrdreg s17  }
0xb6: {  	[dreg:$0x4] =	wrdreg s16  }
0xb7: {  	[dreg:$0x5] =	wrdreg $0x9  }
0xb8: {  	_ =	task.clear_ibuf [dreg:s8], $0x6FFFF;
	_ =	strace $0x90000046  }
0xb9: {  	s29 =	simm.s32 $0x9;
	_ =	strace $0x80000048  }
0xba: {  	_ =	swait.ge [sflag:s29], $0x1  }
0xbb: {  	[sflag:s29] =	ssyncadd.s32 $0xFFFFFFFF  }
0xbc: {  	_ =	strace $0x90000048  }
0xbd: {  	_ =	sfence  }
0xbe: {  	s30 =	sld [smem:$0x0];
	_ =	sdelay $0x2  }
0xbf: {  	s31 =	sshll.u32 s1, $0xD;
	s1 =	sshrl.u32 s1, $0x2  }
0xc0: {  	s3 =	sand.u32 $0x4000, s31;
	s1 =	sadd.s32 s1, s30  }
0xc1: {  	s0 =	sor.u32 s3, s0;
	s1 =	sshll.u32 s1, $0x11  }
0xc2: {  	s0 =	sor.u32 s1, s0  }
0xc3: {  	s0 =	sadd.s32 $0x8F2B, s0  }
0xc4: {  	[sflag:s0] =	ssyncadd.remote.s32 $0x1  }
0xc5: {  	_ =	sfence.sel $0xFFFF  }
0xc6: {  	[dreg:$0x0] =	wrdreg $0xFFFFFFFF;
	(pc) =	sbr.abs _section_cstart, $3  }
0xc7: {  	[dreg:$0x1] =	wrdreg $0xFFFFFFFF  }
0xc8: {  	_ =	task.clear_ibuf [dreg:s8], $0x2FFFF;
	_ =	strace $0x9FFFFFFF  }
0xc9: {  	(tm) =	ssettm $0x7FFFFFFF  }
tec
execute0_lowered:
.L_overlay_start_1:
0x0: {  	(tag) =	ssettag $0x1  }
0x1: {  	s0 =	srdreg.scid  }
0x2: {  	s4 =	sand.u32 $0x1, s0;
	s0 =	stileid.u32  }
0x3: {  	s5 =	sshll.u32 s0, $0x1;
	s6 =	ssub.s32 $0x0, s4  }
0x4: {  	p0 =	sne.s32 s5, s6  }
.Ltmp0:
0x5: {  	_ = 	snop;
	(pc) =	sbr.rel @p0 .LBB2_5-.Ltmp0, $4  }
0x6: {  	s8 =	rddreg [dreg:$0x0]  }
0x7: {  	s2 =	rddreg [dreg:$0x1]  }
0x8: {  	s3 =	rddreg [dreg:$0x2]  }
0x9: {  	s1 =	rddreg [dreg:$0x3];
	_ =	strace $0x80000047  }
0xa: {  	s9 =	ssub.s32 $0x2, s4  }
0xb: {  	s4 =	sadd.s32 $0x12000, s8;
	s5 =	sadd.s32 $0x12400, s8;
	s6 =	sadd.s32 $0x1A00, s8  }
0xc: {  	s7 =	sadd.s32 $0x12E00, s8;
	s8 =	sadd.s32 $0x12800, s8;
	s11 =	simm.s32 $0x1  }
0xd: {  	s12 =	simm.s32 $0x2000;
	s13 =	simm.s32 $0x4000;
	s10 =	sshrl.u32 s9, $0x1  }
0xe: {  	s14 =	simm.s32 $0x6000;
	s15 =	simm.s32 $0x8400;
	s9 =	ssub.s32 s9, s10  }
0xf: {  	s16 =	simm.s32 $0x0;
	s10 =	simm.s32 $0x0;
	s9 =	smax.u32 s9, $0x1  }
.LBB2_2:
0x10: {  	[tilespmem:s10], [sflag:$0x1] =	stream.linear.gather [hbm4b:s4+s10], $0x2000, $0x38;
	[tilespmem:$0xA800] =	vst v63  }
0x11: {  	_ =	swait.ge [sflag:s11], $0x2000  }
0x12: {  	[sflag:s11] =	ssyncset.done $0x0  }
0x13: {  	[sflag:s11] =	ssyncadd.s32 $0xFFFFE000  }
0x14: {  	[tilespmem:s12], [sflag:$0x1] =	stream.linear.gather [hbm4b:s5+s10], $0x2000, $0x38;
	[tilespmem:$0xA800] =	vst v63  }
0x15: {  	_ =	swait.ge [sflag:s11], $0x2000  }
0x16: {  	[sflag:s11] =	ssyncset.done $0x0  }
0x17: {  	[sflag:s11] =	ssyncadd.s32 $0xFFFFE000  }
0x18: {  	[tilespmem:s13], [sflag:$0x1] =	stream.linear.gather [hbm4b:s6+s10], $0x2000, $0x38;
	[tilespmem:$0xA800] =	vst v63  }
0x19: {  	_ =	swait.ge [sflag:s11], $0x2000  }
0x1a: {  	[sflag:s11] =	ssyncset.done $0x0  }
0x1b: {  	[sflag:s11] =	ssyncadd.s32 $0xFFFFE000  }
0x1c: {  	[tilespmem:s14], [sflag:$0x1] =	stream.linear.gather [hbm4b:s2+s10], $0x2400, $0x38;
	[tilespmem:$0xA800] =	vst v63  }
0x1d: {  	_ =	swait.ge [sflag:s11], $0x2400  }
0x1e: {  	[sflag:s11] =	ssyncset.done $0x0  }
0x1f: {  	[sflag:s11] =	ssyncadd.s32 $0xFFFFDC00  }
0x20: {  	[tilespmem:s15], [sflag:$0x1] =	stream.linear.gather [hbm4b:s3+s10], $0x2400, $0x38;
	[tilespmem:$0xA800] =	vst v63  }
0x21: {  	_ =	swait.ge [sflag:s11], $0x2400  }
0x22: {  	[sflag:s11] =	ssyncset.done $0x0  }
0x23: {  	s19 =	simm.s32 $0x0;
	[sflag:s11] =	ssyncadd.s32 $0xFFFFDC00  }
0x24: {  	v0 =	vld [tilespmem:s19+$0x0];
	_ =	sdelay $0x2  }
0x25: {  	v1 =	vld [tilespmem:s19+$0x4000];
	_ =	sdelay $0x4  }
0x26: {  	[tilespmem:v0+s14+$0x0] =	vst.idx.msk $0xffff, v1  }
0x27: {  	s17 =	simm.s32 $0x40;
	s18 =	simm.s32 $0x80;
	v1 =	vld [tilespmem:s19+$0x2000]  }
.LBB2_3:
0x28: {  	_ =	sdelay $0x2  }
0x29: {  	p0 =	sne.s32 s18, $0x7FC0  }
0x2a: {  	s19 =	sshra.s32 s17, $0x2;
	s17 =	smov.u32 s18;
	s18 =	sadd.s32 $0x40, s18;
	[tilespmem:v0+s15+$0x0] =	vst.idx.msk $0xffff, v1  }
0x2b: {  	v0 =	vld [tilespmem:s19+$0x0];
	_ =	sdelay $0x2  }
0x2c: {  	v1 =	vld [tilespmem:s19+$0x4000];
	_ =	sdelay $0x1  }
.Ltmp1:
0x2d: {  	(pc) =	sbr.rel @p0 .LBB2_3-.Ltmp1, $3  }
0x2e: {  	_ =	sdelay $0x1  }
0x2f: {  	[tilespmem:v0+s14+$0x0] =	vst.idx.msk $0xffff, v1  }
0x30: {  	v1 =	vld [tilespmem:s19+$0x2000]  }
0x31: {  	_ =	sdelay $0x3  }
0x32: {  	s17 =	sshra.s32 s17, $0x2;
	[tilespmem:v0+s15+$0x0] =	vst.idx.msk $0xffff, v1  }
0x33: {  	v0 =	vld [tilespmem:s17+$0x0];
	_ =	sdelay $0x2  }
0x34: {  	v1 =	vld [tilespmem:s17+$0x4000];
	_ =	sdelay $0x4  }
0x35: {  	[tilespmem:v0+s14+$0x0] =	vst.idx.msk $0xffff, v1  }
0x36: {  	v1 =	vld [tilespmem:s17+$0x2000];
	_ =	sdelay $0x4  }
0x37: {  	[tilespmem:v0+s15+$0x0] =	vst.idx.msk $0xffff, v1  }
0x38: {  	[hbm4b:s7+s10] =	stream.linear.scatter [tilespmem:s14], [sflag:$0x1], $0x2400, $0x38;
	[tilespmem:$0xA800] =	vst v63  }
0x39: {  	s16 =	sadd.s32 $0x1, s16;
	_ =	swait.ge [sflag:s11], $0x2400  }
0x3a: {  	p0 =	sne.s32 s16, s9;
	[sflag:s11] =	ssyncset.done $0x0  }
.Ltmp2:
0x3b: {  	[sflag:s11] =	ssyncadd.s32 $0xFFFFDC00;
	(pc) =	sbr.rel @p0 .LBB2_2-.Ltmp2, $4  }
0x3c: {  	[hbm4b:s8+s10] =	stream.linear.scatter [tilespmem:s15], [sflag:$0x1], $0x2400, $0x38;
	[tilespmem:$0xA800] =	vst v63  }
0x3d: {  	_ =	swait.ge [sflag:s11], $0x2400  }
0x3e: {  	[sflag:s11] =	ssyncset.done $0x0  }
0x3f: {  	[sflag:s11] =	ssyncadd.s32 $0xFFFFDC00  }
.LBB2_5:
0x40: {  	_ =	sfence.sel $0x180000  }
0x41: {  	[bflag:$0x0] =	sbarrier.arrive $0xFFFF  }
0x42: {  	p0 =	sne.s32 s0, $0x0;
	_ =	strace $0x90000047  }
0x43: {  	s0 =	sadd.s32 @!p0 $0x100000, s1;
	[bflag:$0x2] =	sbarrier.arrive $0xFFFF  }
0x44: {  	[sflag:s0] =	ssyncadd.tile.s32 @!p0 $0x1;
	_ =	shalt  }
.Lfunc_end2:
_tile_overlayer_lowered:
.L_overlay_start_2:
0x45: {  	(tag) =	ssettag $0x2  }
0x46: {  	s0 =	rddreg [dreg:$0x0];
	s2 =	stileid.u32  }
0x47: {  	s1 =	rddreg [dreg:$0x1];
	p0 =	sne.s32 s2, $0x0  }
0x48: {  	s3 =	rddreg [dreg:$0x2];
	[bflag:$0x3] =	sbarrier.arrive $0xFFFF;
	s2 =	simm.s32 @!p0 $0x1C01  }
0x49: {  	[timem:s3], [sflag:s2] =	dma.local @!p0 [hbm:s0], s1  }
0x4a: {  	s0 =	simm.s32 @!p0 $0x1  }
0x4b: {  	_ =	swait.ge @!p0 [sflag:s0], s1  }
0x4c: {  	s1 =	ssub.s32 @!p0 $0x0, s1;
	[sflag:s0] =	ssyncset.done @!p0 $0x0  }
0x4d: {  	[sflag:s0] =	ssyncadd.s32 @!p0 s1  }
0x4e: {  	[bflag:$0x3] =	sbarrier.arrive $0xFFFF  }
0x4f: {  	_ =	shalt  }

</sc_bundles>
